<compile_context>
chip_gen: v7x
topology: tpu7x:2x2x1
jax: 0.10.2.dev20260603
libtpu: 0.0.44.dev20260713+nightly
codegen_flags: <defaults>
</compile_context>

<pallas_src>
import functools

import numpy as np
import jax
import jax.numpy as jnp
from jax import lax
from jax.experimental import pallas as pl
from jax.experimental.pallas import tpu as pltpu
from jax.experimental.pallas import tpu_sc as plsc

B, L = 4096, 50
N = B * L
V = 100000
D_P = 96
D_MODEL = 384

NW = 32
CH = 128

S = 5
NSEG = N // S
PER_W = NSEG // NW
NCH = PER_W // CH

MB = 2000
TB = 1024
SEG_BLOCKS = NSEG // TB


def _table_matmul_body(e_r, w_r, o0_r, o1_r, o2_r):
    x = jnp.dot(e_r[...], w_r[...], preferred_element_type=jnp.float32)
    o0_r[...] = x[:, 0:128]
    o1_r[...] = x[:, 128:256]
    o2_r[...] = x[:, 256:384]


def _tc_table_matmul(E, W):
    return pl.pallas_call(
        _table_matmul_body,
        grid=(V // MB,),
        in_specs=[
            pl.BlockSpec((MB, D_P), lambda i: (i, 0)),
            pl.BlockSpec((D_P, D_MODEL), lambda i: (0, 0)),
        ],
        out_specs=[pl.BlockSpec((MB, 128), lambda i: (i, 0))] * 3,
        out_shape=[jax.ShapeDtypeStruct((V, 128), jnp.float32)] * 3,
    )(E, W)


def _sc_gather_add(Ap3, Ab3, idx_p, idx_b):
    mesh = plsc.VectorSubcoreMesh(core_axis_name="c", subcore_axis_name="s")

    @functools.partial(
        pl.kernel,
        mesh=mesh,
        out_type=tuple(jax.ShapeDtypeStruct((NSEG, 128), jnp.float32)
                       for _ in range(3)),
        scratch_types=[
            pltpu.VMEM((NCH, CH), jnp.int32),
            pltpu.VMEM((NCH, CH), jnp.int32),
            pltpu.VMEM((CH, 128), jnp.float32),
            pltpu.VMEM((CH, 128), jnp.float32),
            pltpu.VMEM((CH, 128), jnp.float32),
            pltpu.SemaphoreType.DMA,
        ],
    )
    def k(ap0, ap1, ap2, ab0, ab1, ab2, ip_hbm, ib_hbm, o0, o1, o2,
          ipv, ibv, b0, b1, b2, sem):
        cid = lax.axis_index("c")
        sid = lax.axis_index("s")
        wid = sid * 2 + cid
        base = wid * PER_W
        pltpu.sync_copy(ip_hbm.at[wid], ipv)
        pltpu.sync_copy(ib_hbm.at[wid], ibv)
        aps = (ap0, ap1, ap2)
        abs_ = (ab0, ab1, ab2)
        outs = (o0, o1, o2)
        bufs = (b0, b1, b2)

        def body(j, carry):
            idx = ipv.at[j]
            cps = [pltpu.async_copy(aps[c].at[idx], bufs[c], sem)
                   for c in range(3)]
            for cp in cps:
                cp.wait()
            idxb = ibv.at[j]
            cps = [pltpu.async_copy(abs_[c].at[idxb], bufs[c], sem, add=True)
                   for c in range(3)]
            for cp in cps:
                cp.wait()
            row0 = base + j * CH
            for c in range(3):
                pltpu.sync_copy(bufs[c], outs[c].at[pl.ds(row0, CH)])
            return carry

        lax.fori_loop(0, NCH, body, 0)

    return k(*Ap3, *Ab3, idx_p, idx_b)


_INV_SQRT2 = np.float32(1.0 / np.sqrt(2.0))


def _mlp_body0(za_r, zb_r, zc_r, cp_r, sid_r, w1c_r, tsm_r, w2_r, b2_r,
               out_r):
    z1 = jnp.concatenate([za_r[...], zb_r[...], zc_r[...]], axis=-1)
    x = z1 + jnp.dot(cp_r[...], w1c_r[...],
                     preferred_element_type=jnp.float32)
    oh = (lax.broadcasted_iota(jnp.int32, (TB, 64), 1) == sid_r[...]
          ).astype(jnp.float32)
    x = x + jnp.dot(oh, tsm_r[...], preferred_element_type=jnp.float32)
    x = 0.5 * x * (1.0 + lax.erf(x * _INV_SQRT2))
    out_r[...] = (jnp.dot(x, w2_r[...], preferred_element_type=jnp.float32)
                  + b2_r[...])


def _mlp_body(prev_r, *rest):
    del prev_r
    _mlp_body0(*rest)


def _tc_mlp_seg(s, prev, z1a, z1b, z1c, cp, sidx, W1c, Tsm, W2, b2):
    base = s * SEG_BLOCKS
    specs = [
        pl.BlockSpec((TB, 128), lambda i: (i, 0)),
        pl.BlockSpec((TB, 128), lambda i: (i, 0)),
        pl.BlockSpec((TB, 128), lambda i: (i, 0)),
        pl.BlockSpec((TB, 21), lambda i: (base + i, 0)),
        pl.BlockSpec((TB, 1), lambda i: (base + i, 0)),
        pl.BlockSpec((21, D_MODEL), lambda i: (0, 0)),
        pl.BlockSpec((64, D_MODEL), lambda i: (0, 0)),
        pl.BlockSpec((D_MODEL, D_MODEL), lambda i: (0, 0)),
        pl.BlockSpec((1, D_MODEL), lambda i: (0, 0)),
    ]
    args = (z1a, z1b, z1c, cp, sidx, W1c, Tsm, W2, b2)
    if prev is None:
        body, aliases = _mlp_body0, {}
    else:
        body, aliases = _mlp_body, {0: 0}
        specs = [pl.BlockSpec(memory_space=pl.ANY)] + specs
        args = (prev,) + args
    return pl.pallas_call(
        body,
        grid=(SEG_BLOCKS,),
        in_specs=specs,
        out_specs=pl.BlockSpec((TB, D_MODEL), lambda i: (base + i, 0)),
        out_shape=jax.ShapeDtypeStruct((N, D_MODEL), jnp.float32),
        input_output_aliases=aliases,
    )(*args)


def kernel(pitcher_id, batter_id, p_throws_id, stand_id, inning_topbot_id,
           cont, profile, E_pitcher, E_batter, E_pthrows, E_stand, E_topbot,
           W1, b1, W2, b2):
    pid = pitcher_id.astype(jnp.int32).T.reshape(S, NW, NCH, CH)
    bid = batter_id.astype(jnp.int32).T.reshape(S, NW, NCH, CH)

    Ap3 = _tc_table_matmul(E_pitcher, W1[0:96])
    Ab3 = _tc_table_matmul(E_batter, W1[96:192])

    sidx = (p_throws_id.astype(jnp.int32) * 16
            + stand_id.astype(jnp.int32) * 4
            + inning_topbot_id.astype(jnp.int32)).T.reshape(N, 1)
    cp = jnp.concatenate([cont, profile], axis=-1).transpose(1, 0, 2).reshape(N, 21)

    Tsm = (jnp.dot(E_pthrows, W1[192:196])[:, None, None, :]
           + jnp.dot(E_stand, W1[196:200])[None, :, None, :]
           + jnp.dot(E_topbot, W1[200:204])[None, None, :, :]
           + b1[None, None, None, :]).reshape(64, D_MODEL)

    W1c = W1[204:225]
    b2r = b2[None, :]
    z1 = [_sc_gather_add(Ap3, Ab3, pid[s], bid[s]) for s in range(S)]
    out = None
    for s in range(S):
        z1a, z1b, z1c = z1[s]
        out = _tc_mlp_seg(s, out, z1a, z1b, z1c, cp, sidx, W1c, Tsm, W2, b2r)
    return out.reshape(L, B, D_MODEL).transpose(1, 0, 2)

# --- scband reference (transcript-rebuilt; emitter-appended) ---
"""Pipeline reference for scband-pre-action-encoder-69423851372568 (READ-ONLY COPY).

The authoritative reference and input builder live on the scoring server;
editing this copy changes nothing except your own understanding.
"""

import jax, jax.numpy as jnp
import numpy as np

B, L = 4096, 50
V_PLAYER = 100000
V_SMALL = 4
D_PLAYER, D_SMALL, D_MODEL = 96, 4, 384
N_CONT, N_PROF = 12, 9
IN_DIM = 2 * D_PLAYER + 3 * D_SMALL + N_CONT + N_PROF


def setup_inputs(seed: int = 0) -> dict:
    key = jax.random.key(seed)
    ks = jax.random.split(key, 16)
    pitcher_id = jax.random.randint(ks[0], (B, L), 0, V_PLAYER)
    batter_id = jax.random.randint(ks[1], (B, L), 0, V_PLAYER)
    p_throws_id = jax.random.randint(ks[2], (B, L), 0, V_SMALL)
    stand_id = jax.random.randint(ks[3], (B, L), 0, V_SMALL)
    inning_topbot_id = jax.random.randint(ks[4], (B, L), 0, V_SMALL)
    cont = jax.random.normal(ks[5], (B, L, N_CONT), dtype=jnp.float32)
    profile = jax.random.normal(ks[6], (B, L, N_PROF), dtype=jnp.float32)
    E_pitcher = jax.random.normal(ks[7], (V_PLAYER, D_PLAYER), dtype=jnp.float32) * 0.02
    E_batter = jax.random.normal(ks[8], (V_PLAYER, D_PLAYER), dtype=jnp.float32) * 0.02
    E_pthrows = jax.random.normal(ks[9], (V_SMALL, D_SMALL), dtype=jnp.float32) * 0.02
    E_stand = jax.random.normal(ks[10], (V_SMALL, D_SMALL), dtype=jnp.float32) * 0.02
    E_topbot = jax.random.normal(ks[11], (V_SMALL, D_SMALL), dtype=jnp.float32) * 0.02
    W1 = jax.random.normal(ks[12], (IN_DIM, D_MODEL), dtype=jnp.float32) * (1.0 / np.sqrt(IN_DIM))
    b1 = jnp.zeros((D_MODEL,), dtype=jnp.float32)
    W2 = jax.random.normal(ks[13], (D_MODEL, D_MODEL), dtype=jnp.float32) * (1.0 / np.sqrt(D_MODEL))
    b2 = jnp.zeros((D_MODEL,), dtype=jnp.float32)
    return {
        "pitcher_id": pitcher_id, "batter_id": batter_id, "p_throws_id": p_throws_id,
        "stand_id": stand_id, "inning_topbot_id": inning_topbot_id,
        "cont": cont, "profile": profile,
        "E_pitcher": E_pitcher, "E_batter": E_batter, "E_pthrows": E_pthrows,
        "E_stand": E_stand, "E_topbot": E_topbot,
        "W1": W1, "b1": b1, "W2": W2, "b2": b2,
    }


def reference(pitcher_id, batter_id, p_throws_id, stand_id, inning_topbot_id,
              cont, profile, E_pitcher, E_batter, E_pthrows, E_stand, E_topbot,
              W1, b1, W2, b2):
    # embedding lookups (gather)
    e_p = jnp.take(E_pitcher, pitcher_id, axis=0)
    e_b = jnp.take(E_batter, batter_id, axis=0)
    e_pt = jnp.take(E_pthrows, p_throws_id, axis=0)
    e_st = jnp.take(E_stand, stand_id, axis=0)
    e_ti = jnp.take(E_topbot, inning_topbot_id, axis=0)
    # frozen standardization buffers (identity stats: mean=0, std=1, clamped)
    cont_mean = jnp.zeros((N_CONT,), jnp.float32)
    cont_std = jnp.maximum(jnp.ones((N_CONT,), jnp.float32), 1e-06)
    prof_mean = jnp.zeros((N_PROF,), jnp.float32)
    prof_std = jnp.maximum(jnp.ones((N_PROF,), jnp.float32), 1e-06)
    cont_n = (cont - cont_mean) / cont_std
    profile_n = (profile - prof_mean) / prof_std
    h = jnp.concatenate([e_p, e_b, e_pt, e_st, e_ti, cont_n, profile_n], axis=-1)
    # proj: Linear -> GELU(exact) -> Dropout(eval: identity) -> Linear
    z = jnp.dot(h, W1) + b1
    z = jax.nn.gelu(z, approximate=False)
    out = jnp.dot(z, W2) + b2
    return out

if __name__ == "__main__":
    import jax
    _d = setup_inputs()
    print(jax.jit(kernel)(*tuple(_d.values())))

</pallas_src>

<mosaic_0001>
#map = affine_map<(d0, d1) -> (0, 0)>
#map1 = affine_map<(d0, d1) -> (0, 0, 0)>
module attributes {stable_mosaic.version = 14 : i64} {
  func.func @k(%arg0: i32, %arg1: i32, %arg2: memref<100000x128xf32, #tpu.memory_space<hbm>>, %arg3: memref<100000x128xf32, #tpu.memory_space<hbm>>, %arg4: memref<100000x128xf32, #tpu.memory_space<hbm>>, %arg5: memref<100000x128xf32, #tpu.memory_space<hbm>>, %arg6: memref<100000x128xf32, #tpu.memory_space<hbm>>, %arg7: memref<100000x128xf32, #tpu.memory_space<hbm>>, %arg8: memref<32x10x128xi32, #tpu.memory_space<hbm>>, %arg9: memref<32x10x128xi32, #tpu.memory_space<hbm>>, %arg10: memref<40960x128xf32, #tpu.memory_space<hbm>>, %arg11: memref<40960x128xf32, #tpu.memory_space<hbm>>, %arg12: memref<40960x128xf32, #tpu.memory_space<hbm>>, %arg13: memref<10x128xi32, #tpu.memory_space<vmem>>, %arg14: memref<10x128xi32, #tpu.memory_space<vmem>>, %arg15: memref<128x128xf32, #tpu.memory_space<vmem>>, %arg16: memref<128x128xf32, #tpu.memory_space<vmem>>, %arg17: memref<128x128xf32, #tpu.memory_space<vmem>>, %arg18: memref<!tpu.dma_semaphore, #tpu.memory_space<semaphore_mem>>) attributes {dimension_semantics = [#tpu.dimension_semantics<core_parallel>, #tpu.dimension_semantics<subcore_parallel>], iteration_bounds = array<i64: 2, 16>, scalar_prefetch = 0 : i64, scratch_operands = 6 : i64, tpu.core_type = #tpu.core_type<sc_vector_subcore>, window_params = [{transform_indices = #map}, {transform_indices = #map}, {transform_indices = #map}, {transform_indices = #map}, {transform_indices = #map}, {transform_indices = #map}, {transform_indices = #map1}, {transform_indices = #map1}, {transform_indices = #map}, {transform_indices = #map}, {transform_indices = #map}]} {
    %mul3A = arith.constant 2 : i32
    %mul3A_0 = arith.muli %arg1, %mul3A : i32
    %add3A = arith.addi %mul3A_0, %arg0 : i32
    %mul3A_1 = arith.constant 1280 : i32
    %mul3A_2 = arith.muli %add3A, %mul3A_1 : i32
    "tpu.region"() ({
      %run_scoped3A = tpu.sem_alloc : memref<!tpu.dma_semaphore, #tpu.memory_space<semaphore_mem>>
      %dma_start3A = arith.constant 0 : i32
      %dma_start3A_8 = arith.constant 0 : i32
      %dma_start3A_9 = tpu.memref_slice %arg8[%add3A, %dma_start3A, %dma_start3A_8] : memref<32x10x128xi32, #tpu.memory_space<hbm>> -> memref<1x10x128xi32, #tpu.memory_space<hbm>>
      %dma_start3A_10 = tpu.memref_squeeze %dma_start3A_9 : memref<1x10x128xi32, #tpu.memory_space<hbm>> -> memref<10x128xi32, #tpu.memory_space<hbm>>
      %dma_start3A_11 = arith.constant 0 : i32
      %dma_start3A_12 = arith.constant 0 : i32
      %dma_start3A_13 = tpu.memref_slice %arg8[%add3A, %dma_start3A_11, %dma_start3A_12] : memref<32x10x128xi32, #tpu.memory_space<hbm>> -> memref<1x10x128xi32, #tpu.memory_space<hbm>>
      %dma_start3A_14 = tpu.memref_squeeze %dma_start3A_13 : memref<1x10x128xi32, #tpu.memory_space<hbm>> -> memref<10x128xi32, #tpu.memory_space<hbm>>
      tpu.enqueue_dma source(%dma_start3A_14 : memref<10x128xi32, #tpu.memory_space<hbm>>) target(%arg13 : memref<10x128xi32, #tpu.memory_space<vmem>>) target_semaphore(%run_scoped3A : memref<!tpu.dma_semaphore, #tpu.memory_space<semaphore_mem>>)
      %dma_wait3A = arith.constant 0 : i32
      %dma_wait3A_15 = arith.constant 0 : i32
      %dma_wait3A_16 = tpu.memref_slice %arg8[%add3A, %dma_wait3A, %dma_wait3A_15] : memref<32x10x128xi32, #tpu.memory_space<hbm>> -> memref<1x10x128xi32, #tpu.memory_space<hbm>>
      %dma_wait3A_17 = tpu.memref_squeeze %dma_wait3A_16 : memref<1x10x128xi32, #tpu.memory_space<hbm>> -> memref<10x128xi32, #tpu.memory_space<hbm>>
      %dma_wait3A_18 = arith.constant 0 : i32
      %dma_wait3A_19 = arith.constant 0 : i32
      %dma_wait3A_20 = tpu.memref_slice %arg8[%add3A, %dma_wait3A_18, %dma_wait3A_19] : memref<32x10x128xi32, #tpu.memory_space<hbm>> -> memref<1x10x128xi32, #tpu.memory_space<hbm>>
      %dma_wait3A_21 = tpu.memref_squeeze %dma_wait3A_20 : memref<1x10x128xi32, #tpu.memory_space<hbm>> -> memref<10x128xi32, #tpu.memory_space<hbm>>
      tpu.wait_dma2 semaphore(%run_scoped3A : memref<!tpu.dma_semaphore, #tpu.memory_space<semaphore_mem>>) src(%dma_wait3A_21 : memref<10x128xi32, #tpu.memory_space<hbm>>) dst(%arg13 : memref<10x128xi32, #tpu.memory_space<vmem>>)
      tpu.yield
    }) : () -> ()
    "tpu.region"() ({
      %run_scoped3A = tpu.sem_alloc : memref<!tpu.dma_semaphore, #tpu.memory_space<semaphore_mem>>
      %dma_start3A = arith.constant 0 : i32
      %dma_start3A_8 = arith.constant 0 : i32
      %dma_start3A_9 = tpu.memref_slice %arg9[%add3A, %dma_start3A, %dma_start3A_8] : memref<32x10x128xi32, #tpu.memory_space<hbm>> -> memref<1x10x128xi32, #tpu.memory_space<hbm>>
      %dma_start3A_10 = tpu.memref_squeeze %dma_start3A_9 : memref<1x10x128xi32, #tpu.memory_space<hbm>> -> memref<10x128xi32, #tpu.memory_space<hbm>>
      %dma_start3A_11 = arith.constant 0 : i32
      %dma_start3A_12 = arith.constant 0 : i32
      %dma_start3A_13 = tpu.memref_slice %arg9[%add3A, %dma_start3A_11, %dma_start3A_12] : memref<32x10x128xi32, #tpu.memory_space<hbm>> -> memref<1x10x128xi32, #tpu.memory_space<hbm>>
      %dma_start3A_14 = tpu.memref_squeeze %dma_start3A_13 : memref<1x10x128xi32, #tpu.memory_space<hbm>> -> memref<10x128xi32, #tpu.memory_space<hbm>>
      tpu.enqueue_dma source(%dma_start3A_14 : memref<10x128xi32, #tpu.memory_space<hbm>>) target(%arg14 : memref<10x128xi32, #tpu.memory_space<vmem>>) target_semaphore(%run_scoped3A : memref<!tpu.dma_semaphore, #tpu.memory_space<semaphore_mem>>)
      %dma_wait3A = arith.constant 0 : i32
      %dma_wait3A_15 = arith.constant 0 : i32
      %dma_wait3A_16 = tpu.memref_slice %arg9[%add3A, %dma_wait3A, %dma_wait3A_15] : memref<32x10x128xi32, #tpu.memory_space<hbm>> -> memref<1x10x128xi32, #tpu.memory_space<hbm>>
      %dma_wait3A_17 = tpu.memref_squeeze %dma_wait3A_16 : memref<1x10x128xi32, #tpu.memory_space<hbm>> -> memref<10x128xi32, #tpu.memory_space<hbm>>
      %dma_wait3A_18 = arith.constant 0 : i32
      %dma_wait3A_19 = arith.constant 0 : i32
      %dma_wait3A_20 = tpu.memref_slice %arg9[%add3A, %dma_wait3A_18, %dma_wait3A_19] : memref<32x10x128xi32, #tpu.memory_space<hbm>> -> memref<1x10x128xi32, #tpu.memory_space<hbm>>
      %dma_wait3A_21 = tpu.memref_squeeze %dma_wait3A_20 : memref<1x10x128xi32, #tpu.memory_space<hbm>> -> memref<10x128xi32, #tpu.memory_space<hbm>>
      tpu.wait_dma2 semaphore(%run_scoped3A : memref<!tpu.dma_semaphore, #tpu.memory_space<semaphore_mem>>) src(%dma_wait3A_21 : memref<10x128xi32, #tpu.memory_space<hbm>>) dst(%arg14 : memref<10x128xi32, #tpu.memory_space<vmem>>)
      tpu.yield
    }) : () -> ()
    %scan3A = arith.constant 0 : i32
    %scan3A_3 = arith.constant 0 : i32
    %scan3A_4 = arith.constant 10 : i32
    %scan3A_5 = arith.addi %scan3A_3, %scan3A_4 : i32
    %scan3A_6 = arith.constant 1 : i32
    scf.for %scan3A_8 = %scan3A_3 to %scan3A_5 step %scan3A_6  : i32 {
      %dma_start3A = arith.constant 0 : i32
      %dma_start3A_9 = tpu.memref_slice %arg13[%scan3A_8, %dma_start3A] : memref<10x128xi32, #tpu.memory_space<vmem>> -> memref<1x128xi32, #tpu.memory_space<vmem>>
      %dma_start3A_10 = tpu.memref_squeeze %dma_start3A_9 : memref<1x128xi32, #tpu.memory_space<vmem>> -> memref<128xi32, #tpu.memory_space<vmem>>
      %dma_start3A_11 = arith.constant 0 : i32
      %dma_start3A_12 = arith.constant 0 : i32
      %dma_start3A_13 = tpu.memref_slice %arg2[%dma_start3A_11, %dma_start3A_12] : memref<100000x128xf32, #tpu.memory_space<hbm>> -> memref<100000x128xf32, #tpu.memory_space<hbm>>
      tpu.enqueue_indirect_dma source(%dma_start3A_13 : memref<100000x128xf32, #tpu.memory_space<hbm>>) target(%arg15 : memref<128x128xf32, #tpu.memory_space<vmem>>) offsets(%dma_start3A_10 : memref<128xi32, #tpu.memory_space<vmem>>) semaphore(%arg18 : memref<!tpu.dma_semaphore, #tpu.memory_space<semaphore_mem>>)
      %dma_start3A_14 = arith.constant 0 : i32
      %dma_start3A_15 = tpu.memref_slice %arg13[%scan3A_8, %dma_start3A_14] : memref<10x128xi32, #tpu.memory_space<vmem>> -> memref<1x128xi32, #tpu.memory_space<vmem>>
      %dma_start3A_16 = tpu.memref_squeeze %dma_start3A_15 : memref<1x128xi32, #tpu.memory_space<vmem>> -> memref<128xi32, #tpu.memory_space<vmem>>
      %dma_start3A_17 = arith.constant 0 : i32
      %dma_start3A_18 = arith.constant 0 : i32
      %dma_start3A_19 = tpu.memref_slice %arg3[%dma_start3A_17, %dma_start3A_18] : memref<100000x128xf32, #tpu.memory_space<hbm>> -> memref<100000x128xf32, #tpu.memory_space<hbm>>
      tpu.enqueue_indirect_dma source(%dma_start3A_19 : memref<100000x128xf32, #tpu.memory_space<hbm>>) target(%arg16 : memref<128x128xf32, #tpu.memory_space<vmem>>) offsets(%dma_start3A_16 : memref<128xi32, #tpu.memory_space<vmem>>) semaphore(%arg18 : memref<!tpu.dma_semaphore, #tpu.memory_space<semaphore_mem>>)
      %dma_start3A_20 = arith.constant 0 : i32
      %dma_start3A_21 = tpu.memref_slice %arg13[%scan3A_8, %dma_start3A_20] : memref<10x128xi32, #tpu.memory_space<vmem>> -> memref<1x128xi32, #tpu.memory_space<vmem>>
      %dma_start3A_22 = tpu.memref_squeeze %dma_start3A_21 : memref<1x128xi32, #tpu.memory_space<vmem>> -> memref<128xi32, #tpu.memory_space<vmem>>
      %dma_start3A_23 = arith.constant 0 : i32
      %dma_start3A_24 = arith.constant 0 : i32
      %dma_start3A_25 = tpu.memref_slice %arg4[%dma_start3A_23, %dma_start3A_24] : memref<100000x128xf32, #tpu.memory_space<hbm>> -> memref<100000x128xf32, #tpu.memory_space<hbm>>
      tpu.enqueue_indirect_dma source(%dma_start3A_25 : memref<100000x128xf32, #tpu.memory_space<hbm>>) target(%arg17 : memref<128x128xf32, #tpu.memory_space<vmem>>) offsets(%dma_start3A_22 : memref<128xi32, #tpu.memory_space<vmem>>) semaphore(%arg18 : memref<!tpu.dma_semaphore, #tpu.memory_space<semaphore_mem>>)
      %dma_wait3A = arith.constant 0 : i32
      %dma_wait3A_26 = tpu.memref_slice %arg13[%scan3A_8, %dma_wait3A] : memref<10x128xi32, #tpu.memory_space<vmem>> -> memref<1x128xi32, #tpu.memory_space<vmem>>
      %dma_wait3A_27 = tpu.memref_squeeze %dma_wait3A_26 : memref<1x128xi32, #tpu.memory_space<vmem>> -> memref<128xi32, #tpu.memory_space<vmem>>
      %dma_wait3A_28 = arith.constant 0 : i32
      %dma_wait3A_29 = arith.constant 0 : i32
      %dma_wait3A_30 = tpu.memref_slice %arg2[%dma_wait3A_28, %dma_wait3A_29] : memref<100000x128xf32, #tpu.memory_space<hbm>> -> memref<100000x128xf32, #tpu.memory_space<hbm>>
      tpu.wait_indirect_dma semaphore(%arg18 : memref<!tpu.dma_semaphore, #tpu.memory_space<semaphore_mem>>) src(%dma_wait3A_30 : memref<100000x128xf32, #tpu.memory_space<hbm>>) dst(%arg15 : memref<128x128xf32, #tpu.memory_space<vmem>>)
      %dma_wait3A_31 = arith.constant 0 : i32
      %dma_wait3A_32 = tpu.memref_slice %arg13[%scan3A_8, %dma_wait3A_31] : memref<10x128xi32, #tpu.memory_space<vmem>> -> memref<1x128xi32, #tpu.memory_space<vmem>>
      %dma_wait3A_33 = tpu.memref_squeeze %dma_wait3A_32 : memref<1x128xi32, #tpu.memory_space<vmem>> -> memref<128xi32, #tpu.memory_space<vmem>>
      %dma_wait3A_34 = arith.constant 0 : i32
      %dma_wait3A_35 = arith.constant 0 : i32
      %dma_wait3A_36 = tpu.memref_slice %arg3[%dma_wait3A_34, %dma_wait3A_35] : memref<100000x128xf32, #tpu.memory_space<hbm>> -> memref<100000x128xf32, #tpu.memory_space<hbm>>
      tpu.wait_indirect_dma semaphore(%arg18 : memref<!tpu.dma_semaphore, #tpu.memory_space<semaphore_mem>>) src(%dma_wait3A_36 : memref<100000x128xf32, #tpu.memory_space<hbm>>) dst(%arg16 : memref<128x128xf32, #tpu.memory_space<vmem>>)
      %dma_wait3A_37 = arith.constant 0 : i32
      %dma_wait3A_38 = tpu.memref_slice %arg13[%scan3A_8, %dma_wait3A_37] : memref<10x128xi32, #tpu.memory_space<vmem>> -> memref<1x128xi32, #tpu.memory_space<vmem>>
      %dma_wait3A_39 = tpu.memref_squeeze %dma_wait3A_38 : memref<1x128xi32, #tpu.memory_space<vmem>> -> memref<128xi32, #tpu.memory_space<vmem>>
      %dma_wait3A_40 = arith.constant 0 : i32
      %dma_wait3A_41 = arith.constant 0 : i32
      %dma_wait3A_42 = tpu.memref_slice %arg4[%dma_wait3A_40, %dma_wait3A_41] : memref<100000x128xf32, #tpu.memory_space<hbm>> -> memref<100000x128xf32, #tpu.memory_space<hbm>>
      tpu.wait_indirect_dma semaphore(%arg18 : memref<!tpu.dma_semaphore, #tpu.memory_space<semaphore_mem>>) src(%dma_wait3A_42 : memref<100000x128xf32, #tpu.memory_space<hbm>>) dst(%arg17 : memref<128x128xf32, #tpu.memory_space<vmem>>)
      %dma_start3A_43 = arith.constant 0 : i32
      %dma_start3A_44 = tpu.memref_slice %arg14[%scan3A_8, %dma_start3A_43] : memref<10x128xi32, #tpu.memory_space<vmem>> -> memref<1x128xi32, #tpu.memory_space<vmem>>
      %dma_start3A_45 = tpu.memref_squeeze %dma_start3A_44 : memref<1x128xi32, #tpu.memory_space<vmem>> -> memref<128xi32, #tpu.memory_space<vmem>>
      %dma_start3A_46 = arith.constant 0 : i32
      %dma_start3A_47 = arith.constant 0 : i32
      %dma_start3A_48 = tpu.memref_slice %arg5[%dma_start3A_46, %dma_start3A_47] : memref<100000x128xf32, #tpu.memory_space<hbm>> -> memref<100000x128xf32, #tpu.memory_space<hbm>>
      tpu.enqueue_indirect_dma source(%dma_start3A_48 : memref<100000x128xf32, #tpu.memory_space<hbm>>) target(%arg15 : memref<128x128xf32, #tpu.memory_space<vmem>>) offsets(%dma_start3A_45 : memref<128xi32, #tpu.memory_space<vmem>>) semaphore(%arg18 : memref<!tpu.dma_semaphore, #tpu.memory_space<semaphore_mem>>) {add = true}
      %dma_start3A_49 = arith.constant 0 : i32
      %dma_start3A_50 = tpu.memref_slice %arg14[%scan3A_8, %dma_start3A_49] : memref<10x128xi32, #tpu.memory_space<vmem>> -> memref<1x128xi32, #tpu.memory_space<vmem>>
      %dma_start3A_51 = tpu.memref_squeeze %dma_start3A_50 : memref<1x128xi32, #tpu.memory_space<vmem>> -> memref<128xi32, #tpu.memory_space<vmem>>
      %dma_start3A_52 = arith.constant 0 : i32
      %dma_start3A_53 = arith.constant 0 : i32
      %dma_start3A_54 = tpu.memref_slice %arg6[%dma_start3A_52, %dma_start3A_53] : memref<100000x128xf32, #tpu.memory_space<hbm>> -> memref<100000x128xf32, #tpu.memory_space<hbm>>
      tpu.enqueue_indirect_dma source(%dma_start3A_54 : memref<100000x128xf32, #tpu.memory_space<hbm>>) target(%arg16 : memref<128x128xf32, #tpu.memory_space<vmem>>) offsets(%dma_start3A_51 : memref<128xi32, #tpu.memory_space<vmem>>) semaphore(%arg18 : memref<!tpu.dma_semaphore, #tpu.memory_space<semaphore_mem>>) {add = true}
      %dma_start3A_55 = arith.constant 0 : i32
      %dma_start3A_56 = tpu.memref_slice %arg14[%scan3A_8, %dma_start3A_55] : memref<10x128xi32, #tpu.memory_space<vmem>> -> memref<1x128xi32, #tpu.memory_space<vmem>>
      %dma_start3A_57 = tpu.memref_squeeze %dma_start3A_56 : memref<1x128xi32, #tpu.memory_space<vmem>> -> memref<128xi32, #tpu.memory_space<vmem>>
      %dma_start3A_58 = arith.constant 0 : i32
      %dma_start3A_59 = arith.constant 0 : i32
      %dma_start3A_60 = tpu.memref_slice %arg7[%dma_start3A_58, %dma_start3A_59] : memref<100000x128xf32, #tpu.memory_space<hbm>> -> memref<100000x128xf32, #tpu.memory_space<hbm>>
      tpu.enqueue_indirect_dma source(%dma_start3A_60 : memref<100000x128xf32, #tpu.memory_space<hbm>>) target(%arg17 : memref<128x128xf32, #tpu.memory_space<vmem>>) offsets(%dma_start3A_57 : memref<128xi32, #tpu.memory_space<vmem>>) semaphore(%arg18 : memref<!tpu.dma_semaphore, #tpu.memory_space<semaphore_mem>>) {add = true}
      %dma_wait3A_61 = arith.constant 0 : i32
      %dma_wait3A_62 = tpu.memref_slice %arg14[%scan3A_8, %dma_wait3A_61] : memref<10x128xi32, #tpu.memory_space<vmem>> -> memref<1x128xi32, #tpu.memory_space<vmem>>
      %dma_wait3A_63 = tpu.memref_squeeze %dma_wait3A_62 : memref<1x128xi32, #tpu.memory_space<vmem>> -> memref<128xi32, #tpu.memory_space<vmem>>
      %dma_wait3A_64 = arith.constant 0 : i32
      %dma_wait3A_65 = arith.constant 0 : i32
      %dma_wait3A_66 = tpu.memref_slice %arg5[%dma_wait3A_64, %dma_wait3A_65] : memref<100000x128xf32, #tpu.memory_space<hbm>> -> memref<100000x128xf32, #tpu.memory_space<hbm>>
      tpu.wait_indirect_dma semaphore(%arg18 : memref<!tpu.dma_semaphore, #tpu.memory_space<semaphore_mem>>) src(%dma_wait3A_66 : memref<100000x128xf32, #tpu.memory_space<hbm>>) dst(%arg15 : memref<128x128xf32, #tpu.memory_space<vmem>>)
      %dma_wait3A_67 = arith.constant 0 : i32
      %dma_wait3A_68 = tpu.memref_slice %arg14[%scan3A_8, %dma_wait3A_67] : memref<10x128xi32, #tpu.memory_space<vmem>> -> memref<1x128xi32, #tpu.memory_space<vmem>>
      %dma_wait3A_69 = tpu.memref_squeeze %dma_wait3A_68 : memref<1x128xi32, #tpu.memory_space<vmem>> -> memref<128xi32, #tpu.memory_space<vmem>>
      %dma_wait3A_70 = arith.constant 0 : i32
      %dma_wait3A_71 = arith.constant 0 : i32
      %dma_wait3A_72 = tpu.memref_slice %arg6[%dma_wait3A_70, %dma_wait3A_71] : memref<100000x128xf32, #tpu.memory_space<hbm>> -> memref<100000x128xf32, #tpu.memory_space<hbm>>
      tpu.wait_indirect_dma semaphore(%arg18 : memref<!tpu.dma_semaphore, #tpu.memory_space<semaphore_mem>>) src(%dma_wait3A_72 : memref<100000x128xf32, #tpu.memory_space<hbm>>) dst(%arg16 : memref<128x128xf32, #tpu.memory_space<vmem>>)
      %dma_wait3A_73 = arith.constant 0 : i32
      %dma_wait3A_74 = tpu.memref_slice %arg14[%scan3A_8, %dma_wait3A_73] : memref<10x128xi32, #tpu.memory_space<vmem>> -> memref<1x128xi32, #tpu.memory_space<vmem>>
      %dma_wait3A_75 = tpu.memref_squeeze %dma_wait3A_74 : memref<1x128xi32, #tpu.memory_space<vmem>> -> memref<128xi32, #tpu.memory_space<vmem>>
      %dma_wait3A_76 = arith.constant 0 : i32
      %dma_wait3A_77 = arith.constant 0 : i32
      %dma_wait3A_78 = tpu.memref_slice %arg7[%dma_wait3A_76, %dma_wait3A_77] : memref<100000x128xf32, #tpu.memory_space<hbm>> -> memref<100000x128xf32, #tpu.memory_space<hbm>>
      tpu.wait_indirect_dma semaphore(%arg18 : memref<!tpu.dma_semaphore, #tpu.memory_space<semaphore_mem>>) src(%dma_wait3A_78 : memref<100000x128xf32, #tpu.memory_space<hbm>>) dst(%arg17 : memref<128x128xf32, #tpu.memory_space<vmem>>)
      %mul3A_79 = arith.constant 128 : i32
      %mul3A_80 = arith.muli %scan3A_8, %mul3A_79 : i32
      %add3A_81 = arith.addi %mul3A_2, %mul3A_80 : i32
      "tpu.region"() ({
        %run_scoped3A = tpu.sem_alloc : memref<!tpu.dma_semaphore, #tpu.memory_space<semaphore_mem>>
        %dma_start3A_82 = arith.constant 0 : i32
        %dma_start3A_83 = tpu.memref_slice %arg10[%add3A_81, %dma_start3A_82] : memref<40960x128xf32, #tpu.memory_space<hbm>> -> memref<128x128xf32, #tpu.memory_space<hbm>>
        %dma_start3A_84 = arith.constant 0 : i32
        %dma_start3A_85 = tpu.memref_slice %arg10[%add3A_81, %dma_start3A_84] : memref<40960x128xf32, #tpu.memory_space<hbm>> -> memref<128x128xf32, #tpu.memory_space<hbm>>
        tpu.enqueue_dma source(%arg15 : memref<128x128xf32, #tpu.memory_space<vmem>>) target(%dma_start3A_85 : memref<128x128xf32, #tpu.memory_space<hbm>>) target_semaphore(%run_scoped3A : memref<!tpu.dma_semaphore, #tpu.memory_space<semaphore_mem>>)
        %dma_wait3A_86 = arith.constant 0 : i32
        %dma_wait3A_87 = tpu.memref_slice %arg10[%add3A_81, %dma_wait3A_86] : memref<40960x128xf32, #tpu.memory_space<hbm>> -> memref<128x128xf32, #tpu.memory_space<hbm>>
        %dma_wait3A_88 = arith.constant 0 : i32
        %dma_wait3A_89 = tpu.memref_slice %arg10[%add3A_81, %dma_wait3A_88] : memref<40960x128xf32, #tpu.memory_space<hbm>> -> memref<128x128xf32, #tpu.memory_space<hbm>>
        tpu.wait_dma2 semaphore(%run_scoped3A : memref<!tpu.dma_semaphore, #tpu.memory_space<semaphore_mem>>) src(%arg15 : memref<128x128xf32, #tpu.memory_space<vmem>>) dst(%dma_wait3A_89 : memref<128x128xf32, #tpu.memory_space<hbm>>)
        tpu.yield
      }) : () -> ()
      "tpu.region"() ({
        %run_scoped3A = tpu.sem_alloc : memref<!tpu.dma_semaphore, #tpu.memory_space<semaphore_mem>>
        %dma_start3A_82 = arith.constant 0 : i32
        %dma_start3A_83 = tpu.memref_slice %arg11[%add3A_81, %dma_start3A_82] : memref<40960x128xf32, #tpu.memory_space<hbm>> -> memref<128x128xf32, #tpu.memory_space<hbm>>
        %dma_start3A_84 = arith.constant 0 : i32
        %dma_start3A_85 = tpu.memref_slice %arg11[%add3A_81, %dma_start3A_84] : memref<40960x128xf32, #tpu.memory_space<hbm>> -> memref<128x128xf32, #tpu.memory_space<hbm>>
        tpu.enqueue_dma source(%arg16 : memref<128x128xf32, #tpu.memory_space<vmem>>) target(%dma_start3A_85 : memref<128x128xf32, #tpu.memory_space<hbm>>) target_semaphore(%run_scoped3A : memref<!tpu.dma_semaphore, #tpu.memory_space<semaphore_mem>>)
        %dma_wait3A_86 = arith.constant 0 : i32
        %dma_wait3A_87 = tpu.memref_slice %arg11[%add3A_81, %dma_wait3A_86] : memref<40960x128xf32, #tpu.memory_space<hbm>> -> memref<128x128xf32, #tpu.memory_space<hbm>>
        %dma_wait3A_88 = arith.constant 0 : i32
        %dma_wait3A_89 = tpu.memref_slice %arg11[%add3A_81, %dma_wait3A_88] : memref<40960x128xf32, #tpu.memory_space<hbm>> -> memref<128x128xf32, #tpu.memory_space<hbm>>
        tpu.wait_dma2 semaphore(%run_scoped3A : memref<!tpu.dma_semaphore, #tpu.memory_space<semaphore_mem>>) src(%arg16 : memref<128x128xf32, #tpu.memory_space<vmem>>) dst(%dma_wait3A_89 : memref<128x128xf32, #tpu.memory_space<hbm>>)
        tpu.yield
      }) : () -> ()
      "tpu.region"() ({
        %run_scoped3A = tpu.sem_alloc : memref<!tpu.dma_semaphore, #tpu.memory_space<semaphore_mem>>
        %dma_start3A_82 = arith.constant 0 : i32
        %dma_start3A_83 = tpu.memref_slice %arg12[%add3A_81, %dma_start3A_82] : memref<40960x128xf32, #tpu.memory_space<hbm>> -> memref<128x128xf32, #tpu.memory_space<hbm>>
        %dma_start3A_84 = arith.constant 0 : i32
        %dma_start3A_85 = tpu.memref_slice %arg12[%add3A_81, %dma_start3A_84] : memref<40960x128xf32, #tpu.memory_space<hbm>> -> memref<128x128xf32, #tpu.memory_space<hbm>>
        tpu.enqueue_dma source(%arg17 : memref<128x128xf32, #tpu.memory_space<vmem>>) target(%dma_start3A_85 : memref<128x128xf32, #tpu.memory_space<hbm>>) target_semaphore(%run_scoped3A : memref<!tpu.dma_semaphore, #tpu.memory_space<semaphore_mem>>)
        %dma_wait3A_86 = arith.constant 0 : i32
        %dma_wait3A_87 = tpu.memref_slice %arg12[%add3A_81, %dma_wait3A_86] : memref<40960x128xf32, #tpu.memory_space<hbm>> -> memref<128x128xf32, #tpu.memory_space<hbm>>
        %dma_wait3A_88 = arith.constant 0 : i32
        %dma_wait3A_89 = tpu.memref_slice %arg12[%add3A_81, %dma_wait3A_88] : memref<40960x128xf32, #tpu.memory_space<hbm>> -> memref<128x128xf32, #tpu.memory_space<hbm>>
        tpu.wait_dma2 semaphore(%run_scoped3A : memref<!tpu.dma_semaphore, #tpu.memory_space<semaphore_mem>>) src(%arg17 : memref<128x128xf32, #tpu.memory_space<vmem>>) dst(%dma_wait3A_89 : memref<128x128xf32, #tpu.memory_space<hbm>>)
        tpu.yield
      }) : () -> ()
    }
    %scan3A_7 = arith.constant 10 : i32
    return
  }
}

#map = affine_map<(d0, d1) -> (0, 0)>
#map1 = affine_map<(d0, d1) -> (0, 0, 0)>
module attributes {stable_mosaic.version = 14 : i64} {
  func.func @k(%arg0: i32, %arg1: i32, %arg2: memref<100000x128xf32, #tpu.memory_space<hbm>>, %arg3: memref<100000x128xf32, #tpu.memory_space<hbm>>, %arg4: memref<100000x128xf32, #tpu.memory_space<hbm>>, %arg5: memref<100000x128xf32, #tpu.memory_space<hbm>>, %arg6: memref<100000x128xf32, #tpu.memory_space<hbm>>, %arg7: memref<100000x128xf32, #tpu.memory_space<hbm>>, %arg8: memref<32x10x128xi32, #tpu.memory_space<hbm>>, %arg9: memref<32x10x128xi32, #tpu.memory_space<hbm>>, %arg10: memref<40960x128xf32, #tpu.memory_space<hbm>>, %arg11: memref<40960x128xf32, #tpu.memory_space<hbm>>, %arg12: memref<40960x128xf32, #tpu.memory_space<hbm>>, %arg13: memref<10x128xi32, #tpu.memory_space<vmem>>, %arg14: memref<10x128xi32, #tpu.memory_space<vmem>>, %arg15: memref<128x128xf32, #tpu.memory_space<vmem>>, %arg16: memref<128x128xf32, #tpu.memory_space<vmem>>, %arg17: memref<128x128xf32, #tpu.memory_space<vmem>>, %arg18: memref<!tpu.dma_semaphore, #tpu.memory_space<semaphore_mem>>) attributes {dimension_semantics = [#tpu.dimension_semantics<core_parallel>, #tpu.dimension_semantics<subcore_parallel>], iteration_bounds = array<i64: 2, 16>, scalar_prefetch = 0 : i64, scratch_operands = 6 : i64, tpu.core_type = #tpu.core_type<sc_vector_subcore>, window_params = [{transform_indices = #map}, {transform_indices = #map}, {transform_indices = #map}, {transform_indices = #map}, {transform_indices = #map}, {transform_indices = #map}, {transform_indices = #map1}, {transform_indices = #map1}, {transform_indices = #map}, {transform_indices = #map}, {transform_indices = #map}]} {
    %mul3A = arith.constant 2 : i32
    %mul3A_0 = arith.muli %arg1, %mul3A : i32
    %add3A = arith.addi %mul3A_0, %arg0 : i32
    %mul3A_1 = arith.constant 1280 : i32
    %mul3A_2 = arith.muli %add3A, %mul3A_1 : i32
    "tpu.region"() ({
      %run_scoped3A = tpu.sem_alloc : memref<!tpu.dma_semaphore, #tpu.memory_space<semaphore_mem>>
      %dma_start3A = arith.constant 0 : i32
      %dma_start3A_8 = arith.constant 0 : i32
      %dma_start3A_9 = tpu.memref_slice %arg8[%add3A, %dma_start3A, %dma_start3A_8] : memref<32x10x128xi32, #tpu.memory_space<hbm>> -> memref<1x10x128xi32, #tpu.memory_space<hbm>>
      %dma_start3A_10 = tpu.memref_squeeze %dma_start3A_9 : memref<1x10x128xi32, #tpu.memory_space<hbm>> -> memref<10x128xi32, #tpu.memory_space<hbm>>
      %dma_start3A_11 = arith.constant 0 : i32
      %dma_start3A_12 = arith.constant 0 : i32
      %dma_start3A_13 = tpu.memref_slice %arg8[%add3A, %dma_start3A_11, %dma_start3A_12] : memref<32x10x128xi32, #tpu.memory_space<hbm>> -> memref<1x10x128xi32, #tpu.memory_space<hbm>>
      %dma_start3A_14 = tpu.memref_squeeze %dma_start3A_13 : memref<1x10x128xi32, #tpu.memory_space<hbm>> -> memref<10x128xi32, #tpu.memory_space<hbm>>
      tpu.enqueue_dma source(%dma_start3A_14 : memref<10x128xi32, #tpu.memory_space<hbm>>) target(%arg13 : memref<10x128xi32, #tpu.memory_space<vmem>>) target_semaphore(%run_scoped3A : memref<!tpu.dma_semaphore, #tpu.memory_space<semaphore_mem>>)
      %dma_wait3A = arith.constant 0 : i32
      %dma_wait3A_15 = arith.constant 0 : i32
      %dma_wait3A_16 = tpu.memref_slice %arg8[%add3A, %dma_wait3A, %dma_wait3A_15] : memref<32x10x128xi32, #tpu.memory_space<hbm>> -> memref<1x10x128xi32, #tpu.memory_space<hbm>>
      %dma_wait3A_17 = tpu.memref_squeeze %dma_wait3A_16 : memref<1x10x128xi32, #tpu.memory_space<hbm>> -> memref<10x128xi32, #tpu.memory_space<hbm>>
      %dma_wait3A_18 = arith.constant 0 : i32
      %dma_wait3A_19 = arith.constant 0 : i32
      %dma_wait3A_20 = tpu.memref_slice %arg8[%add3A, %dma_wait3A_18, %dma_wait3A_19] : memref<32x10x128xi32, #tpu.memory_space<hbm>> -> memref<1x10x128xi32, #tpu.memory_space<hbm>>
      %dma_wait3A_21 = tpu.memref_squeeze %dma_wait3A_20 : memref<1x10x128xi32, #tpu.memory_space<hbm>> -> memref<10x128xi32, #tpu.memory_space<hbm>>
      tpu.wait_dma2 semaphore(%run_scoped3A : memref<!tpu.dma_semaphore, #tpu.memory_space<semaphore_mem>>) src(%dma_wait3A_21 : memref<10x128xi32, #tpu.memory_space<hbm>>) dst(%arg13 : memref<10x128xi32, #tpu.memory_space<vmem>>)
      tpu.yield
    }) : () -> ()
    "tpu.region"() ({
      %run_scoped3A = tpu.sem_alloc : memref<!tpu.dma_semaphore, #tpu.memory_space<semaphore_mem>>
      %dma_start3A = arith.constant 0 : i32
      %dma_start3A_8 = arith.constant 0 : i32
      %dma_start3A_9 = tpu.memref_slice %arg9[%add3A, %dma_start3A, %dma_start3A_8] : memref<32x10x128xi32, #tpu.memory_space<hbm>> -> memref<1x10x128xi32, #tpu.memory_space<hbm>>
      %dma_start3A_10 = tpu.memref_squeeze %dma_start3A_9 : memref<1x10x128xi32, #tpu.memory_space<hbm>> -> memref<10x128xi32, #tpu.memory_space<hbm>>
      %dma_start3A_11 = arith.constant 0 : i32
      %dma_start3A_12 = arith.constant 0 : i32
      %dma_start3A_13 = tpu.memref_slice %arg9[%add3A, %dma_start3A_11, %dma_start3A_12] : memref<32x10x128xi32, #tpu.memory_space<hbm>> -> memref<1x10x128xi32, #tpu.memory_space<hbm>>
      %dma_start3A_14 = tpu.memref_squeeze %dma_start3A_13 : memref<1x10x128xi32, #tpu.memory_space<hbm>> -> memref<10x128xi32, #tpu.memory_space<hbm>>
      tpu.enqueue_dma source(%dma_start3A_14 : memref<10x128xi32, #tpu.memory_space<hbm>>) target(%arg14 : memref<10x128xi32, #tpu.memory_space<vmem>>) target_semaphore(%run_scoped3A : memref<!tpu.dma_semaphore, #tpu.memory_space<semaphore_mem>>)
      %dma_wait3A = arith.constant 0 : i32
      %dma_wait3A_15 = arith.constant 0 : i32
      %dma_wait3A_16 = tpu.memref_slice %arg9[%add3A, %dma_wait3A, %dma_wait3A_15] : memref<32x10x128xi32, #tpu.memory_space<hbm>> -> memref<1x10x128xi32, #tpu.memory_space<hbm>>
      %dma_wait3A_17 = tpu.memref_squeeze %dma_wait3A_16 : memref<1x10x128xi32, #tpu.memory_space<hbm>> -> memref<10x128xi32, #tpu.memory_space<hbm>>
      %dma_wait3A_18 = arith.constant 0 : i32
      %dma_wait3A_19 = arith.constant 0 : i32
      %dma_wait3A_20 = tpu.memref_slice %arg9[%add3A, %dma_wait3A_18, %dma_wait3A_19] : memref<32x10x128xi32, #tpu.memory_space<hbm>> -> memref<1x10x128xi32, #tpu.memory_space<hbm>>
      %dma_wait3A_21 = tpu.memref_squeeze %dma_wait3A_20 : memref<1x10x128xi32, #tpu.memory_space<hbm>> -> memref<10x128xi32, #tpu.memory_space<hbm>>
      tpu.wait_dma2 semaphore(%run_scoped3A : memref<!tpu.dma_semaphore, #tpu.memory_space<semaphore_mem>>) src(%dma_wait3A_21 : memref<10x128xi32, #tpu.memory_space<hbm>>) dst(%arg14 : memref<10x128xi32, #tpu.memory_space<vmem>>)
      tpu.yield
    }) : () -> ()
    %scan3A = arith.constant 0 : i32
    %scan3A_3 = arith.constant 0 : i32
    %scan3A_4 = arith.constant 10 : i32
    %scan3A_5 = arith.addi %scan3A_3, %scan3A_4 : i32
    %scan3A_6 = arith.constant 1 : i32
    scf.for %scan3A_8 = %scan3A_3 to %scan3A_5 step %scan3A_6  : i32 {
      %dma_start3A = arith.constant 0 : i32
      %dma_start3A_9 = tpu.memref_slice %arg13[%scan3A_8, %dma_start3A] : memref<10x128xi32, #tpu.memory_space<vmem>> -> memref<1x128xi32, #tpu.memory_space<vmem>>
      %dma_start3A_10 = tpu.memref_squeeze %dma_start3A_9 : memref<1x128xi32, #tpu.memory_space<vmem>> -> memref<128xi32, #tpu.memory_space<vmem>>
      %dma_start3A_11 = arith.constant 0 : i32
      %dma_start3A_12 = arith.constant 0 : i32
      %dma_start3A_13 = tpu.memref_slice %arg2[%dma_start3A_11, %dma_start3A_12] : memref<100000x128xf32, #tpu.memory_space<hbm>> -> memref<100000x128xf32, #tpu.memory_space<hbm>>
      tpu.enqueue_indirect_dma source(%dma_start3A_13 : memref<100000x128xf32, #tpu.memory_space<hbm>>) target(%arg15 : memref<128x128xf32, #tpu.memory_space<vmem>>) offsets(%dma_start3A_10 : memref<128xi32, #tpu.memory_space<vmem>>) semaphore(%arg18 : memref<!tpu.dma_semaphore, #tpu.memory_space<semaphore_mem>>)
      %dma_start3A_14 = arith.constant 0 : i32
      %dma_start3A_15 = tpu.memref_slice %arg13[%scan3A_8, %dma_start3A_14] : memref<10x128xi32, #tpu.memory_space<vmem>> -> memref<1x128xi32, #tpu.memory_space<vmem>>
      %dma_start3A_16 = tpu.memref_squeeze %dma_start3A_15 : memref<1x128xi32, #tpu.memory_space<vmem>> -> memref<128xi32, #tpu.memory_space<vmem>>
      %dma_start3A_17 = arith.constant 0 : i32
      %dma_start3A_18 = arith.constant 0 : i32
      %dma_start3A_19 = tpu.memref_slice %arg3[%dma_start3A_17, %dma_start3A_18] : memref<100000x128xf32, #tpu.memory_space<hbm>> -> memref<100000x128xf32, #tpu.memory_space<hbm>>
      tpu.enqueue_indirect_dma source(%dma_start3A_19 : memref<100000x128xf32, #tpu.memory_space<hbm>>) target(%arg16 : memref<128x128xf32, #tpu.memory_space<vmem>>) offsets(%dma_start3A_16 : memref<128xi32, #tpu.memory_space<vmem>>) semaphore(%arg18 : memref<!tpu.dma_semaphore, #tpu.memory_space<semaphore_mem>>)
      %dma_start3A_20 = arith.constant 0 : i32
      %dma_start3A_21 = tpu.memref_slice %arg13[%scan3A_8, %dma_start3A_20] : memref<10x128xi32, #tpu.memory_space<vmem>> -> memref<1x128xi32, #tpu.memory_space<vmem>>
      %dma_start3A_22 = tpu.memref_squeeze %dma_start3A_21 : memref<1x128xi32, #tpu.memory_space<vmem>> -> memref<128xi32, #tpu.memory_space<vmem>>
      %dma_start3A_23 = arith.constant 0 : i32
      %dma_start3A_24 = arith.constant 0 : i32
      %dma_start3A_25 = tpu.memref_slice %arg4[%dma_start3A_23, %dma_start3A_24] : memref<100000x128xf32, #tpu.memory_space<hbm>> -> memref<100000x128xf32, #tpu.memory_space<hbm>>
      tpu.enqueue_indirect_dma source(%dma_start3A_25 : memref<100000x128xf32, #tpu.memory_space<hbm>>) target(%arg17 : memref<128x128xf32, #tpu.memory_space<vmem>>) offsets(%dma_start3A_22 : memref<128xi32, #tpu.memory_space<vmem>>) semaphore(%arg18 : memref<!tpu.dma_semaphore, #tpu.memory_space<semaphore_mem>>)
      %dma_wait3A = arith.constant 0 : i32
      %dma_wait3A_26 = tpu.memref_slice %arg13[%scan3A_8, %dma_wait3A] : memref<10x128xi32, #tpu.memory_space<vmem>> -> memref<1x128xi32, #tpu.memory_space<vmem>>
      %dma_wait3A_27 = tpu.memref_squeeze %dma_wait3A_26 : memref<1x128xi32, #tpu.memory_space<vmem>> -> memref<128xi32, #tpu.memory_space<vmem>>
      %dma_wait3A_28 = arith.constant 0 : i32
      %dma_wait3A_29 = arith.constant 0 : i32
      %dma_wait3A_30 = tpu.memref_slice %arg2[%dma_wait3A_28, %dma_wait3A_29] : memref<100000x128xf32, #tpu.memory_space<hbm>> -> memref<100000x128xf32, #tpu.memory_space<hbm>>
      tpu.wait_indirect_dma semaphore(%arg18 : memref<!tpu.dma_semaphore, #tpu.memory_space<semaphore_mem>>) src(%dma_wait3A_30 : memref<100000x128xf32, #tpu.memory_space<hbm>>) dst(%arg15 : memref<128x128xf32, #tpu.memory_space<vmem>>)
      %dma_wait3A_31 = arith.constant 0 : i32
      %dma_wait3A_32 = tpu.memref_slice %arg13[%scan3A_8, %dma_wait3A_31] : memref<10x128xi32, #tpu.memory_space<vmem>> -> memref<1x128xi32, #tpu.memory_space<vmem>>
      %dma_wait3A_33 = tpu.memref_squeeze %dma_wait3A_32 : memref<1x128xi32, #tpu.memory_space<vmem>> -> memref<128xi32, #tpu.memory_space<vmem>>
      %dma_wait3A_34 = arith.constant 0 : i32
      %dma_wait3A_35 = arith.constant 0 : i32
      %dma_wait3A_36 = tpu.memref_slice %arg3[%dma_wait3A_34, %dma_wait3A_35] : memref<100000x128xf32, #tpu.memory_space<hbm>> -> memref<100000x128xf32, #tpu.memory_space<hbm>>
      tpu.wait_indirect_dma semaphore(%arg18 : memref<!tpu.dma_semaphore, #tpu.memory_space<semaphore_mem>>) src(%dma_wait3A_36 : memref<100000x128xf32, #tpu.memory_space<hbm>>) dst(%arg16 : memref<128x128xf32, #tpu.memory_space<vmem>>)
      %dma_wait3A_37 = arith.constant 0 : i32
      %dma_wait3A_38 = tpu.memref_slice %arg13[%scan3A_8, %dma_wait3A_37] : memref<10x128xi32, #tpu.memory_space<vmem>> -> memref<1x128xi32, #tpu.memory_space<vmem>>
      %dma_wait3A_39 = tpu.memref_squeeze %dma_wait3A_38 : memref<1x128xi32, #tpu.memory_space<vmem>> -> memref<128xi32, #tpu.memory_space<vmem>>
      %dma_wait3A_40 = arith.constant 0 : i32
      %dma_wait3A_41 = arith.constant 0 : i32
      %dma_wait3A_42 = tpu.memref_slice %arg4[%dma_wait3A_40, %dma_wait3A_41] : memref<100000x128xf32, #tpu.memory_space<hbm>> -> memref<100000x128xf32, #tpu.memory_space<hbm>>
      tpu.wait_indirect_dma semaphore(%arg18 : memref<!tpu.dma_semaphore, #tpu.memory_space<semaphore_mem>>) src(%dma_wait3A_42 : memref<100000x128xf32, #tpu.memory_space<hbm>>) dst(%arg17 : memref<128x128xf32, #tpu.memory_space<vmem>>)
      %dma_start3A_43 = arith.constant 0 : i32
      %dma_start3A_44 = tpu.memref_slice %arg14[%scan3A_8, %dma_start3A_43] : memref<10x128xi32, #tpu.memory_space<vmem>> -> memref<1x128xi32, #tpu.memory_space<vmem>>
      %dma_start3A_45 = tpu.memref_squeeze %dma_start3A_44 : memref<1x128xi32, #tpu.memory_space<vmem>> -> memref<128xi32, #tpu.memory_space<vmem>>
      %dma_start3A_46 = arith.constant 0 : i32
      %dma_start3A_47 = arith.constant 0 : i32
      %dma_start3A_48 = tpu.memref_slice %arg5[%dma_start3A_46, %dma_start3A_47] : memref<100000x128xf32, #tpu.memory_space<hbm>> -> memref<100000x128xf32, #tpu.memory_space<hbm>>
      tpu.enqueue_indirect_dma source(%dma_start3A_48 : memref<100000x128xf32, #tpu.memory_space<hbm>>) target(%arg15 : memref<128x128xf32, #tpu.memory_space<vmem>>) offsets(%dma_start3A_45 : memref<128xi32, #tpu.memory_space<vmem>>) semaphore(%arg18 : memref<!tpu.dma_semaphore, #tpu.memory_space<semaphore_mem>>) {add = true}
      %dma_start3A_49 = arith.constant 0 : i32
      %dma_start3A_50 = tpu.memref_slice %arg14[%scan3A_8, %dma_start3A_49] : memref<10x128xi32, #tpu.memory_space<vmem>> -> memref<1x128xi32, #tpu.memory_space<vmem>>
      %dma_start3A_51 = tpu.memref_squeeze %dma_start3A_50 : memref<1x128xi32, #tpu.memory_space<vmem>> -> memref<128xi32, #tpu.memory_space<vmem>>
      %dma_start3A_52 = arith.constant 0 : i32
      %dma_start3A_53 = arith.constant 0 : i32
      %dma_start3A_54 = tpu.memref_slice %arg6[%dma_start3A_52, %dma_start3A_53] : memref<100000x128xf32, #tpu.memory_space<hbm>> -> memref<100000x128xf32, #tpu.memory_space<hbm>>
      tpu.enqueue_indirect_dma source(%dma_start3A_54 : memref<100000x128xf32, #tpu.memory_space<hbm>>) target(%arg16 : memref<128x128xf32, #tpu.memory_space<vmem>>) offsets(%dma_start3A_51 : memref<128xi32, #tpu.memory_space<vmem>>) semaphore(%arg18 : memref<!tpu.dma_semaphore, #tpu.memory_space<semaphore_mem>>) {add = true}
      %dma_start3A_55 = arith.constant 0 : i32
      %dma_start3A_56 = tpu.memref_slice %arg14[%scan3A_8, %dma_start3A_55] : memref<10x128xi32, #tpu.memory_space<vmem>> -> memref<1x128xi32, #tpu.memory_space<vmem>>
      %dma_start3A_57 = tpu.memref_squeeze %dma_start3A_56 : memref<1x128xi32, #tpu.memory_space<vmem>> -> memref<128xi32, #tpu.memory_space<vmem>>
      %dma_start3A_58 = arith.constant 0 : i32
      %dma_start3A_59 = arith.constant 0 : i32
      %dma_start3A_60 = tpu.memref_slice %arg7[%dma_start3A_58, %dma_start3A_59] : memref<100000x128xf32, #tpu.memory_space<hbm>> -> memref<100000x128xf32, #tpu.memory_space<hbm>>
      tpu.enqueue_indirect_dma source(%dma_start3A_60 : memref<100000x128xf32, #tpu.memory_space<hbm>>) target(%arg17 : memref<128x128xf32, #tpu.memory_space<vmem>>) offsets(%dma_start3A_57 : memref<128xi32, #tpu.memory_space<vmem>>) semaphore(%arg18 : memref<!tpu.dma_semaphore, #tpu.memory_space<semaphore_mem>>) {add = true}
      %dma_wait3A_61 = arith.constant 0 : i32
      %dma_wait3A_62 = tpu.memref_slice %arg14[%scan3A_8, %dma_wait3A_61] : memref<10x128xi32, #tpu.memory_space<vmem>> -> memref<1x128xi32, #tpu.memory_space<vmem>>
      %dma_wait3A_63 = tpu.memref_squeeze %dma_wait3A_62 : memref<1x128xi32, #tpu.memory_space<vmem>> -> memref<128xi32, #tpu.memory_space<vmem>>
      %dma_wait3A_64 = arith.constant 0 : i32
      %dma_wait3A_65 = arith.constant 0 : i32
      %dma_wait3A_66 = tpu.memref_slice %arg5[%dma_wait3A_64, %dma_wait3A_65] : memref<100000x128xf32, #tpu.memory_space<hbm>> -> memref<100000x128xf32, #tpu.memory_space<hbm>>
      tpu.wait_indirect_dma semaphore(%arg18 : memref<!tpu.dma_semaphore, #tpu.memory_space<semaphore_mem>>) src(%dma_wait3A_66 : memref<100000x128xf32, #tpu.memory_space<hbm>>) dst(%arg15 : memref<128x128xf32, #tpu.memory_space<vmem>>)
      %dma_wait3A_67 = arith.constant 0 : i32
      %dma_wait3A_68 = tpu.memref_slice %arg14[%scan3A_8, %dma_wait3A_67] : memref<10x128xi32, #tpu.memory_space<vmem>> -> memref<1x128xi32, #tpu.memory_space<vmem>>
      %dma_wait3A_69 = tpu.memref_squeeze %dma_wait3A_68 : memref<1x128xi32, #tpu.memory_space<vmem>> -> memref<128xi32, #tpu.memory_space<vmem>>
      %dma_wait3A_70 = arith.constant 0 : i32
      %dma_wait3A_71 = arith.constant 0 : i32
      %dma_wait3A_72 = tpu.memref_slice %arg6[%dma_wait3A_70, %dma_wait3A_71] : memref<100000x128xf32, #tpu.memory_space<hbm>> -> memref<100000x128xf32, #tpu.memory_space<hbm>>
      tpu.wait_indirect_dma semaphore(%arg18 : memref<!tpu.dma_semaphore, #tpu.memory_space<semaphore_mem>>) src(%dma_wait3A_72 : memref<100000x128xf32, #tpu.memory_space<hbm>>) dst(%arg16 : memref<128x128xf32, #tpu.memory_space<vmem>>)
      %dma_wait3A_73 = arith.constant 0 : i32
      %dma_wait3A_74 = tpu.memref_slice %arg14[%scan3A_8, %dma_wait3A_73] : memref<10x128xi32, #tpu.memory_space<vmem>> -> memref<1x128xi32, #tpu.memory_space<vmem>>
      %dma_wait3A_75 = tpu.memref_squeeze %dma_wait3A_74 : memref<1x128xi32, #tpu.memory_space<vmem>> -> memref<128xi32, #tpu.memory_space<vmem>>
      %dma_wait3A_76 = arith.constant 0 : i32
      %dma_wait3A_77 = arith.constant 0 : i32
      %dma_wait3A_78 = tpu.memref_slice %arg7[%dma_wait3A_76, %dma_wait3A_77] : memref<100000x128xf32, #tpu.memory_space<hbm>> -> memref<100000x128xf32, #tpu.memory_space<hbm>>
      tpu.wait_indirect_dma semaphore(%arg18 : memref<!tpu.dma_semaphore, #tpu.memory_space<semaphore_mem>>) src(%dma_wait3A_78 : memref<100000x128xf32, #tpu.memory_space<hbm>>) dst(%arg17 : memref<128x128xf32, #tpu.memory_space<vmem>>)
      %mul3A_79 = arith.constant 128 : i32
      %mul3A_80 = arith.muli %scan3A_8, %mul3A_79 : i32
      %add3A_81 = arith.addi %mul3A_2, %mul3A_80 : i32
      "tpu.region"() ({
        %run_scoped3A = tpu.sem_alloc : memref<!tpu.dma_semaphore, #tpu.memory_space<semaphore_mem>>
        %dma_start3A_82 = arith.constant 0 : i32
        %dma_start3A_83 = tpu.memref_slice %arg10[%add3A_81, %dma_start3A_82] : memref<40960x128xf32, #tpu.memory_space<hbm>> -> memref<128x128xf32, #tpu.memory_space<hbm>>
        %dma_start3A_84 = arith.constant 0 : i32
        %dma_start3A_85 = tpu.memref_slice %arg10[%add3A_81, %dma_start3A_84] : memref<40960x128xf32, #tpu.memory_space<hbm>> -> memref<128x128xf32, #tpu.memory_space<hbm>>
        tpu.enqueue_dma source(%arg15 : memref<128x128xf32, #tpu.memory_space<vmem>>) target(%dma_start3A_85 : memref<128x128xf32, #tpu.memory_space<hbm>>) target_semaphore(%run_scoped3A : memref<!tpu.dma_semaphore, #tpu.memory_space<semaphore_mem>>)
        %dma_wait3A_86 = arith.constant 0 : i32
        %dma_wait3A_87 = tpu.memref_slice %arg10[%add3A_81, %dma_wait3A_86] : memref<40960x128xf32, #tpu.memory_space<hbm>> -> memref<128x128xf32, #tpu.memory_space<hbm>>
        %dma_wait3A_88 = arith.constant 0 : i32
        %dma_wait3A_89 = tpu.memref_slice %arg10[%add3A_81, %dma_wait3A_88] : memref<40960x128xf32, #tpu.memory_space<hbm>> -> memref<128x128xf32, #tpu.memory_space<hbm>>
        tpu.wait_dma2 semaphore(%run_scoped3A : memref<!tpu.dma_semaphore, #tpu.memory_space<semaphore_mem>>) src(%arg15 : memref<128x128xf32, #tpu.memory_space<vmem>>) dst(%dma_wait3A_89 : memref<128x128xf32, #tpu.memory_space<hbm>>)
        tpu.yield
      }) : () -> ()
      "tpu.region"() ({
        %run_scoped3A = tpu.sem_alloc : memref<!tpu.dma_semaphore, #tpu.memory_space<semaphore_mem>>
        %dma_start3A_82 = arith.constant 0 : i32
        %dma_start3A_83 = tpu.memref_slice %arg11[%add3A_81, %dma_start3A_82] : memref<40960x128xf32, #tpu.memory_space<hbm>> -> memref<128x128xf32, #tpu.memory_space<hbm>>
        %dma_start3A_84 = arith.constant 0 : i32
        %dma_start3A_85 = tpu.memref_slice %arg11[%add3A_81, %dma_start3A_84] : memref<40960x128xf32, #tpu.memory_space<hbm>> -> memref<128x128xf32, #tpu.memory_space<hbm>>
        tpu.enqueue_dma source(%arg16 : memref<128x128xf32, #tpu.memory_space<vmem>>) target(%dma_start3A_85 : memref<128x128xf32, #tpu.memory_space<hbm>>) target_semaphore(%run_scoped3A : memref<!tpu.dma_semaphore, #tpu.memory_space<semaphore_mem>>)
        %dma_wait3A_86 = arith.constant 0 : i32
        %dma_wait3A_87 = tpu.memref_slice %arg11[%add3A_81, %dma_wait3A_86] : memref<40960x128xf32, #tpu.memory_space<hbm>> -> memref<128x128xf32, #tpu.memory_space<hbm>>
        %dma_wait3A_88 = arith.constant 0 : i32
        %dma_wait3A_89 = tpu.memref_slice %arg11[%add3A_81, %dma_wait3A_88] : memref<40960x128xf32, #tpu.memory_space<hbm>> -> memref<128x128xf32, #tpu.memory_space<hbm>>
        tpu.wait_dma2 semaphore(%run_scoped3A : memref<!tpu.dma_semaphore, #tpu.memory_space<semaphore_mem>>) src(%arg16 : memref<128x128xf32, #tpu.memory_space<vmem>>) dst(%dma_wait3A_89 : memref<128x128xf32, #tpu.memory_space<hbm>>)
        tpu.yield
      }) : () -> ()
      "tpu.region"() ({
        %run_scoped3A = tpu.sem_alloc : memref<!tpu.dma_semaphore, #tpu.memory_space<semaphore_mem>>
        %dma_start3A_82 = arith.constant 0 : i32
        %dma_start3A_83 = tpu.memref_slice %arg12[%add3A_81, %dma_start3A_82] : memref<40960x128xf32, #tpu.memory_space<hbm>> -> memref<128x128xf32, #tpu.memory_space<hbm>>
        %dma_start3A_84 = arith.constant 0 : i32
        %dma_start3A_85 = tpu.memref_slice %arg12[%add3A_81, %dma_start3A_84] : memref<40960x128xf32, #tpu.memory_space<hbm>> -> memref<128x128xf32, #tpu.memory_space<hbm>>
        tpu.enqueue_dma source(%arg17 : memref<128x128xf32, #tpu.memory_space<vmem>>) target(%dma_start3A_85 : memref<128x128xf32, #tpu.memory_space<hbm>>) target_semaphore(%run_scoped3A : memref<!tpu.dma_semaphore, #tpu.memory_space<semaphore_mem>>)
        %dma_wait3A_86 = arith.constant 0 : i32
        %dma_wait3A_87 = tpu.memref_slice %arg12[%add3A_81, %dma_wait3A_86] : memref<40960x128xf32, #tpu.memory_space<hbm>> -> memref<128x128xf32, #tpu.memory_space<hbm>>
        %dma_wait3A_88 = arith.constant 0 : i32
        %dma_wait3A_89 = tpu.memref_slice %arg12[%add3A_81, %dma_wait3A_88] : memref<40960x128xf32, #tpu.memory_space<hbm>> -> memref<128x128xf32, #tpu.memory_space<hbm>>
        tpu.wait_dma2 semaphore(%run_scoped3A : memref<!tpu.dma_semaphore, #tpu.memory_space<semaphore_mem>>) src(%arg17 : memref<128x128xf32, #tpu.memory_space<vmem>>) dst(%dma_wait3A_89 : memref<128x128xf32, #tpu.memory_space<hbm>>)
        tpu.yield
      }) : () -> ()
    }
    %scan3A_7 = arith.constant 10 : i32
    return
  }
}

#map = affine_map<(d0, d1) -> (0, 0)>
#map1 = affine_map<(d0, d1) -> (0, 0, 0)>
module attributes {stable_mosaic.version = 14 : i64} {
  func.func @k(%arg0: i32, %arg1: i32, %arg2: memref<100000x128xf32, #tpu.memory_space<hbm>>, %arg3: memref<100000x128xf32, #tpu.memory_space<hbm>>, %arg4: memref<100000x128xf32, #tpu.memory_space<hbm>>, %arg5: memref<100000x128xf32, #tpu.memory_space<hbm>>, %arg6: memref<100000x128xf32, #tpu.memory_space<hbm>>, %arg7: memref<100000x128xf32, #tpu.memory_space<hbm>>, %arg8: memref<32x10x128xi32, #tpu.memory_space<hbm>>, %arg9: memref<32x10x128xi32, #tpu.memory_space<hbm>>, %arg10: memref<40960x128xf32, #tpu.memory_space<hbm>>, %arg11: memref<40960x128xf32, #tpu.memory_space<hbm>>, %arg12: memref<40960x128xf32, #tpu.memory_space<hbm>>, %arg13: memref<10x128xi32, #tpu.memory_space<vmem>>, %arg14: memref<10x128xi32, #tpu.memory_space<vmem>>, %arg15: memref<128x128xf32, #tpu.memory_space<vmem>>, %arg16: memref<128x128xf32, #tpu.memory_space<vmem>>, %arg17: memref<128x128xf32, #tpu.memory_space<vmem>>, %arg18: memref<!tpu.dma_semaphore, #tpu.memory_space<semaphore_mem>>) attributes {dimension_semantics = [#tpu.dimension_semantics<core_parallel>, #tpu.dimension_semantics<subcore_parallel>], iteration_bounds = array<i64: 2, 16>, scalar_prefetch = 0 : i64, scratch_operands = 6 : i64, tpu.core_type = #tpu.core_type<sc_vector_subcore>, window_params = [{transform_indices = #map}, {transform_indices = #map}, {transform_indices = #map}, {transform_indices = #map}, {transform_indices = #map}, {transform_indices = #map}, {transform_indices = #map1}, {transform_indices = #map1}, {transform_indices = #map}, {transform_indices = #map}, {transform_indices = #map}]} {
    %mul3A = arith.constant 2 : i32
    %mul3A_0 = arith.muli %arg1, %mul3A : i32
    %add3A = arith.addi %mul3A_0, %arg0 : i32
    %mul3A_1 = arith.constant 1280 : i32
    %mul3A_2 = arith.muli %add3A, %mul3A_1 : i32
    "tpu.region"() ({
      %run_scoped3A = tpu.sem_alloc : memref<!tpu.dma_semaphore, #tpu.memory_space<semaphore_mem>>
      %dma_start3A = arith.constant 0 : i32
      %dma_start3A_8 = arith.constant 0 : i32
      %dma_start3A_9 = tpu.memref_slice %arg8[%add3A, %dma_start3A, %dma_start3A_8] : memref<32x10x128xi32, #tpu.memory_space<hbm>> -> memref<1x10x128xi32, #tpu.memory_space<hbm>>
      %dma_start3A_10 = tpu.memref_squeeze %dma_start3A_9 : memref<1x10x128xi32, #tpu.memory_space<hbm>> -> memref<10x128xi32, #tpu.memory_space<hbm>>
      %dma_start3A_11 = arith.constant 0 : i32
      %dma_start3A_12 = arith.constant 0 : i32
      %dma_start3A_13 = tpu.memref_slice %arg8[%add3A, %dma_start3A_11, %dma_start3A_12] : memref<32x10x128xi32, #tpu.memory_space<hbm>> -> memref<1x10x128xi32, #tpu.memory_space<hbm>>
      %dma_start3A_14 = tpu.memref_squeeze %dma_start3A_13 : memref<1x10x128xi32, #tpu.memory_space<hbm>> -> memref<10x128xi32, #tpu.memory_space<hbm>>
      tpu.enqueue_dma source(%dma_start3A_14 : memref<10x128xi32, #tpu.memory_space<hbm>>) target(%arg13 : memref<10x128xi32, #tpu.memory_space<vmem>>) target_semaphore(%run_scoped3A : memref<!tpu.dma_semaphore, #tpu.memory_space<semaphore_mem>>)
      %dma_wait3A = arith.constant 0 : i32
      %dma_wait3A_15 = arith.constant 0 : i32
      %dma_wait3A_16 = tpu.memref_slice %arg8[%add3A, %dma_wait3A, %dma_wait3A_15] : memref<32x10x128xi32, #tpu.memory_space<hbm>> -> memref<1x10x128xi32, #tpu.memory_space<hbm>>
      %dma_wait3A_17 = tpu.memref_squeeze %dma_wait3A_16 : memref<1x10x128xi32, #tpu.memory_space<hbm>> -> memref<10x128xi32, #tpu.memory_space<hbm>>
      %dma_wait3A_18 = arith.constant 0 : i32
      %dma_wait3A_19 = arith.constant 0 : i32
      %dma_wait3A_20 = tpu.memref_slice %arg8[%add3A, %dma_wait3A_18, %dma_wait3A_19] : memref<32x10x128xi32, #tpu.memory_space<hbm>> -> memref<1x10x128xi32, #tpu.memory_space<hbm>>
      %dma_wait3A_21 = tpu.memref_squeeze %dma_wait3A_20 : memref<1x10x128xi32, #tpu.memory_space<hbm>> -> memref<10x128xi32, #tpu.memory_space<hbm>>
      tpu.wait_dma2 semaphore(%run_scoped3A : memref<!tpu.dma_semaphore, #tpu.memory_space<semaphore_mem>>) src(%dma_wait3A_21 : memref<10x128xi32, #tpu.memory_space<hbm>>) dst(%arg13 : memref<10x128xi32, #tpu.memory_space<vmem>>)
      tpu.yield
    }) : () -> ()
    "tpu.region"() ({
      %run_scoped3A = tpu.sem_alloc : memref<!tpu.dma_semaphore, #tpu.memory_space<semaphore_mem>>
      %dma_start3A = arith.constant 0 : i32
      %dma_start3A_8 = arith.constant 0 : i32
      %dma_start3A_9 = tpu.memref_slice %arg9[%add3A, %dma_start3A, %dma_start3A_8] : memref<32x10x128xi32, #tpu.memory_space<hbm>> -> memref<1x10x128xi32, #tpu.memory_space<hbm>>
      %dma_start3A_10 = tpu.memref_squeeze %dma_start3A_9 : memref<1x10x128xi32, #tpu.memory_space<hbm>> -> memref<10x128xi32, #tpu.memory_space<hbm>>
      %dma_start3A_11 = arith.constant 0 : i32
      %dma_start3A_12 = arith.constant 0 : i32
      %dma_start3A_13 = tpu.memref_slice %arg9[%add3A, %dma_start3A_11, %dma_start3A_12] : memref<32x10x128xi32, #tpu.memory_space<hbm>> -> memref<1x10x128xi32, #tpu.memory_space<hbm>>
      %dma_start3A_14 = tpu.memref_squeeze %dma_start3A_13 : memref<1x10x128xi32, #tpu.memory_space<hbm>> -> memref<10x128xi32, #tpu.memory_space<hbm>>
      tpu.enqueue_dma source(%dma_start3A_14 : memref<10x128xi32, #tpu.memory_space<hbm>>) target(%arg14 : memref<10x128xi32, #tpu.memory_space<vmem>>) target_semaphore(%run_scoped3A : memref<!tpu.dma_semaphore, #tpu.memory_space<semaphore_mem>>)
      %dma_wait3A = arith.constant 0 : i32
      %dma_wait3A_15 = arith.constant 0 : i32
      %dma_wait3A_16 = tpu.memref_slice %arg9[%add3A, %dma_wait3A, %dma_wait3A_15] : memref<32x10x128xi32, #tpu.memory_space<hbm>> -> memref<1x10x128xi32, #tpu.memory_space<hbm>>
      %dma_wait3A_17 = tpu.memref_squeeze %dma_wait3A_16 : memref<1x10x128xi32, #tpu.memory_space<hbm>> -> memref<10x128xi32, #tpu.memory_space<hbm>>
      %dma_wait3A_18 = arith.constant 0 : i32
      %dma_wait3A_19 = arith.constant 0 : i32
      %dma_wait3A_20 = tpu.memref_slice %arg9[%add3A, %dma_wait3A_18, %dma_wait3A_19] : memref<32x10x128xi32, #tpu.memory_space<hbm>> -> memref<1x10x128xi32, #tpu.memory_space<hbm>>
      %dma_wait3A_21 = tpu.memref_squeeze %dma_wait3A_20 : memref<1x10x128xi32, #tpu.memory_space<hbm>> -> memref<10x128xi32, #tpu.memory_space<hbm>>
      tpu.wait_dma2 semaphore(%run_scoped3A : memref<!tpu.dma_semaphore, #tpu.memory_space<semaphore_mem>>) src(%dma_wait3A_21 : memref<10x128xi32, #tpu.memory_space<hbm>>) dst(%arg14 : memref<10x128xi32, #tpu.memory_space<vmem>>)
      tpu.yield
    }) : () -> ()
    %scan3A = arith.constant 0 : i32
    %scan3A_3 = arith.constant 0 : i32
    %scan3A_4 = arith.constant 10 : i32
    %scan3A_5 = arith.addi %scan3A_3, %scan3A_4 : i32
    %scan3A_6 = arith.constant 1 : i32
    scf.for %scan3A_8 = %scan3A_3 to %scan3A_5 step %scan3A_6  : i32 {
      %dma_start3A = arith.constant 0 : i32
      %dma_start3A_9 = tpu.memref_slice %arg13[%scan3A_8, %dma_start3A] : memref<10x128xi32, #tpu.memory_space<vmem>> -> memref<1x128xi32, #tpu.memory_space<vmem>>
      %dma_start3A_10 = tpu.memref_squeeze %dma_start3A_9 : memref<1x128xi32, #tpu.memory_space<vmem>> -> memref<128xi32, #tpu.memory_space<vmem>>
      %dma_start3A_11 = arith.constant 0 : i32
      %dma_start3A_12 = arith.constant 0 : i32
      %dma_start3A_13 = tpu.memref_slice %arg2[%dma_start3A_11, %dma_start3A_12] : memref<100000x128xf32, #tpu.memory_space<hbm>> -> memref<100000x128xf32, #tpu.memory_space<hbm>>
      tpu.enqueue_indirect_dma source(%dma_start3A_13 : memref<100000x128xf32, #tpu.memory_space<hbm>>) target(%arg15 : memref<128x128xf32, #tpu.memory_space<vmem>>) offsets(%dma_start3A_10 : memref<128xi32, #tpu.memory_space<vmem>>) semaphore(%arg18 : memref<!tpu.dma_semaphore, #tpu.memory_space<semaphore_mem>>)
      %dma_start3A_14 = arith.constant 0 : i32
      %dma_start3A_15 = tpu.memref_slice %arg13[%scan3A_8, %dma_start3A_14] : memref<10x128xi32, #tpu.memory_space<vmem>> -> memref<1x128xi32, #tpu.memory_space<vmem>>
      %dma_start3A_16 = tpu.memref_squeeze %dma_start3A_15 : memref<1x128xi32, #tpu.memory_space<vmem>> -> memref<128xi32, #tpu.memory_space<vmem>>
      %dma_start3A_17 = arith.constant 0 : i32
      %dma_start3A_18 = arith.constant 0 : i32
      %dma_start3A_19 = tpu.memref_slice %arg3[%dma_start3A_17, %dma_start3A_18] : memref<100000x128xf32, #tpu.memory_space<hbm>> -> memref<100000x128xf32, #tpu.memory_space<hbm>>
      tpu.enqueue_indirect_dma source(%dma_start3A_19 : memref<100000x128xf32, #tpu.memory_space<hbm>>) target(%arg16 : memref<128x128xf32, #tpu.memory_space<vmem>>) offsets(%dma_start3A_16 : memref<128xi32, #tpu.memory_space<vmem>>) semaphore(%arg18 : memref<!tpu.dma_semaphore, #tpu.memory_space<semaphore_mem>>)
      %dma_start3A_20 = arith.constant 0 : i32
      %dma_start3A_21 = tpu.memref_slice %arg13[%scan3A_8, %dma_start3A_20] : memref<10x128xi32, #tpu.memory_space<vmem>> -> memref<1x128xi32, #tpu.memory_space<vmem>>
      %dma_start3A_22 = tpu.memref_squeeze %dma_start3A_21 : memref<1x128xi32, #tpu.memory_space<vmem>> -> memref<128xi32, #tpu.memory_space<vmem>>
      %dma_start3A_23 = arith.constant 0 : i32
      %dma_start3A_24 = arith.constant 0 : i32
      %dma_start3A_25 = tpu.memref_slice %arg4[%dma_start3A_23, %dma_start3A_24] : memref<100000x128xf32, #tpu.memory_space<hbm>> -> memref<100000x128xf32, #tpu.memory_space<hbm>>
      tpu.enqueue_indirect_dma source(%dma_start3A_25 : memref<100000x128xf32, #tpu.memory_space<hbm>>) target(%arg17 : memref<128x128xf32, #tpu.memory_space<vmem>>) offsets(%dma_start3A_22 : memref<128xi32, #tpu.memory_space<vmem>>) semaphore(%arg18 : memref<!tpu.dma_semaphore, #tpu.memory_space<semaphore_mem>>)
      %dma_wait3A = arith.constant 0 : i32
      %dma_wait3A_26 = tpu.memref_slice %arg13[%scan3A_8, %dma_wait3A] : memref<10x128xi32, #tpu.memory_space<vmem>> -> memref<1x128xi32, #tpu.memory_space<vmem>>
      %dma_wait3A_27 = tpu.memref_squeeze %dma_wait3A_26 : memref<1x128xi32, #tpu.memory_space<vmem>> -> memref<128xi32, #tpu.memory_space<vmem>>
      %dma_wait3A_28 = arith.constant 0 : i32
      %dma_wait3A_29 = arith.constant 0 : i32
      %dma_wait3A_30 = tpu.memref_slice %arg2[%dma_wait3A_28, %dma_wait3A_29] : memref<100000x128xf32, #tpu.memory_space<hbm>> -> memref<100000x128xf32, #tpu.memory_space<hbm>>
      tpu.wait_indirect_dma semaphore(%arg18 : memref<!tpu.dma_semaphore, #tpu.memory_space<semaphore_mem>>) src(%dma_wait3A_30 : memref<100000x128xf32, #tpu.memory_space<hbm>>) dst(%arg15 : memref<128x128xf32, #tpu.memory_space<vmem>>)
      %dma_wait3A_31 = arith.constant 0 : i32
      %dma_wait3A_32 = tpu.memref_slice %arg13[%scan3A_8, %dma_wait3A_31] : memref<10x128xi32, #tpu.memory_space<vmem>> -> memref<1x128xi32, #tpu.memory_space<vmem>>
      %dma_wait3A_33 = tpu.memref_squeeze %dma_wait3A_32 : memref<1x128xi32, #tpu.memory_space<vmem>> -> memref<128xi32, #tpu.memory_space<vmem>>
      %dma_wait3A_34 = arith.constant 0 : i32
      %dma_wait3A_35 = arith.constant 0 : i32
      %dma_wait3A_36 = tpu.memref_slice %arg3[%dma_wait3A_34, %dma_wait3A_35] : memref<100000x128xf32, #tpu.memory_space<hbm>> -> memref<100000x128xf32, #tpu.memory_space<hbm>>
      tpu.wait_indirect_dma semaphore(%arg18 : memref<!tpu.dma_semaphore, #tpu.memory_space<semaphore_mem>>) src(%dma_wait3A_36 : memref<100000x128xf32, #tpu.memory_space<hbm>>) dst(%arg16 : memref<128x128xf32, #tpu.memory_space<vmem>>)
      %dma_wait3A_37 = arith.constant 0 : i32
      %dma_wait3A_38 = tpu.memref_slice %arg13[%scan3A_8, %dma_wait3A_37] : memref<10x128xi32, #tpu.memory_space<vmem>> -> memref<1x128xi32, #tpu.memory_space<vmem>>
      %dma_wait3A_39 = tpu.memref_squeeze %dma_wait3A_38 : memref<1x128xi32, #tpu.memory_space<vmem>> -> memref<128xi32, #tpu.memory_space<vmem>>
      %dma_wait3A_40 = arith.constant 0 : i32
      %dma_wait3A_41 = arith.constant 0 : i32
      %dma_wait3A_42 = tpu.memref_slice %arg4[%dma_wait3A_40, %dma_wait3A_41] : memref<100000x128xf32, #tpu.memory_space<hbm>> -> memref<100000x128xf32, #tpu.memory_space<hbm>>
      tpu.wait_indirect_dma semaphore(%arg18 : memref<!tpu.dma_semaphore, #tpu.memory_space<semaphore_mem>>) src(%dma_wait3A_42 : memref<100000x128xf32, #tpu.memory_space<hbm>>) dst(%arg17 : memref<128x128xf32, #tpu.memory_space<vmem>>)
      %dma_start3A_43 = arith.constant 0 : i32
      %dma_start3A_44 = tpu.memref_slice %arg14[%scan3A_8, %dma_start3A_43] : memref<10x128xi32, #tpu.memory_space<vmem>> -> memref<1x128xi32, #tpu.memory_space<vmem>>
      %dma_start3A_45 = tpu.memref_squeeze %dma_start3A_44 : memref<1x128xi32, #tpu.memory_space<vmem>> -> memref<128xi32, #tpu.memory_space<vmem>>
      %dma_start3A_46 = arith.constant 0 : i32
      %dma_start3A_47 = arith.constant 0 : i32
      %dma_start3A_48 = tpu.memref_slice %arg5[%dma_start3A_46, %dma_start3A_47] : memref<100000x128xf32, #tpu.memory_space<hbm>> -> memref<100000x128xf32, #tpu.memory_space<hbm>>
      tpu.enqueue_indirect_dma source(%dma_start3A_48 : memref<100000x128xf32, #tpu.memory_space<hbm>>) target(%arg15 : memref<128x128xf32, #tpu.memory_space<vmem>>) offsets(%dma_start3A_45 : memref<128xi32, #tpu.memory_space<vmem>>) semaphore(%arg18 : memref<!tpu.dma_semaphore, #tpu.memory_space<semaphore_mem>>) {add = true}
      %dma_start3A_49 = arith.constant 0 : i32
      %dma_start3A_50 = tpu.memref_slice %arg14[%scan3A_8, %dma_start3A_49] : memref<10x128xi32, #tpu.memory_space<vmem>> -> memref<1x128xi32, #tpu.memory_space<vmem>>
      %dma_start3A_51 = tpu.memref_squeeze %dma_start3A_50 : memref<1x128xi32, #tpu.memory_space<vmem>> -> memref<128xi32, #tpu.memory_space<vmem>>
      %dma_start3A_52 = arith.constant 0 : i32
      %dma_start3A_53 = arith.constant 0 : i32
      %dma_start3A_54 = tpu.memref_slice %arg6[%dma_start3A_52, %dma_start3A_53] : memref<100000x128xf32, #tpu.memory_space<hbm>> -> memref<100000x128xf32, #tpu.memory_space<hbm>>
      tpu.enqueue_indirect_dma source(%dma_start3A_54 : memref<100000x128xf32, #tpu.memory_space<hbm>>) target(%arg16 : memref<128x128xf32, #tpu.memory_space<vmem>>) offsets(%dma_start3A_51 : memref<128xi32, #tpu.memory_space<vmem>>) semaphore(%arg18 : memref<!tpu.dma_semaphore, #tpu.memory_space<semaphore_mem>>) {add = true}
      %dma_start3A_55 = arith.constant 0 : i32
      %dma_start3A_56 = tpu.memref_slice %arg14[%scan3A_8, %dma_start3A_55] : memref<10x128xi32, #tpu.memory_space<vmem>> -> memref<1x128xi32, #tpu.memory_space<vmem>>
      %dma_start3A_57 = tpu.memref_squeeze %dma_start3A_56 : memref<1x128xi32, #tpu.memory_space<vmem>> -> memref<128xi32, #tpu.memory_space<vmem>>
      %dma_start3A_58 = arith.constant 0 : i32
      %dma_start3A_59 = arith.constant 0 : i32
      %dma_start3A_60 = tpu.memref_slice %arg7[%dma_start3A_58, %dma_start3A_59] : memref<100000x128xf32, #tpu.memory_space<hbm>> -> memref<100000x128xf32, #tpu.memory_space<hbm>>
      tpu.enqueue_indirect_dma source(%dma_start3A_60 : memref<100000x128xf32, #tpu.memory_space<hbm>>) target(%arg17 : memref<128x128xf32, #tpu.memory_space<vmem>>) offsets(%dma_start3A_57 : memref<128xi32, #tpu.memory_space<vmem>>) semaphore(%arg18 : memref<!tpu.dma_semaphore, #tpu.memory_space<semaphore_mem>>) {add = true}
      %dma_wait3A_61 = arith.constant 0 : i32
      %dma_wait3A_62 = tpu.memref_slice %arg14[%scan3A_8, %dma_wait3A_61] : memref<10x128xi32, #tpu.memory_space<vmem>> -> memref<1x128xi32, #tpu.memory_space<vmem>>
      %dma_wait3A_63 = tpu.memref_squeeze %dma_wait3A_62 : memref<1x128xi32, #tpu.memory_space<vmem>> -> memref<128xi32, #tpu.memory_space<vmem>>
      %dma_wait3A_64 = arith.constant 0 : i32
      %dma_wait3A_65 = arith.constant 0 : i32
      %dma_wait3A_66 = tpu.memref_slice %arg5[%dma_wait3A_64, %dma_wait3A_65] : memref<100000x128xf32, #tpu.memory_space<hbm>> -> memref<100000x128xf32, #tpu.memory_space<hbm>>
      tpu.wait_indirect_dma semaphore(%arg18 : memref<!tpu.dma_semaphore, #tpu.memory_space<semaphore_mem>>) src(%dma_wait3A_66 : memref<100000x128xf32, #tpu.memory_space<hbm>>) dst(%arg15 : memref<128x128xf32, #tpu.memory_space<vmem>>)
      %dma_wait3A_67 = arith.constant 0 : i32
      %dma_wait3A_68 = tpu.memref_slice %arg14[%scan3A_8, %dma_wait3A_67] : memref<10x128xi32, #tpu.memory_space<vmem>> -> memref<1x128xi32, #tpu.memory_space<vmem>>
      %dma_wait3A_69 = tpu.memref_squeeze %dma_wait3A_68 : memref<1x128xi32, #tpu.memory_space<vmem>> -> memref<128xi32, #tpu.memory_space<vmem>>
      %dma_wait3A_70 = arith.constant 0 : i32
      %dma_wait3A_71 = arith.constant 0 : i32
      %dma_wait3A_72 = tpu.memref_slice %arg6[%dma_wait3A_70, %dma_wait3A_71] : memref<100000x128xf32, #tpu.memory_space<hbm>> -> memref<100000x128xf32, #tpu.memory_space<hbm>>
      tpu.wait_indirect_dma semaphore(%arg18 : memref<!tpu.dma_semaphore, #tpu.memory_space<semaphore_mem>>) src(%dma_wait3A_72 : memref<100000x128xf32, #tpu.memory_space<hbm>>) dst(%arg16 : memref<128x128xf32, #tpu.memory_space<vmem>>)
      %dma_wait3A_73 = arith.constant 0 : i32
      %dma_wait3A_74 = tpu.memref_slice %arg14[%scan3A_8, %dma_wait3A_73] : memref<10x128xi32, #tpu.memory_space<vmem>> -> memref<1x128xi32, #tpu.memory_space<vmem>>
      %dma_wait3A_75 = tpu.memref_squeeze %dma_wait3A_74 : memref<1x128xi32, #tpu.memory_space<vmem>> -> memref<128xi32, #tpu.memory_space<vmem>>
      %dma_wait3A_76 = arith.constant 0 : i32
      %dma_wait3A_77 = arith.constant 0 : i32
      %dma_wait3A_78 = tpu.memref_slice %arg7[%dma_wait3A_76, %dma_wait3A_77] : memref<100000x128xf32, #tpu.memory_space<hbm>> -> memref<100000x128xf32, #tpu.memory_space<hbm>>
      tpu.wait_indirect_dma semaphore(%arg18 : memref<!tpu.dma_semaphore, #tpu.memory_space<semaphore_mem>>) src(%dma_wait3A_78 : memref<100000x128xf32, #tpu.memory_space<hbm>>) dst(%arg17 : memref<128x128xf32, #tpu.memory_space<vmem>>)
      %mul3A_79 = arith.constant 128 : i32
      %mul3A_80 = arith.muli %scan3A_8, %mul3A_79 : i32
      %add3A_81 = arith.addi %mul3A_2, %mul3A_80 : i32
      "tpu.region"() ({
        %run_scoped3A = tpu.sem_alloc : memref<!tpu.dma_semaphore, #tpu.memory_space<semaphore_mem>>
        %dma_start3A_82 = arith.constant 0 : i32
        %dma_start3A_83 = tpu.memref_slice %arg10[%add3A_81, %dma_start3A_82] : memref<40960x128xf32, #tpu.memory_space<hbm>> -> memref<128x128xf32, #tpu.memory_space<hbm>>
        %dma_start3A_84 = arith.constant 0 : i32
        %dma_start3A_85 = tpu.memref_slice %arg10[%add3A_81, %dma_start3A_84] : memref<40960x128xf32, #tpu.memory_space<hbm>> -> memref<128x128xf32, #tpu.memory_space<hbm>>
        tpu.enqueue_dma source(%arg15 : memref<128x128xf32, #tpu.memory_space<vmem>>) target(%dma_start3A_85 : memref<128x128xf32, #tpu.memory_space<hbm>>) target_semaphore(%run_scoped3A : memref<!tpu.dma_semaphore, #tpu.memory_space<semaphore_mem>>)
        %dma_wait3A_86 = arith.constant 0 : i32
        %dma_wait3A_87 = tpu.memref_slice %arg10[%add3A_81, %dma_wait3A_86] : memref<40960x128xf32, #tpu.memory_space<hbm>> -> memref<128x128xf32, #tpu.memory_space<hbm>>
        %dma_wait3A_88 = arith.constant 0 : i32
        %dma_wait3A_89 = tpu.memref_slice %arg10[%add3A_81, %dma_wait3A_88] : memref<40960x128xf32, #tpu.memory_space<hbm>> -> memref<128x128xf32, #tpu.memory_space<hbm>>
        tpu.wait_dma2 semaphore(%run_scoped3A : memref<!tpu.dma_semaphore, #tpu.memory_space<semaphore_mem>>) src(%arg15 : memref<128x128xf32, #tpu.memory_space<vmem>>) dst(%dma_wait3A_89 : memref<128x128xf32, #tpu.memory_space<hbm>>)
        tpu.yield
      }) : () -> ()
      "tpu.region"() ({
        %run_scoped3A = tpu.sem_alloc : memref<!tpu.dma_semaphore, #tpu.memory_space<semaphore_mem>>
        %dma_start3A_82 = arith.constant 0 : i32
        %dma_start3A_83 = tpu.memref_slice %arg11[%add3A_81, %dma_start3A_82] : memref<40960x128xf32, #tpu.memory_space<hbm>> -> memref<128x128xf32, #tpu.memory_space<hbm>>
        %dma_start3A_84 = arith.constant 0 : i32
        %dma_start3A_85 = tpu.memref_slice %arg11[%add3A_81, %dma_start3A_84] : memref<40960x128xf32, #tpu.memory_space<hbm>> -> memref<128x128xf32, #tpu.memory_space<hbm>>
        tpu.enqueue_dma source(%arg16 : memref<128x128xf32, #tpu.memory_space<vmem>>) target(%dma_start3A_85 : memref<128x128xf32, #tpu.memory_space<hbm>>) target_semaphore(%run_scoped3A : memref<!tpu.dma_semaphore, #tpu.memory_space<semaphore_mem>>)
        %dma_wait3A_86 = arith.constant 0 : i32
        %dma_wait3A_87 = tpu.memref_slice %arg11[%add3A_81, %dma_wait3A_86] : memref<40960x128xf32, #tpu.memory_space<hbm>> -> memref<128x128xf32, #tpu.memory_space<hbm>>
        %dma_wait3A_88 = arith.constant 0 : i32
        %dma_wait3A_89 = tpu.memref_slice %arg11[%add3A_81, %dma_wait3A_88] : memref<40960x128xf32, #tpu.memory_space<hbm>> -> memref<128x128xf32, #tpu.memory_space<hbm>>
        tpu.wait_dma2 semaphore(%run_scoped3A : memref<!tpu.dma_semaphore, #tpu.memory_space<semaphore_mem>>) src(%arg16 : memref<128x128xf32, #tpu.memory_space<vmem>>) dst(%dma_wait3A_89 : memref<128x128xf32, #tpu.memory_space<hbm>>)
        tpu.yield
      }) : () -> ()
      "tpu.region"() ({
        %run_scoped3A = tpu.sem_alloc : memref<!tpu.dma_semaphore, #tpu.memory_space<semaphore_mem>>
        %dma_start3A_82 = arith.constant 0 : i32
        %dma_start3A_83 = tpu.memref_slice %arg12[%add3A_81, %dma_start3A_82] : memref<40960x128xf32, #tpu.memory_space<hbm>> -> memref<128x128xf32, #tpu.memory_space<hbm>>
        %dma_start3A_84 = arith.constant 0 : i32
        %dma_start3A_85 = tpu.memref_slice %arg12[%add3A_81, %dma_start3A_84] : memref<40960x128xf32, #tpu.memory_space<hbm>> -> memref<128x128xf32, #tpu.memory_space<hbm>>
        tpu.enqueue_dma source(%arg17 : memref<128x128xf32, #tpu.memory_space<vmem>>) target(%dma_start3A_85 : memref<128x128xf32, #tpu.memory_space<hbm>>) target_semaphore(%run_scoped3A : memref<!tpu.dma_semaphore, #tpu.memory_space<semaphore_mem>>)
        %dma_wait3A_86 = arith.constant 0 : i32
        %dma_wait3A_87 = tpu.memref_slice %arg12[%add3A_81, %dma_wait3A_86] : memref<40960x128xf32, #tpu.memory_space<hbm>> -> memref<128x128xf32, #tpu.memory_space<hbm>>
        %dma_wait3A_88 = arith.constant 0 : i32
        %dma_wait3A_89 = tpu.memref_slice %arg12[%add3A_81, %dma_wait3A_88] : memref<40960x128xf32, #tpu.memory_space<hbm>> -> memref<128x128xf32, #tpu.memory_space<hbm>>
        tpu.wait_dma2 semaphore(%run_scoped3A : memref<!tpu.dma_semaphore, #tpu.memory_space<semaphore_mem>>) src(%arg17 : memref<128x128xf32, #tpu.memory_space<vmem>>) dst(%dma_wait3A_89 : memref<128x128xf32, #tpu.memory_space<hbm>>)
        tpu.yield
      }) : () -> ()
    }
    %scan3A_7 = arith.constant 10 : i32
    return
  }
}

#map = affine_map<(d0, d1) -> (0, 0)>
#map1 = affine_map<(d0, d1) -> (0, 0, 0)>
module attributes {stable_mosaic.version = 14 : i64} {
  func.func @k(%arg0: i32, %arg1: i32, %arg2: memref<100000x128xf32, #tpu.memory_space<hbm>>, %arg3: memref<100000x128xf32, #tpu.memory_space<hbm>>, %arg4: memref<100000x128xf32, #tpu.memory_space<hbm>>, %arg5: memref<100000x128xf32, #tpu.memory_space<hbm>>, %arg6: memref<100000x128xf32, #tpu.memory_space<hbm>>, %arg7: memref<100000x128xf32, #tpu.memory_space<hbm>>, %arg8: memref<32x10x128xi32, #tpu.memory_space<hbm>>, %arg9: memref<32x10x128xi32, #tpu.memory_space<hbm>>, %arg10: memref<40960x128xf32, #tpu.memory_space<hbm>>, %arg11: memref<40960x128xf32, #tpu.memory_space<hbm>>, %arg12: memref<40960x128xf32, #tpu.memory_space<hbm>>, %arg13: memref<10x128xi32, #tpu.memory_space<vmem>>, %arg14: memref<10x128xi32, #tpu.memory_space<vmem>>, %arg15: memref<128x128xf32, #tpu.memory_space<vmem>>, %arg16: memref<128x128xf32, #tpu.memory_space<vmem>>, %arg17: memref<128x128xf32, #tpu.memory_space<vmem>>, %arg18: memref<!tpu.dma_semaphore, #tpu.memory_space<semaphore_mem>>) attributes {dimension_semantics = [#tpu.dimension_semantics<core_parallel>, #tpu.dimension_semantics<subcore_parallel>], iteration_bounds = array<i64: 2, 16>, scalar_prefetch = 0 : i64, scratch_operands = 6 : i64, tpu.core_type = #tpu.core_type<sc_vector_subcore>, window_params = [{transform_indices = #map}, {transform_indices = #map}, {transform_indices = #map}, {transform_indices = #map}, {transform_indices = #map}, {transform_indices = #map}, {transform_indices = #map1}, {transform_indices = #map1}, {transform_indices = #map}, {transform_indices = #map}, {transform_indices = #map}]} {
    %mul3A = arith.constant 2 : i32
    %mul3A_0 = arith.muli %arg1, %mul3A : i32
    %add3A = arith.addi %mul3A_0, %arg0 : i32
    %mul3A_1 = arith.constant 1280 : i32
    %mul3A_2 = arith.muli %add3A, %mul3A_1 : i32
    "tpu.region"() ({
      %run_scoped3A = tpu.sem_alloc : memref<!tpu.dma_semaphore, #tpu.memory_space<semaphore_mem>>
      %dma_start3A = arith.constant 0 : i32
      %dma_start3A_8 = arith.constant 0 : i32
      %dma_start3A_9 = tpu.memref_slice %arg8[%add3A, %dma_start3A, %dma_start3A_8] : memref<32x10x128xi32, #tpu.memory_space<hbm>> -> memref<1x10x128xi32, #tpu.memory_space<hbm>>
      %dma_start3A_10 = tpu.memref_squeeze %dma_start3A_9 : memref<1x10x128xi32, #tpu.memory_space<hbm>> -> memref<10x128xi32, #tpu.memory_space<hbm>>
      %dma_start3A_11 = arith.constant 0 : i32
      %dma_start3A_12 = arith.constant 0 : i32
      %dma_start3A_13 = tpu.memref_slice %arg8[%add3A, %dma_start3A_11, %dma_start3A_12] : memref<32x10x128xi32, #tpu.memory_space<hbm>> -> memref<1x10x128xi32, #tpu.memory_space<hbm>>
      %dma_start3A_14 = tpu.memref_squeeze %dma_start3A_13 : memref<1x10x128xi32, #tpu.memory_space<hbm>> -> memref<10x128xi32, #tpu.memory_space<hbm>>
      tpu.enqueue_dma source(%dma_start3A_14 : memref<10x128xi32, #tpu.memory_space<hbm>>) target(%arg13 : memref<10x128xi32, #tpu.memory_space<vmem>>) target_semaphore(%run_scoped3A : memref<!tpu.dma_semaphore, #tpu.memory_space<semaphore_mem>>)
      %dma_wait3A = arith.constant 0 : i32
      %dma_wait3A_15 = arith.constant 0 : i32
      %dma_wait3A_16 = tpu.memref_slice %arg8[%add3A, %dma_wait3A, %dma_wait3A_15] : memref<32x10x128xi32, #tpu.memory_space<hbm>> -> memref<1x10x128xi32, #tpu.memory_space<hbm>>
      %dma_wait3A_17 = tpu.memref_squeeze %dma_wait3A_16 : memref<1x10x128xi32, #tpu.memory_space<hbm>> -> memref<10x128xi32, #tpu.memory_space<hbm>>
      %dma_wait3A_18 = arith.constant 0 : i32
      %dma_wait3A_19 = arith.constant 0 : i32
      %dma_wait3A_20 = tpu.memref_slice %arg8[%add3A, %dma_wait3A_18, %dma_wait3A_19] : memref<32x10x128xi32, #tpu.memory_space<hbm>> -> memref<1x10x128xi32, #tpu.memory_space<hbm>>
      %dma_wait3A_21 = tpu.memref_squeeze %dma_wait3A_20 : memref<1x10x128xi32, #tpu.memory_space<hbm>> -> memref<10x128xi32, #tpu.memory_space<hbm>>
      tpu.wait_dma2 semaphore(%run_scoped3A : memref<!tpu.dma_semaphore, #tpu.memory_space<semaphore_mem>>) src(%dma_wait3A_21 : memref<10x128xi32, #tpu.memory_space<hbm>>) dst(%arg13 : memref<10x128xi32, #tpu.memory_space<vmem>>)
      tpu.yield
    }) : () -> ()
    "tpu.region"() ({
      %run_scoped3A = tpu.sem_alloc : memref<!tpu.dma_semaphore, #tpu.memory_space<semaphore_mem>>
      %dma_start3A = arith.constant 0 : i32
      %dma_start3A_8 = arith.constant 0 : i32
      %dma_start3A_9 = tpu.memref_slice %arg9[%add3A, %dma_start3A, %dma_start3A_8] : memref<32x10x128xi32, #tpu.memory_space<hbm>> -> memref<1x10x128xi32, #tpu.memory_space<hbm>>
      %dma_start3A_10 = tpu.memref_squeeze %dma_start3A_9 : memref<1x10x128xi32, #tpu.memory_space<hbm>> -> memref<10x128xi32, #tpu.memory_space<hbm>>
      %dma_start3A_11 = arith.constant 0 : i32
      %dma_start3A_12 = arith.constant 0 : i32
      %dma_start3A_13 = tpu.memref_slice %arg9[%add3A, %dma_start3A_11, %dma_start3A_12] : memref<32x10x128xi32, #tpu.memory_space<hbm>> -> memref<1x10x128xi32, #tpu.memory_space<hbm>>
      %dma_start3A_14 = tpu.memref_squeeze %dma_start3A_13 : memref<1x10x128xi32, #tpu.memory_space<hbm>> -> memref<10x128xi32, #tpu.memory_space<hbm>>
      tpu.enqueue_dma source(%dma_start3A_14 : memref<10x128xi32, #tpu.memory_space<hbm>>) target(%arg14 : memref<10x128xi32, #tpu.memory_space<vmem>>) target_semaphore(%run_scoped3A : memref<!tpu.dma_semaphore, #tpu.memory_space<semaphore_mem>>)
      %dma_wait3A = arith.constant 0 : i32
      %dma_wait3A_15 = arith.constant 0 : i32
      %dma_wait3A_16 = tpu.memref_slice %arg9[%add3A, %dma_wait3A, %dma_wait3A_15] : memref<32x10x128xi32, #tpu.memory_space<hbm>> -> memref<1x10x128xi32, #tpu.memory_space<hbm>>
      %dma_wait3A_17 = tpu.memref_squeeze %dma_wait3A_16 : memref<1x10x128xi32, #tpu.memory_space<hbm>> -> memref<10x128xi32, #tpu.memory_space<hbm>>
      %dma_wait3A_18 = arith.constant 0 : i32
      %dma_wait3A_19 = arith.constant 0 : i32
      %dma_wait3A_20 = tpu.memref_slice %arg9[%add3A, %dma_wait3A_18, %dma_wait3A_19] : memref<32x10x128xi32, #tpu.memory_space<hbm>> -> memref<1x10x128xi32, #tpu.memory_space<hbm>>
      %dma_wait3A_21 = tpu.memref_squeeze %dma_wait3A_20 : memref<1x10x128xi32, #tpu.memory_space<hbm>> -> memref<10x128xi32, #tpu.memory_space<hbm>>
      tpu.wait_dma2 semaphore(%run_scoped3A : memref<!tpu.dma_semaphore, #tpu.memory_space<semaphore_mem>>) src(%dma_wait3A_21 : memref<10x128xi32, #tpu.memory_space<hbm>>) dst(%arg14 : memref<10x128xi32, #tpu.memory_space<vmem>>)
      tpu.yield
    }) : () -> ()
    %scan3A = arith.constant 0 : i32
    %scan3A_3 = arith.constant 0 : i32
    %scan3A_4 = arith.constant 10 : i32
    %scan3A_5 = arith.addi %scan3A_3, %scan3A_4 : i32
    %scan3A_6 = arith.constant 1 : i32
    scf.for %scan3A_8 = %scan3A_3 to %scan3A_5 step %scan3A_6  : i32 {
      %dma_start3A = arith.constant 0 : i32
      %dma_start3A_9 = tpu.memref_slice %arg13[%scan3A_8, %dma_start3A] : memref<10x128xi32, #tpu.memory_space<vmem>> -> memref<1x128xi32, #tpu.memory_space<vmem>>
      %dma_start3A_10 = tpu.memref_squeeze %dma_start3A_9 : memref<1x128xi32, #tpu.memory_space<vmem>> -> memref<128xi32, #tpu.memory_space<vmem>>
      %dma_start3A_11 = arith.constant 0 : i32
      %dma_start3A_12 = arith.constant 0 : i32
      %dma_start3A_13 = tpu.memref_slice %arg2[%dma_start3A_11, %dma_start3A_12] : memref<100000x128xf32, #tpu.memory_space<hbm>> -> memref<100000x128xf32, #tpu.memory_space<hbm>>
      tpu.enqueue_indirect_dma source(%dma_start3A_13 : memref<100000x128xf32, #tpu.memory_space<hbm>>) target(%arg15 : memref<128x128xf32, #tpu.memory_space<vmem>>) offsets(%dma_start3A_10 : memref<128xi32, #tpu.memory_space<vmem>>) semaphore(%arg18 : memref<!tpu.dma_semaphore, #tpu.memory_space<semaphore_mem>>)
      %dma_start3A_14 = arith.constant 0 : i32
      %dma_start3A_15 = tpu.memref_slice %arg13[%scan3A_8, %dma_start3A_14] : memref<10x128xi32, #tpu.memory_space<vmem>> -> memref<1x128xi32, #tpu.memory_space<vmem>>
      %dma_start3A_16 = tpu.memref_squeeze %dma_start3A_15 : memref<1x128xi32, #tpu.memory_space<vmem>> -> memref<128xi32, #tpu.memory_space<vmem>>
      %dma_start3A_17 = arith.constant 0 : i32
      %dma_start3A_18 = arith.constant 0 : i32
      %dma_start3A_19 = tpu.memref_slice %arg3[%dma_start3A_17, %dma_start3A_18] : memref<100000x128xf32, #tpu.memory_space<hbm>> -> memref<100000x128xf32, #tpu.memory_space<hbm>>
      tpu.enqueue_indirect_dma source(%dma_start3A_19 : memref<100000x128xf32, #tpu.memory_space<hbm>>) target(%arg16 : memref<128x128xf32, #tpu.memory_space<vmem>>) offsets(%dma_start3A_16 : memref<128xi32, #tpu.memory_space<vmem>>) semaphore(%arg18 : memref<!tpu.dma_semaphore, #tpu.memory_space<semaphore_mem>>)
      %dma_start3A_20 = arith.constant 0 : i32
      %dma_start3A_21 = tpu.memref_slice %arg13[%scan3A_8, %dma_start3A_20] : memref<10x128xi32, #tpu.memory_space<vmem>> -> memref<1x128xi32, #tpu.memory_space<vmem>>
      %dma_start3A_22 = tpu.memref_squeeze %dma_start3A_21 : memref<1x128xi32, #tpu.memory_space<vmem>> -> memref<128xi32, #tpu.memory_space<vmem>>
      %dma_start3A_23 = arith.constant 0 : i32
      %dma_start3A_24 = arith.constant 0 : i32
      %dma_start3A_25 = tpu.memref_slice %arg4[%dma_start3A_23, %dma_start3A_24] : memref<100000x128xf32, #tpu.memory_space<hbm>> -> memref<100000x128xf32, #tpu.memory_space<hbm>>
      tpu.enqueue_indirect_dma source(%dma_start3A_25 : memref<100000x128xf32, #tpu.memory_space<hbm>>) target(%arg17 : memref<128x128xf32, #tpu.memory_space<vmem>>) offsets(%dma_start3A_22 : memref<128xi32, #tpu.memory_space<vmem>>) semaphore(%arg18 : memref<!tpu.dma_semaphore, #tpu.memory_space<semaphore_mem>>)
      %dma_wait3A = arith.constant 0 : i32
      %dma_wait3A_26 = tpu.memref_slice %arg13[%scan3A_8, %dma_wait3A] : memref<10x128xi32, #tpu.memory_space<vmem>> -> memref<1x128xi32, #tpu.memory_space<vmem>>
      %dma_wait3A_27 = tpu.memref_squeeze %dma_wait3A_26 : memref<1x128xi32, #tpu.memory_space<vmem>> -> memref<128xi32, #tpu.memory_space<vmem>>
      %dma_wait3A_28 = arith.constant 0 : i32
      %dma_wait3A_29 = arith.constant 0 : i32
      %dma_wait3A_30 = tpu.memref_slice %arg2[%dma_wait3A_28, %dma_wait3A_29] : memref<100000x128xf32, #tpu.memory_space<hbm>> -> memref<100000x128xf32, #tpu.memory_space<hbm>>
      tpu.wait_indirect_dma semaphore(%arg18 : memref<!tpu.dma_semaphore, #tpu.memory_space<semaphore_mem>>) src(%dma_wait3A_30 : memref<100000x128xf32, #tpu.memory_space<hbm>>) dst(%arg15 : memref<128x128xf32, #tpu.memory_space<vmem>>)
      %dma_wait3A_31 = arith.constant 0 : i32
      %dma_wait3A_32 = tpu.memref_slice %arg13[%scan3A_8, %dma_wait3A_31] : memref<10x128xi32, #tpu.memory_space<vmem>> -> memref<1x128xi32, #tpu.memory_space<vmem>>
      %dma_wait3A_33 = tpu.memref_squeeze %dma_wait3A_32 : memref<1x128xi32, #tpu.memory_space<vmem>> -> memref<128xi32, #tpu.memory_space<vmem>>
      %dma_wait3A_34 = arith.constant 0 : i32
      %dma_wait3A_35 = arith.constant 0 : i32
      %dma_wait3A_36 = tpu.memref_slice %arg3[%dma_wait3A_34, %dma_wait3A_35] : memref<100000x128xf32, #tpu.memory_space<hbm>> -> memref<100000x128xf32, #tpu.memory_space<hbm>>
      tpu.wait_indirect_dma semaphore(%arg18 : memref<!tpu.dma_semaphore, #tpu.memory_space<semaphore_mem>>) src(%dma_wait3A_36 : memref<100000x128xf32, #tpu.memory_space<hbm>>) dst(%arg16 : memref<128x128xf32, #tpu.memory_space<vmem>>)
      %dma_wait3A_37 = arith.constant 0 : i32
      %dma_wait3A_38 = tpu.memref_slice %arg13[%scan3A_8, %dma_wait3A_37] : memref<10x128xi32, #tpu.memory_space<vmem>> -> memref<1x128xi32, #tpu.memory_space<vmem>>
      %dma_wait3A_39 = tpu.memref_squeeze %dma_wait3A_38 : memref<1x128xi32, #tpu.memory_space<vmem>> -> memref<128xi32, #tpu.memory_space<vmem>>
      %dma_wait3A_40 = arith.constant 0 : i32
      %dma_wait3A_41 = arith.constant 0 : i32
      %dma_wait3A_42 = tpu.memref_slice %arg4[%dma_wait3A_40, %dma_wait3A_41] : memref<100000x128xf32, #tpu.memory_space<hbm>> -> memref<100000x128xf32, #tpu.memory_space<hbm>>
      tpu.wait_indirect_dma semaphore(%arg18 : memref<!tpu.dma_semaphore, #tpu.memory_space<semaphore_mem>>) src(%dma_wait3A_42 : memref<100000x128xf32, #tpu.memory_space<hbm>>) dst(%arg17 : memref<128x128xf32, #tpu.memory_space<vmem>>)
      %dma_start3A_43 = arith.constant 0 : i32
      %dma_start3A_44 = tpu.memref_slice %arg14[%scan3A_8, %dma_start3A_43] : memref<10x128xi32, #tpu.memory_space<vmem>> -> memref<1x128xi32, #tpu.memory_space<vmem>>
      %dma_start3A_45 = tpu.memref_squeeze %dma_start3A_44 : memref<1x128xi32, #tpu.memory_space<vmem>> -> memref<128xi32, #tpu.memory_space<vmem>>
      %dma_start3A_46 = arith.constant 0 : i32
      %dma_start3A_47 = arith.constant 0 : i32
      %dma_start3A_48 = tpu.memref_slice %arg5[%dma_start3A_46, %dma_start3A_47] : memref<100000x128xf32, #tpu.memory_space<hbm>> -> memref<100000x128xf32, #tpu.memory_space<hbm>>
      tpu.enqueue_indirect_dma source(%dma_start3A_48 : memref<100000x128xf32, #tpu.memory_space<hbm>>) target(%arg15 : memref<128x128xf32, #tpu.memory_space<vmem>>) offsets(%dma_start3A_45 : memref<128xi32, #tpu.memory_space<vmem>>) semaphore(%arg18 : memref<!tpu.dma_semaphore, #tpu.memory_space<semaphore_mem>>) {add = true}
      %dma_start3A_49 = arith.constant 0 : i32
      %dma_start3A_50 = tpu.memref_slice %arg14[%scan3A_8, %dma_start3A_49] : memref<10x128xi32, #tpu.memory_space<vmem>> -> memref<1x128xi32, #tpu.memory_space<vmem>>
      %dma_start3A_51 = tpu.memref_squeeze %dma_start3A_50 : memref<1x128xi32, #tpu.memory_space<vmem>> -> memref<128xi32, #tpu.memory_space<vmem>>
      %dma_start3A_52 = arith.constant 0 : i32
      %dma_start3A_53 = arith.constant 0 : i32
      %dma_start3A_54 = tpu.memref_slice %arg6[%dma_start3A_52, %dma_start3A_53] : memref<100000x128xf32, #tpu.memory_space<hbm>> -> memref<100000x128xf32, #tpu.memory_space<hbm>>
      tpu.enqueue_indirect_dma source(%dma_start3A_54 : memref<100000x128xf32, #tpu.memory_space<hbm>>) target(%arg16 : memref<128x128xf32, #tpu.memory_space<vmem>>) offsets(%dma_start3A_51 : memref<128xi32, #tpu.memory_space<vmem>>) semaphore(%arg18 : memref<!tpu.dma_semaphore, #tpu.memory_space<semaphore_mem>>) {add = true}
      %dma_start3A_55 = arith.constant 0 : i32
      %dma_start3A_56 = tpu.memref_slice %arg14[%scan3A_8, %dma_start3A_55] : memref<10x128xi32, #tpu.memory_space<vmem>> -> memref<1x128xi32, #tpu.memory_space<vmem>>
      %dma_start3A_57 = tpu.memref_squeeze %dma_start3A_56 : memref<1x128xi32, #tpu.memory_space<vmem>> -> memref<128xi32, #tpu.memory_space<vmem>>
      %dma_start3A_58 = arith.constant 0 : i32
      %dma_start3A_59 = arith.constant 0 : i32
      %dma_start3A_60 = tpu.memref_slice %arg7[%dma_start3A_58, %dma_start3A_59] : memref<100000x128xf32, #tpu.memory_space<hbm>> -> memref<100000x128xf32, #tpu.memory_space<hbm>>
      tpu.enqueue_indirect_dma source(%dma_start3A_60 : memref<100000x128xf32, #tpu.memory_space<hbm>>) target(%arg17 : memref<128x128xf32, #tpu.memory_space<vmem>>) offsets(%dma_start3A_57 : memref<128xi32, #tpu.memory_space<vmem>>) semaphore(%arg18 : memref<!tpu.dma_semaphore, #tpu.memory_space<semaphore_mem>>) {add = true}
      %dma_wait3A_61 = arith.constant 0 : i32
      %dma_wait3A_62 = tpu.memref_slice %arg14[%scan3A_8, %dma_wait3A_61] : memref<10x128xi32, #tpu.memory_space<vmem>> -> memref<1x128xi32, #tpu.memory_space<vmem>>
      %dma_wait3A_63 = tpu.memref_squeeze %dma_wait3A_62 : memref<1x128xi32, #tpu.memory_space<vmem>> -> memref<128xi32, #tpu.memory_space<vmem>>
      %dma_wait3A_64 = arith.constant 0 : i32
      %dma_wait3A_65 = arith.constant 0 : i32
      %dma_wait3A_66 = tpu.memref_slice %arg5[%dma_wait3A_64, %dma_wait3A_65] : memref<100000x128xf32, #tpu.memory_space<hbm>> -> memref<100000x128xf32, #tpu.memory_space<hbm>>
      tpu.wait_indirect_dma semaphore(%arg18 : memref<!tpu.dma_semaphore, #tpu.memory_space<semaphore_mem>>) src(%dma_wait3A_66 : memref<100000x128xf32, #tpu.memory_space<hbm>>) dst(%arg15 : memref<128x128xf32, #tpu.memory_space<vmem>>)
      %dma_wait3A_67 = arith.constant 0 : i32
      %dma_wait3A_68 = tpu.memref_slice %arg14[%scan3A_8, %dma_wait3A_67] : memref<10x128xi32, #tpu.memory_space<vmem>> -> memref<1x128xi32, #tpu.memory_space<vmem>>
      %dma_wait3A_69 = tpu.memref_squeeze %dma_wait3A_68 : memref<1x128xi32, #tpu.memory_space<vmem>> -> memref<128xi32, #tpu.memory_space<vmem>>
      %dma_wait3A_70 = arith.constant 0 : i32
      %dma_wait3A_71 = arith.constant 0 : i32
      %dma_wait3A_72 = tpu.memref_slice %arg6[%dma_wait3A_70, %dma_wait3A_71] : memref<100000x128xf32, #tpu.memory_space<hbm>> -> memref<100000x128xf32, #tpu.memory_space<hbm>>
      tpu.wait_indirect_dma semaphore(%arg18 : memref<!tpu.dma_semaphore, #tpu.memory_space<semaphore_mem>>) src(%dma_wait3A_72 : memref<100000x128xf32, #tpu.memory_space<hbm>>) dst(%arg16 : memref<128x128xf32, #tpu.memory_space<vmem>>)
      %dma_wait3A_73 = arith.constant 0 : i32
      %dma_wait3A_74 = tpu.memref_slice %arg14[%scan3A_8, %dma_wait3A_73] : memref<10x128xi32, #tpu.memory_space<vmem>> -> memref<1x128xi32, #tpu.memory_space<vmem>>
      %dma_wait3A_75 = tpu.memref_squeeze %dma_wait3A_74 : memref<1x128xi32, #tpu.memory_space<vmem>> -> memref<128xi32, #tpu.memory_space<vmem>>
      %dma_wait3A_76 = arith.constant 0 : i32
      %dma_wait3A_77 = arith.constant 0 : i32
      %dma_wait3A_78 = tpu.memref_slice %arg7[%dma_wait3A_76, %dma_wait3A_77] : memref<100000x128xf32, #tpu.memory_space<hbm>> -> memref<100000x128xf32, #tpu.memory_space<hbm>>
      tpu.wait_indirect_dma semaphore(%arg18 : memref<!tpu.dma_semaphore, #tpu.memory_space<semaphore_mem>>) src(%dma_wait3A_78 : memref<100000x128xf32, #tpu.memory_space<hbm>>) dst(%arg17 : memref<128x128xf32, #tpu.memory_space<vmem>>)
      %mul3A_79 = arith.constant 128 : i32
      %mul3A_80 = arith.muli %scan3A_8, %mul3A_79 : i32
      %add3A_81 = arith.addi %mul3A_2, %mul3A_80 : i32
      "tpu.region"() ({
        %run_scoped3A = tpu.sem_alloc : memref<!tpu.dma_semaphore, #tpu.memory_space<semaphore_mem>>
        %dma_start3A_82 = arith.constant 0 : i32
        %dma_start3A_83 = tpu.memref_slice %arg10[%add3A_81, %dma_start3A_82] : memref<40960x128xf32, #tpu.memory_space<hbm>> -> memref<128x128xf32, #tpu.memory_space<hbm>>
        %dma_start3A_84 = arith.constant 0 : i32
        %dma_start3A_85 = tpu.memref_slice %arg10[%add3A_81, %dma_start3A_84] : memref<40960x128xf32, #tpu.memory_space<hbm>> -> memref<128x128xf32, #tpu.memory_space<hbm>>
        tpu.enqueue_dma source(%arg15 : memref<128x128xf32, #tpu.memory_space<vmem>>) target(%dma_start3A_85 : memref<128x128xf32, #tpu.memory_space<hbm>>) target_semaphore(%run_scoped3A : memref<!tpu.dma_semaphore, #tpu.memory_space<semaphore_mem>>)
        %dma_wait3A_86 = arith.constant 0 : i32
        %dma_wait3A_87 = tpu.memref_slice %arg10[%add3A_81, %dma_wait3A_86] : memref<40960x128xf32, #tpu.memory_space<hbm>> -> memref<128x128xf32, #tpu.memory_space<hbm>>
        %dma_wait3A_88 = arith.constant 0 : i32
        %dma_wait3A_89 = tpu.memref_slice %arg10[%add3A_81, %dma_wait3A_88] : memref<40960x128xf32, #tpu.memory_space<hbm>> -> memref<128x128xf32, #tpu.memory_space<hbm>>
        tpu.wait_dma2 semaphore(%run_scoped3A : memref<!tpu.dma_semaphore, #tpu.memory_space<semaphore_mem>>) src(%arg15 : memref<128x128xf32, #tpu.memory_space<vmem>>) dst(%dma_wait3A_89 : memref<128x128xf32, #tpu.memory_space<hbm>>)
        tpu.yield
      }) : () -> ()
      "tpu.region"() ({
        %run_scoped3A = tpu.sem_alloc : memref<!tpu.dma_semaphore, #tpu.memory_space<semaphore_mem>>
        %dma_start3A_82 = arith.constant 0 : i32
        %dma_start3A_83 = tpu.memref_slice %arg11[%add3A_81, %dma_start3A_82] : memref<40960x128xf32, #tpu.memory_space<hbm>> -> memref<128x128xf32, #tpu.memory_space<hbm>>
        %dma_start3A_84 = arith.constant 0 : i32
        %dma_start3A_85 = tpu.memref_slice %arg11[%add3A_81, %dma_start3A_84] : memref<40960x128xf32, #tpu.memory_space<hbm>> -> memref<128x128xf32, #tpu.memory_space<hbm>>
        tpu.enqueue_dma source(%arg16 : memref<128x128xf32, #tpu.memory_space<vmem>>) target(%dma_start3A_85 : memref<128x128xf32, #tpu.memory_space<hbm>>) target_semaphore(%run_scoped3A : memref<!tpu.dma_semaphore, #tpu.memory_space<semaphore_mem>>)
        %dma_wait3A_86 = arith.constant 0 : i32
        %dma_wait3A_87 = tpu.memref_slice %arg11[%add3A_81, %dma_wait3A_86] : memref<40960x128xf32, #tpu.memory_space<hbm>> -> memref<128x128xf32, #tpu.memory_space<hbm>>
        %dma_wait3A_88 = arith.constant 0 : i32
        %dma_wait3A_89 = tpu.memref_slice %arg11[%add3A_81, %dma_wait3A_88] : memref<40960x128xf32, #tpu.memory_space<hbm>> -> memref<128x128xf32, #tpu.memory_space<hbm>>
        tpu.wait_dma2 semaphore(%run_scoped3A : memref<!tpu.dma_semaphore, #tpu.memory_space<semaphore_mem>>) src(%arg16 : memref<128x128xf32, #tpu.memory_space<vmem>>) dst(%dma_wait3A_89 : memref<128x128xf32, #tpu.memory_space<hbm>>)
        tpu.yield
      }) : () -> ()
      "tpu.region"() ({
        %run_scoped3A = tpu.sem_alloc : memref<!tpu.dma_semaphore, #tpu.memory_space<semaphore_mem>>
        %dma_start3A_82 = arith.constant 0 : i32
        %dma_start3A_83 = tpu.memref_slice %arg12[%add3A_81, %dma_start3A_82] : memref<40960x128xf32, #tpu.memory_space<hbm>> -> memref<128x128xf32, #tpu.memory_space<hbm>>
        %dma_start3A_84 = arith.constant 0 : i32
        %dma_start3A_85 = tpu.memref_slice %arg12[%add3A_81, %dma_start3A_84] : memref<40960x128xf32, #tpu.memory_space<hbm>> -> memref<128x128xf32, #tpu.memory_space<hbm>>
        tpu.enqueue_dma source(%arg17 : memref<128x128xf32, #tpu.memory_space<vmem>>) target(%dma_start3A_85 : memref<128x128xf32, #tpu.memory_space<hbm>>) target_semaphore(%run_scoped3A : memref<!tpu.dma_semaphore, #tpu.memory_space<semaphore_mem>>)
        %dma_wait3A_86 = arith.constant 0 : i32
        %dma_wait3A_87 = tpu.memref_slice %arg12[%add3A_81, %dma_wait3A_86] : memref<40960x128xf32, #tpu.memory_space<hbm>> -> memref<128x128xf32, #tpu.memory_space<hbm>>
        %dma_wait3A_88 = arith.constant 0 : i32
        %dma_wait3A_89 = tpu.memref_slice %arg12[%add3A_81, %dma_wait3A_88] : memref<40960x128xf32, #tpu.memory_space<hbm>> -> memref<128x128xf32, #tpu.memory_space<hbm>>
        tpu.wait_dma2 semaphore(%run_scoped3A : memref<!tpu.dma_semaphore, #tpu.memory_space<semaphore_mem>>) src(%arg17 : memref<128x128xf32, #tpu.memory_space<vmem>>) dst(%dma_wait3A_89 : memref<128x128xf32, #tpu.memory_space<hbm>>)
        tpu.yield
      }) : () -> ()
    }
    %scan3A_7 = arith.constant 10 : i32
    return
  }
}

#map = affine_map<(d0, d1) -> (0, 0)>
#map1 = affine_map<(d0, d1) -> (0, 0, 0)>
module attributes {stable_mosaic.version = 14 : i64} {
  func.func @k(%arg0: i32, %arg1: i32, %arg2: memref<100000x128xf32, #tpu.memory_space<hbm>>, %arg3: memref<100000x128xf32, #tpu.memory_space<hbm>>, %arg4: memref<100000x128xf32, #tpu.memory_space<hbm>>, %arg5: memref<100000x128xf32, #tpu.memory_space<hbm>>, %arg6: memref<100000x128xf32, #tpu.memory_space<hbm>>, %arg7: memref<100000x128xf32, #tpu.memory_space<hbm>>, %arg8: memref<32x10x128xi32, #tpu.memory_space<hbm>>, %arg9: memref<32x10x128xi32, #tpu.memory_space<hbm>>, %arg10: memref<40960x128xf32, #tpu.memory_space<hbm>>, %arg11: memref<40960x128xf32, #tpu.memory_space<hbm>>, %arg12: memref<40960x128xf32, #tpu.memory_space<hbm>>, %arg13: memref<10x128xi32, #tpu.memory_space<vmem>>, %arg14: memref<10x128xi32, #tpu.memory_space<vmem>>, %arg15: memref<128x128xf32, #tpu.memory_space<vmem>>, %arg16: memref<128x128xf32, #tpu.memory_space<vmem>>, %arg17: memref<128x128xf32, #tpu.memory_space<vmem>>, %arg18: memref<!tpu.dma_semaphore, #tpu.memory_space<semaphore_mem>>) attributes {dimension_semantics = [#tpu.dimension_semantics<core_parallel>, #tpu.dimension_semantics<subcore_parallel>], iteration_bounds = array<i64: 2, 16>, scalar_prefetch = 0 : i64, scratch_operands = 6 : i64, tpu.core_type = #tpu.core_type<sc_vector_subcore>, window_params = [{transform_indices = #map}, {transform_indices = #map}, {transform_indices = #map}, {transform_indices = #map}, {transform_indices = #map}, {transform_indices = #map}, {transform_indices = #map1}, {transform_indices = #map1}, {transform_indices = #map}, {transform_indices = #map}, {transform_indices = #map}]} {
    %mul3A = arith.constant 2 : i32
    %mul3A_0 = arith.muli %arg1, %mul3A : i32
    %add3A = arith.addi %mul3A_0, %arg0 : i32
    %mul3A_1 = arith.constant 1280 : i32
    %mul3A_2 = arith.muli %add3A, %mul3A_1 : i32
    "tpu.region"() ({
      %run_scoped3A = tpu.sem_alloc : memref<!tpu.dma_semaphore, #tpu.memory_space<semaphore_mem>>
      %dma_start3A = arith.constant 0 : i32
      %dma_start3A_8 = arith.constant 0 : i32
      %dma_start3A_9 = tpu.memref_slice %arg8[%add3A, %dma_start3A, %dma_start3A_8] : memref<32x10x128xi32, #tpu.memory_space<hbm>> -> memref<1x10x128xi32, #tpu.memory_space<hbm>>
      %dma_start3A_10 = tpu.memref_squeeze %dma_start3A_9 : memref<1x10x128xi32, #tpu.memory_space<hbm>> -> memref<10x128xi32, #tpu.memory_space<hbm>>
      %dma_start3A_11 = arith.constant 0 : i32
      %dma_start3A_12 = arith.constant 0 : i32
      %dma_start3A_13 = tpu.memref_slice %arg8[%add3A, %dma_start3A_11, %dma_start3A_12] : memref<32x10x128xi32, #tpu.memory_space<hbm>> -> memref<1x10x128xi32, #tpu.memory_space<hbm>>
      %dma_start3A_14 = tpu.memref_squeeze %dma_start3A_13 : memref<1x10x128xi32, #tpu.memory_space<hbm>> -> memref<10x128xi32, #tpu.memory_space<hbm>>
      tpu.enqueue_dma source(%dma_start3A_14 : memref<10x128xi32, #tpu.memory_space<hbm>>) target(%arg13 : memref<10x128xi32, #tpu.memory_space<vmem>>) target_semaphore(%run_scoped3A : memref<!tpu.dma_semaphore, #tpu.memory_space<semaphore_mem>>)
      %dma_wait3A = arith.constant 0 : i32
      %dma_wait3A_15 = arith.constant 0 : i32
      %dma_wait3A_16 = tpu.memref_slice %arg8[%add3A, %dma_wait3A, %dma_wait3A_15] : memref<32x10x128xi32, #tpu.memory_space<hbm>> -> memref<1x10x128xi32, #tpu.memory_space<hbm>>
      %dma_wait3A_17 = tpu.memref_squeeze %dma_wait3A_16 : memref<1x10x128xi32, #tpu.memory_space<hbm>> -> memref<10x128xi32, #tpu.memory_space<hbm>>
      %dma_wait3A_18 = arith.constant 0 : i32
      %dma_wait3A_19 = arith.constant 0 : i32
      %dma_wait3A_20 = tpu.memref_slice %arg8[%add3A, %dma_wait3A_18, %dma_wait3A_19] : memref<32x10x128xi32, #tpu.memory_space<hbm>> -> memref<1x10x128xi32, #tpu.memory_space<hbm>>
      %dma_wait3A_21 = tpu.memref_squeeze %dma_wait3A_20 : memref<1x10x128xi32, #tpu.memory_space<hbm>> -> memref<10x128xi32, #tpu.memory_space<hbm>>
      tpu.wait_dma2 semaphore(%run_scoped3A : memref<!tpu.dma_semaphore, #tpu.memory_space<semaphore_mem>>) src(%dma_wait3A_21 : memref<10x128xi32, #tpu.memory_space<hbm>>) dst(%arg13 : memref<10x128xi32, #tpu.memory_space<vmem>>)
      tpu.yield
    }) : () -> ()
    "tpu.region"() ({
      %run_scoped3A = tpu.sem_alloc : memref<!tpu.dma_semaphore, #tpu.memory_space<semaphore_mem>>
      %dma_start3A = arith.constant 0 : i32
      %dma_start3A_8 = arith.constant 0 : i32
      %dma_start3A_9 = tpu.memref_slice %arg9[%add3A, %dma_start3A, %dma_start3A_8] : memref<32x10x128xi32, #tpu.memory_space<hbm>> -> memref<1x10x128xi32, #tpu.memory_space<hbm>>
      %dma_start3A_10 = tpu.memref_squeeze %dma_start3A_9 : memref<1x10x128xi32, #tpu.memory_space<hbm>> -> memref<10x128xi32, #tpu.memory_space<hbm>>
      %dma_start3A_11 = arith.constant 0 : i32
      %dma_start3A_12 = arith.constant 0 : i32
      %dma_start3A_13 = tpu.memref_slice %arg9[%add3A, %dma_start3A_11, %dma_start3A_12] : memref<32x10x128xi32, #tpu.memory_space<hbm>> -> memref<1x10x128xi32, #tpu.memory_space<hbm>>
      %dma_start3A_14 = tpu.memref_squeeze %dma_start3A_13 : memref<1x10x128xi32, #tpu.memory_space<hbm>> -> memref<10x128xi32, #tpu.memory_space<hbm>>
      tpu.enqueue_dma source(%dma_start3A_14 : memref<10x128xi32, #tpu.memory_space<hbm>>) target(%arg14 : memref<10x128xi32, #tpu.memory_space<vmem>>) target_semaphore(%run_scoped3A : memref<!tpu.dma_semaphore, #tpu.memory_space<semaphore_mem>>)
      %dma_wait3A = arith.constant 0 : i32
      %dma_wait3A_15 = arith.constant 0 : i32
      %dma_wait3A_16 = tpu.memref_slice %arg9[%add3A, %dma_wait3A, %dma_wait3A_15] : memref<32x10x128xi32, #tpu.memory_space<hbm>> -> memref<1x10x128xi32, #tpu.memory_space<hbm>>
      %dma_wait3A_17 = tpu.memref_squeeze %dma_wait3A_16 : memref<1x10x128xi32, #tpu.memory_space<hbm>> -> memref<10x128xi32, #tpu.memory_space<hbm>>
      %dma_wait3A_18 = arith.constant 0 : i32
      %dma_wait3A_19 = arith.constant 0 : i32
      %dma_wait3A_20 = tpu.memref_slice %arg9[%add3A, %dma_wait3A_18, %dma_wait3A_19] : memref<32x10x128xi32, #tpu.memory_space<hbm>> -> memref<1x10x128xi32, #tpu.memory_space<hbm>>
      %dma_wait3A_21 = tpu.memref_squeeze %dma_wait3A_20 : memref<1x10x128xi32, #tpu.memory_space<hbm>> -> memref<10x128xi32, #tpu.memory_space<hbm>>
      tpu.wait_dma2 semaphore(%run_scoped3A : memref<!tpu.dma_semaphore, #tpu.memory_space<semaphore_mem>>) src(%dma_wait3A_21 : memref<10x128xi32, #tpu.memory_space<hbm>>) dst(%arg14 : memref<10x128xi32, #tpu.memory_space<vmem>>)
      tpu.yield
    }) : () -> ()
    %scan3A = arith.constant 0 : i32
    %scan3A_3 = arith.constant 0 : i32
    %scan3A_4 = arith.constant 10 : i32
    %scan3A_5 = arith.addi %scan3A_3, %scan3A_4 : i32
    %scan3A_6 = arith.constant 1 : i32
    scf.for %scan3A_8 = %scan3A_3 to %scan3A_5 step %scan3A_6  : i32 {
      %dma_start3A = arith.constant 0 : i32
      %dma_start3A_9 = tpu.memref_slice %arg13[%scan3A_8, %dma_start3A] : memref<10x128xi32, #tpu.memory_space<vmem>> -> memref<1x128xi32, #tpu.memory_space<vmem>>
      %dma_start3A_10 = tpu.memref_squeeze %dma_start3A_9 : memref<1x128xi32, #tpu.memory_space<vmem>> -> memref<128xi32, #tpu.memory_space<vmem>>
      %dma_start3A_11 = arith.constant 0 : i32
      %dma_start3A_12 = arith.constant 0 : i32
      %dma_start3A_13 = tpu.memref_slice %arg2[%dma_start3A_11, %dma_start3A_12] : memref<100000x128xf32, #tpu.memory_space<hbm>> -> memref<100000x128xf32, #tpu.memory_space<hbm>>
      tpu.enqueue_indirect_dma source(%dma_start3A_13 : memref<100000x128xf32, #tpu.memory_space<hbm>>) target(%arg15 : memref<128x128xf32, #tpu.memory_space<vmem>>) offsets(%dma_start3A_10 : memref<128xi32, #tpu.memory_space<vmem>>) semaphore(%arg18 : memref<!tpu.dma_semaphore, #tpu.memory_space<semaphore_mem>>)
      %dma_start3A_14 = arith.constant 0 : i32
      %dma_start3A_15 = tpu.memref_slice %arg13[%scan3A_8, %dma_start3A_14] : memref<10x128xi32, #tpu.memory_space<vmem>> -> memref<1x128xi32, #tpu.memory_space<vmem>>
      %dma_start3A_16 = tpu.memref_squeeze %dma_start3A_15 : memref<1x128xi32, #tpu.memory_space<vmem>> -> memref<128xi32, #tpu.memory_space<vmem>>
      %dma_start3A_17 = arith.constant 0 : i32
      %dma_start3A_18 = arith.constant 0 : i32
      %dma_start3A_19 = tpu.memref_slice %arg3[%dma_start3A_17, %dma_start3A_18] : memref<100000x128xf32, #tpu.memory_space<hbm>> -> memref<100000x128xf32, #tpu.memory_space<hbm>>
      tpu.enqueue_indirect_dma source(%dma_start3A_19 : memref<100000x128xf32, #tpu.memory_space<hbm>>) target(%arg16 : memref<128x128xf32, #tpu.memory_space<vmem>>) offsets(%dma_start3A_16 : memref<128xi32, #tpu.memory_space<vmem>>) semaphore(%arg18 : memref<!tpu.dma_semaphore, #tpu.memory_space<semaphore_mem>>)
      %dma_start3A_20 = arith.constant 0 : i32
      %dma_start3A_21 = tpu.memref_slice %arg13[%scan3A_8, %dma_start3A_20] : memref<10x128xi32, #tpu.memory_space<vmem>> -> memref<1x128xi32, #tpu.memory_space<vmem>>
      %dma_start3A_22 = tpu.memref_squeeze %dma_start3A_21 : memref<1x128xi32, #tpu.memory_space<vmem>> -> memref<128xi32, #tpu.memory_space<vmem>>
      %dma_start3A_23 = arith.constant 0 : i32
      %dma_start3A_24 = arith.constant 0 : i32
      %dma_start3A_25 = tpu.memref_slice %arg4[%dma_start3A_23, %dma_start3A_24] : memref<100000x128xf32, #tpu.memory_space<hbm>> -> memref<100000x128xf32, #tpu.memory_space<hbm>>
      tpu.enqueue_indirect_dma source(%dma_start3A_25 : memref<100000x128xf32, #tpu.memory_space<hbm>>) target(%arg17 : memref<128x128xf32, #tpu.memory_space<vmem>>) offsets(%dma_start3A_22 : memref<128xi32, #tpu.memory_space<vmem>>) semaphore(%arg18 : memref<!tpu.dma_semaphore, #tpu.memory_space<semaphore_mem>>)
      %dma_wait3A = arith.constant 0 : i32
      %dma_wait3A_26 = tpu.memref_slice %arg13[%scan3A_8, %dma_wait3A] : memref<10x128xi32, #tpu.memory_space<vmem>> -> memref<1x128xi32, #tpu.memory_space<vmem>>
      %dma_wait3A_27 = tpu.memref_squeeze %dma_wait3A_26 : memref<1x128xi32, #tpu.memory_space<vmem>> -> memref<128xi32, #tpu.memory_space<vmem>>
      %dma_wait3A_28 = arith.constant 0 : i32
      %dma_wait3A_29 = arith.constant 0 : i32
      %dma_wait3A_30 = tpu.memref_slice %arg2[%dma_wait3A_28, %dma_wait3A_29] : memref<100000x128xf32, #tpu.memory_space<hbm>> -> memref<100000x128xf32, #tpu.memory_space<hbm>>
      tpu.wait_indirect_dma semaphore(%arg18 : memref<!tpu.dma_semaphore, #tpu.memory_space<semaphore_mem>>) src(%dma_wait3A_30 : memref<100000x128xf32, #tpu.memory_space<hbm>>) dst(%arg15 : memref<128x128xf32, #tpu.memory_space<vmem>>)
      %dma_wait3A_31 = arith.constant 0 : i32
      %dma_wait3A_32 = tpu.memref_slice %arg13[%scan3A_8, %dma_wait3A_31] : memref<10x128xi32, #tpu.memory_space<vmem>> -> memref<1x128xi32, #tpu.memory_space<vmem>>
      %dma_wait3A_33 = tpu.memref_squeeze %dma_wait3A_32 : memref<1x128xi32, #tpu.memory_space<vmem>> -> memref<128xi32, #tpu.memory_space<vmem>>
      %dma_wait3A_34 = arith.constant 0 : i32
      %dma_wait3A_35 = arith.constant 0 : i32
      %dma_wait3A_36 = tpu.memref_slice %arg3[%dma_wait3A_34, %dma_wait3A_35] : memref<100000x128xf32, #tpu.memory_space<hbm>> -> memref<100000x128xf32, #tpu.memory_space<hbm>>
      tpu.wait_indirect_dma semaphore(%arg18 : memref<!tpu.dma_semaphore, #tpu.memory_space<semaphore_mem>>) src(%dma_wait3A_36 : memref<100000x128xf32, #tpu.memory_space<hbm>>) dst(%arg16 : memref<128x128xf32, #tpu.memory_space<vmem>>)
      %dma_wait3A_37 = arith.constant 0 : i32
      %dma_wait3A_38 = tpu.memref_slice %arg13[%scan3A_8, %dma_wait3A_37] : memref<10x128xi32, #tpu.memory_space<vmem>> -> memref<1x128xi32, #tpu.memory_space<vmem>>
      %dma_wait3A_39 = tpu.memref_squeeze %dma_wait3A_38 : memref<1x128xi32, #tpu.memory_space<vmem>> -> memref<128xi32, #tpu.memory_space<vmem>>
      %dma_wait3A_40 = arith.constant 0 : i32
      %dma_wait3A_41 = arith.constant 0 : i32
      %dma_wait3A_42 = tpu.memref_slice %arg4[%dma_wait3A_40, %dma_wait3A_41] : memref<100000x128xf32, #tpu.memory_space<hbm>> -> memref<100000x128xf32, #tpu.memory_space<hbm>>
      tpu.wait_indirect_dma semaphore(%arg18 : memref<!tpu.dma_semaphore, #tpu.memory_space<semaphore_mem>>) src(%dma_wait3A_42 : memref<100000x128xf32, #tpu.memory_space<hbm>>) dst(%arg17 : memref<128x128xf32, #tpu.memory_space<vmem>>)
      %dma_start3A_43 = arith.constant 0 : i32
      %dma_start3A_44 = tpu.memref_slice %arg14[%scan3A_8, %dma_start3A_43] : memref<10x128xi32, #tpu.memory_space<vmem>> -> memref<1x128xi32, #tpu.memory_space<vmem>>
      %dma_start3A_45 = tpu.memref_squeeze %dma_start3A_44 : memref<1x128xi32, #tpu.memory_space<vmem>> -> memref<128xi32, #tpu.memory_space<vmem>>
      %dma_start3A_46 = arith.constant 0 : i32
      %dma_start3A_47 = arith.constant 0 : i32
      %dma_start3A_48 = tpu.memref_slice %arg5[%dma_start3A_46, %dma_start3A_47] : memref<100000x128xf32, #tpu.memory_space<hbm>> -> memref<100000x128xf32, #tpu.memory_space<hbm>>
      tpu.enqueue_indirect_dma source(%dma_start3A_48 : memref<100000x128xf32, #tpu.memory_space<hbm>>) target(%arg15 : memref<128x128xf32, #tpu.memory_space<vmem>>) offsets(%dma_start3A_45 : memref<128xi32, #tpu.memory_space<vmem>>) semaphore(%arg18 : memref<!tpu.dma_semaphore, #tpu.memory_space<semaphore_mem>>) {add = true}
      %dma_start3A_49 = arith.constant 0 : i32
      %dma_start3A_50 = tpu.memref_slice %arg14[%scan3A_8, %dma_start3A_49] : memref<10x128xi32, #tpu.memory_space<vmem>> -> memref<1x128xi32, #tpu.memory_space<vmem>>
      %dma_start3A_51 = tpu.memref_squeeze %dma_start3A_50 : memref<1x128xi32, #tpu.memory_space<vmem>> -> memref<128xi32, #tpu.memory_space<vmem>>
      %dma_start3A_52 = arith.constant 0 : i32
      %dma_start3A_53 = arith.constant 0 : i32
      %dma_start3A_54 = tpu.memref_slice %arg6[%dma_start3A_52, %dma_start3A_53] : memref<100000x128xf32, #tpu.memory_space<hbm>> -> memref<100000x128xf32, #tpu.memory_space<hbm>>
      tpu.enqueue_indirect_dma source(%dma_start3A_54 : memref<100000x128xf32, #tpu.memory_space<hbm>>) target(%arg16 : memref<128x128xf32, #tpu.memory_space<vmem>>) offsets(%dma_start3A_51 : memref<128xi32, #tpu.memory_space<vmem>>) semaphore(%arg18 : memref<!tpu.dma_semaphore, #tpu.memory_space<semaphore_mem>>) {add = true}
      %dma_start3A_55 = arith.constant 0 : i32
      %dma_start3A_56 = tpu.memref_slice %arg14[%scan3A_8, %dma_start3A_55] : memref<10x128xi32, #tpu.memory_space<vmem>> -> memref<1x128xi32, #tpu.memory_space<vmem>>
      %dma_start3A_57 = tpu.memref_squeeze %dma_start3A_56 : memref<1x128xi32, #tpu.memory_space<vmem>> -> memref<128xi32, #tpu.memory_space<vmem>>
      %dma_start3A_58 = arith.constant 0 : i32
      %dma_start3A_59 = arith.constant 0 : i32
      %dma_start3A_60 = tpu.memref_slice %arg7[%dma_start3A_58, %dma_start3A_59] : memref<100000x128xf32, #tpu.memory_space<hbm>> -> memref<100000x128xf32, #tpu.memory_space<hbm>>
      tpu.enqueue_indirect_dma source(%dma_start3A_60 : memref<100000x128xf32, #tpu.memory_space<hbm>>) target(%arg17 : memref<128x128xf32, #tpu.memory_space<vmem>>) offsets(%dma_start3A_57 : memref<128xi32, #tpu.memory_space<vmem>>) semaphore(%arg18 : memref<!tpu.dma_semaphore, #tpu.memory_space<semaphore_mem>>) {add = true}
      %dma_wait3A_61 = arith.constant 0 : i32
      %dma_wait3A_62 = tpu.memref_slice %arg14[%scan3A_8, %dma_wait3A_61] : memref<10x128xi32, #tpu.memory_space<vmem>> -> memref<1x128xi32, #tpu.memory_space<vmem>>
      %dma_wait3A_63 = tpu.memref_squeeze %dma_wait3A_62 : memref<1x128xi32, #tpu.memory_space<vmem>> -> memref<128xi32, #tpu.memory_space<vmem>>
      %dma_wait3A_64 = arith.constant 0 : i32
      %dma_wait3A_65 = arith.constant 0 : i32
      %dma_wait3A_66 = tpu.memref_slice %arg5[%dma_wait3A_64, %dma_wait3A_65] : memref<100000x128xf32, #tpu.memory_space<hbm>> -> memref<100000x128xf32, #tpu.memory_space<hbm>>
      tpu.wait_indirect_dma semaphore(%arg18 : memref<!tpu.dma_semaphore, #tpu.memory_space<semaphore_mem>>) src(%dma_wait3A_66 : memref<100000x128xf32, #tpu.memory_space<hbm>>) dst(%arg15 : memref<128x128xf32, #tpu.memory_space<vmem>>)
      %dma_wait3A_67 = arith.constant 0 : i32
      %dma_wait3A_68 = tpu.memref_slice %arg14[%scan3A_8, %dma_wait3A_67] : memref<10x128xi32, #tpu.memory_space<vmem>> -> memref<1x128xi32, #tpu.memory_space<vmem>>
      %dma_wait3A_69 = tpu.memref_squeeze %dma_wait3A_68 : memref<1x128xi32, #tpu.memory_space<vmem>> -> memref<128xi32, #tpu.memory_space<vmem>>
      %dma_wait3A_70 = arith.constant 0 : i32
      %dma_wait3A_71 = arith.constant 0 : i32
      %dma_wait3A_72 = tpu.memref_slice %arg6[%dma_wait3A_70, %dma_wait3A_71] : memref<100000x128xf32, #tpu.memory_space<hbm>> -> memref<100000x128xf32, #tpu.memory_space<hbm>>
      tpu.wait_indirect_dma semaphore(%arg18 : memref<!tpu.dma_semaphore, #tpu.memory_space<semaphore_mem>>) src(%dma_wait3A_72 : memref<100000x128xf32, #tpu.memory_space<hbm>>) dst(%arg16 : memref<128x128xf32, #tpu.memory_space<vmem>>)
      %dma_wait3A_73 = arith.constant 0 : i32
      %dma_wait3A_74 = tpu.memref_slice %arg14[%scan3A_8, %dma_wait3A_73] : memref<10x128xi32, #tpu.memory_space<vmem>> -> memref<1x128xi32, #tpu.memory_space<vmem>>
      %dma_wait3A_75 = tpu.memref_squeeze %dma_wait3A_74 : memref<1x128xi32, #tpu.memory_space<vmem>> -> memref<128xi32, #tpu.memory_space<vmem>>
      %dma_wait3A_76 = arith.constant 0 : i32
      %dma_wait3A_77 = arith.constant 0 : i32
      %dma_wait3A_78 = tpu.memref_slice %arg7[%dma_wait3A_76, %dma_wait3A_77] : memref<100000x128xf32, #tpu.memory_space<hbm>> -> memref<100000x128xf32, #tpu.memory_space<hbm>>
      tpu.wait_indirect_dma semaphore(%arg18 : memref<!tpu.dma_semaphore, #tpu.memory_space<semaphore_mem>>) src(%dma_wait3A_78 : memref<100000x128xf32, #tpu.memory_space<hbm>>) dst(%arg17 : memref<128x128xf32, #tpu.memory_space<vmem>>)
      %mul3A_79 = arith.constant 128 : i32
      %mul3A_80 = arith.muli %scan3A_8, %mul3A_79 : i32
      %add3A_81 = arith.addi %mul3A_2, %mul3A_80 : i32
      "tpu.region"() ({
        %run_scoped3A = tpu.sem_alloc : memref<!tpu.dma_semaphore, #tpu.memory_space<semaphore_mem>>
        %dma_start3A_82 = arith.constant 0 : i32
        %dma_start3A_83 = tpu.memref_slice %arg10[%add3A_81, %dma_start3A_82] : memref<40960x128xf32, #tpu.memory_space<hbm>> -> memref<128x128xf32, #tpu.memory_space<hbm>>
        %dma_start3A_84 = arith.constant 0 : i32
        %dma_start3A_85 = tpu.memref_slice %arg10[%add3A_81, %dma_start3A_84] : memref<40960x128xf32, #tpu.memory_space<hbm>> -> memref<128x128xf32, #tpu.memory_space<hbm>>
        tpu.enqueue_dma source(%arg15 : memref<128x128xf32, #tpu.memory_space<vmem>>) target(%dma_start3A_85 : memref<128x128xf32, #tpu.memory_space<hbm>>) target_semaphore(%run_scoped3A : memref<!tpu.dma_semaphore, #tpu.memory_space<semaphore_mem>>)
        %dma_wait3A_86 = arith.constant 0 : i32
        %dma_wait3A_87 = tpu.memref_slice %arg10[%add3A_81, %dma_wait3A_86] : memref<40960x128xf32, #tpu.memory_space<hbm>> -> memref<128x128xf32, #tpu.memory_space<hbm>>
        %dma_wait3A_88 = arith.constant 0 : i32
        %dma_wait3A_89 = tpu.memref_slice %arg10[%add3A_81, %dma_wait3A_88] : memref<40960x128xf32, #tpu.memory_space<hbm>> -> memref<128x128xf32, #tpu.memory_space<hbm>>
        tpu.wait_dma2 semaphore(%run_scoped3A : memref<!tpu.dma_semaphore, #tpu.memory_space<semaphore_mem>>) src(%arg15 : memref<128x128xf32, #tpu.memory_space<vmem>>) dst(%dma_wait3A_89 : memref<128x128xf32, #tpu.memory_space<hbm>>)
        tpu.yield
      }) : () -> ()
      "tpu.region"() ({
        %run_scoped3A = tpu.sem_alloc : memref<!tpu.dma_semaphore, #tpu.memory_space<semaphore_mem>>
        %dma_start3A_82 = arith.constant 0 : i32
        %dma_start3A_83 = tpu.memref_slice %arg11[%add3A_81, %dma_start3A_82] : memref<40960x128xf32, #tpu.memory_space<hbm>> -> memref<128x128xf32, #tpu.memory_space<hbm>>
        %dma_start3A_84 = arith.constant 0 : i32
        %dma_start3A_85 = tpu.memref_slice %arg11[%add3A_81, %dma_start3A_84] : memref<40960x128xf32, #tpu.memory_space<hbm>> -> memref<128x128xf32, #tpu.memory_space<hbm>>
        tpu.enqueue_dma source(%arg16 : memref<128x128xf32, #tpu.memory_space<vmem>>) target(%dma_start3A_85 : memref<128x128xf32, #tpu.memory_space<hbm>>) target_semaphore(%run_scoped3A : memref<!tpu.dma_semaphore, #tpu.memory_space<semaphore_mem>>)
        %dma_wait3A_86 = arith.constant 0 : i32
        %dma_wait3A_87 = tpu.memref_slice %arg11[%add3A_81, %dma_wait3A_86] : memref<40960x128xf32, #tpu.memory_space<hbm>> -> memref<128x128xf32, #tpu.memory_space<hbm>>
        %dma_wait3A_88 = arith.constant 0 : i32
        %dma_wait3A_89 = tpu.memref_slice %arg11[%add3A_81, %dma_wait3A_88] : memref<40960x128xf32, #tpu.memory_space<hbm>> -> memref<128x128xf32, #tpu.memory_space<hbm>>
        tpu.wait_dma2 semaphore(%run_scoped3A : memref<!tpu.dma_semaphore, #tpu.memory_space<semaphore_mem>>) src(%arg16 : memref<128x128xf32, #tpu.memory_space<vmem>>) dst(%dma_wait3A_89 : memref<128x128xf32, #tpu.memory_space<hbm>>)
        tpu.yield
      }) : () -> ()
      "tpu.region"() ({
        %run_scoped3A = tpu.sem_alloc : memref<!tpu.dma_semaphore, #tpu.memory_space<semaphore_mem>>
        %dma_start3A_82 = arith.constant 0 : i32
        %dma_start3A_83 = tpu.memref_slice %arg12[%add3A_81, %dma_start3A_82] : memref<40960x128xf32, #tpu.memory_space<hbm>> -> memref<128x128xf32, #tpu.memory_space<hbm>>
        %dma_start3A_84 = arith.constant 0 : i32
        %dma_start3A_85 = tpu.memref_slice %arg12[%add3A_81, %dma_start3A_84] : memref<40960x128xf32, #tpu.memory_space<hbm>> -> memref<128x128xf32, #tpu.memory_space<hbm>>
        tpu.enqueue_dma source(%arg17 : memref<128x128xf32, #tpu.memory_space<vmem>>) target(%dma_start3A_85 : memref<128x128xf32, #tpu.memory_space<hbm>>) target_semaphore(%run_scoped3A : memref<!tpu.dma_semaphore, #tpu.memory_space<semaphore_mem>>)
        %dma_wait3A_86 = arith.constant 0 : i32
        %dma_wait3A_87 = tpu.memref_slice %arg12[%add3A_81, %dma_wait3A_86] : memref<40960x128xf32, #tpu.memory_space<hbm>> -> memref<128x128xf32, #tpu.memory_space<hbm>>
        %dma_wait3A_88 = arith.constant 0 : i32
        %dma_wait3A_89 = tpu.memref_slice %arg12[%add3A_81, %dma_wait3A_88] : memref<40960x128xf32, #tpu.memory_space<hbm>> -> memref<128x128xf32, #tpu.memory_space<hbm>>
        tpu.wait_dma2 semaphore(%run_scoped3A : memref<!tpu.dma_semaphore, #tpu.memory_space<semaphore_mem>>) src(%arg17 : memref<128x128xf32, #tpu.memory_space<vmem>>) dst(%dma_wait3A_89 : memref<128x128xf32, #tpu.memory_space<hbm>>)
        tpu.yield
      }) : () -> ()
    }
    %scan3A_7 = arith.constant 10 : i32
    return
  }
}

module attributes {stable_mosaic.version = 14 : i64} {
  func.func @_table_matmul_body(%arg0: i32, %arg1: memref<2000x96xf32, #tpu.memory_space<vmem>>, %arg2: memref<96x384xf32, #tpu.memory_space<vmem>>, %arg3: memref<2000x128xf32, #tpu.memory_space<vmem>>, %arg4: memref<2000x128xf32, #tpu.memory_space<vmem>>, %arg5: memref<2000x128xf32, #tpu.memory_space<vmem>>) attributes {dimension_semantics = [#tpu.dimension_semantics<arbitrary>], iteration_bounds = array<i64: 50>, scalar_prefetch = 0 : i64, scratch_operands = 0 : i64, tpu.core_type = #tpu.core_type<tc>, window_params = [{transform_indices = @transform_0, window_bounds = array<i64: 2000, 96>}, {pipeline_mode = #tpu.pipeline_mode<synchronous>, transform_indices = @transform_1, window_bounds = array<i64: 96, 384>}, {transform_indices = @transform_2, window_bounds = array<i64: 2000, 128>}, {transform_indices = @transform_3, window_bounds = array<i64: 2000, 128>}, {transform_indices = @transform_4, window_bounds = array<i64: 2000, 128>}]} {
    %get3A = arith.constant 0 : index
    %get3A_0 = arith.constant 0 : index
    %get3A_1 = vector.load %arg1[%get3A, %get3A_0] : memref<2000x96xf32, #tpu.memory_space<vmem>>, vector<2000x96xf32>
    %get3A_2 = arith.constant 0 : index
    %get3A_3 = arith.constant 0 : index
    %get3A_4 = vector.load %arg2[%get3A_2, %get3A_3] : memref<96x384xf32, #tpu.memory_space<vmem>>, vector<96x384xf32>
    %dot_general3A = arith.constant dense<0.000000e+00> : vector<2000x384xf32>
    %dot_general3A_5 = tpu.matmul %get3A_1, %get3A_4, %dot_general3A {dimension_numbers = #tpu.dot_dimension_numbers<[1], [0], [0], [1], [0, 0, 1, 1], [], []>, transpose_lhs_hint = false} : vector<2000x96xf32>, vector<96x384xf32>, vector<2000x384xf32> -> vector<2000x384xf32>
    %slice3A = vector.extract_strided_slice %dot_general3A_5 {offsets = [0, 0], sizes = [2000, 128], strides = [1, 1]} : vector<2000x384xf32> to vector<2000x128xf32>
    %swap3A = arith.constant 0 : index
    %swap3A_6 = arith.constant 0 : index
    %swap3A_7 = vector.load %arg3[%swap3A, %swap3A_6] : memref<2000x128xf32, #tpu.memory_space<vmem>>, vector<2000x128xf32>
    tpu.vector_store %arg3[%swap3A, %swap3A_6], %slice3A {strides = array<i32>} : memref<2000x128xf32, #tpu.memory_space<vmem>>, vector<2000x128xf32>,
    %slice3A_8 = vector.extract_strided_slice %dot_general3A_5 {offsets = [0, 128], sizes = [2000, 128], strides = [1, 1]} : vector<2000x384xf32> to vector<2000x128xf32>
    %swap3A_9 = arith.constant 0 : index
    %swap3A_10 = arith.constant 0 : index
    %swap3A_11 = vector.load %arg4[%swap3A_9, %swap3A_10] : memref<2000x128xf32, #tpu.memory_space<vmem>>, vector<2000x128xf32>
    tpu.vector_store %arg4[%swap3A_9, %swap3A_10], %slice3A_8 {strides = array<i32>} : memref<2000x128xf32, #tpu.memory_space<vmem>>, vector<2000x128xf32>,
    %slice3A_12 = vector.extract_strided_slice %dot_general3A_5 {offsets = [0, 256], sizes = [2000, 128], strides = [1, 1]} : vector<2000x384xf32> to vector<2000x128xf32>
    %swap3A_13 = arith.constant 0 : index
    %swap3A_14 = arith.constant 0 : index
    %swap3A_15 = vector.load %arg5[%swap3A_13, %swap3A_14] : memref<2000x128xf32, #tpu.memory_space<vmem>>, vector<2000x128xf32>
    tpu.vector_store %arg5[%swap3A_13, %swap3A_14], %slice3A_12 {strides = array<i32>} : memref<2000x128xf32, #tpu.memory_space<vmem>>, vector<2000x128xf32>,
    return
  }
  func.func @transform_0(%arg0: i32) -> (i32, i32) {
    %c0_i32 = arith.constant 0 : i32
    %c0_i32_0 = arith.constant 0 : i32
    return %arg0, %c0_i32 : i32, i32
  }
  func.func @transform_1(%arg0: i32) -> (i32, i32) {
    %c0_i32 = arith.constant 0 : i32
    %c0_i32_0 = arith.constant 0 : i32
    %c0_i32_1 = arith.constant 0 : i32
    return %c0_i32, %c0_i32_0 : i32, i32
  }
  func.func @transform_2(%arg0: i32) -> (i32, i32) {
    %c0_i32 = arith.constant 0 : i32
    %c0_i32_0 = arith.constant 0 : i32
    return %arg0, %c0_i32 : i32, i32
  }
  func.func @transform_3(%arg0: i32) -> (i32, i32) {
    %c0_i32 = arith.constant 0 : i32
    %c0_i32_0 = arith.constant 0 : i32
    return %arg0, %c0_i32 : i32, i32
  }
  func.func @transform_4(%arg0: i32) -> (i32, i32) {
    %c0_i32 = arith.constant 0 : i32
    %c0_i32_0 = arith.constant 0 : i32
    return %arg0, %c0_i32 : i32, i32
  }
}

module attributes {stable_mosaic.version = 14 : i64} {
  func.func @_mlp_body0(%arg0: i32, %arg1: memref<1024x128xf32, #tpu.memory_space<vmem>>, %arg2: memref<1024x128xf32, #tpu.memory_space<vmem>>, %arg3: memref<1024x128xf32, #tpu.memory_space<vmem>>, %arg4: memref<1024x21xf32, #tpu.memory_space<vmem>>, %arg5: memref<1024x1xi32, #tpu.memory_space<vmem>>, %arg6: memref<21x384xf32, #tpu.memory_space<vmem>>, %arg7: memref<64x384xf32, #tpu.memory_space<vmem>>, %arg8: memref<384x384xf32, #tpu.memory_space<vmem>>, %arg9: memref<1x384xf32, #tpu.memory_space<vmem>>, %arg10: memref<1024x384xf32, #tpu.memory_space<vmem>>) attributes {dimension_semantics = [#tpu.dimension_semantics<arbitrary>], iteration_bounds = array<i64: 40>, scalar_prefetch = 0 : i64, scratch_operands = 0 : i64, tpu.core_type = #tpu.core_type<tc>, window_params = [{transform_indices = @transform_0, window_bounds = array<i64: 1024, 128>}, {transform_indices = @transform_1, window_bounds = array<i64: 1024, 128>}, {transform_indices = @transform_2, window_bounds = array<i64: 1024, 128>}, {transform_indices = @transform_3, window_bounds = array<i64: 1024, 21>}, {transform_indices = @transform_4, window_bounds = array<i64: 1024, 1>}, {pipeline_mode = #tpu.pipeline_mode<synchronous>, transform_indices = @transform_5, window_bounds = array<i64: 21, 384>}, {pipeline_mode = #tpu.pipeline_mode<synchronous>, transform_indices = @transform_6, window_bounds = array<i64: 64, 384>}, {pipeline_mode = #tpu.pipeline_mode<synchronous>, transform_indices = @transform_7, window_bounds = array<i64: 384, 384>}, {pipeline_mode = #tpu.pipeline_mode<synchronous>, transform_indices = @transform_8, window_bounds = array<i64: 1, 384>}, {transform_indices = @transform_9, window_bounds = array<i64: 1024, 384>}]} {
    %get3A = arith.constant 0 : index
    %get3A_0 = arith.constant 0 : index
    %get3A_1 = vector.load %arg1[%get3A, %get3A_0] : memref<1024x128xf32, #tpu.memory_space<vmem>>, vector<1024x128xf32>
    %get3A_2 = arith.constant 0 : index
    %get3A_3 = arith.constant 0 : index
    %get3A_4 = vector.load %arg2[%get3A_2, %get3A_3] : memref<1024x128xf32, #tpu.memory_space<vmem>>, vector<1024x128xf32>
    %get3A_5 = arith.constant 0 : index
    %get3A_6 = arith.constant 0 : index
    %get3A_7 = vector.load %arg3[%get3A_5, %get3A_6] : memref<1024x128xf32, #tpu.memory_space<vmem>>, vector<1024x128xf32>
    %concatenate3A = tpu.concatenate %get3A_1, %get3A_4, %get3A_7 in 1 : vector<1024x128xf32>, vector<1024x128xf32>, vector<1024x128xf32> -> vector<1024x384xf32>
    %get3A_8 = arith.constant 0 : index
    %get3A_9 = arith.constant 0 : index
    %get3A_10 = vector.load %arg4[%get3A_8, %get3A_9] : memref<1024x21xf32, #tpu.memory_space<vmem>>, vector<1024x21xf32>
    %get3A_11 = arith.constant 0 : index
    %get3A_12 = arith.constant 0 : index
    %get3A_13 = vector.load %arg6[%get3A_11, %get3A_12] : memref<21x384xf32, #tpu.memory_space<vmem>>, vector<21x384xf32>
    %dot_general3A = arith.constant dense<0.000000e+00> : vector<1024x384xf32>
    %dot_general3A_14 = tpu.matmul %get3A_10, %get3A_13, %dot_general3A {dimension_numbers = #tpu.dot_dimension_numbers<[1], [0], [0], [1], [0, 0, 1, 1], [], []>, transpose_lhs_hint = false} : vector<1024x21xf32>, vector<21x384xf32>, vector<1024x384xf32> -> vector<1024x384xf32>
    %add3A = arith.addf %concatenate3A, %dot_general3A_14 : vector<1024x384xf32>
    %iota3A = tpu.iota {dimensions = array<i32: 1>} : vector<1024x64xi32>
    %get3A_15 = arith.constant 0 : index
    %get3A_16 = arith.constant 0 : index
    %get3A_17 = vector.load %arg5[%get3A_15, %get3A_16] : memref<1024x1xi32, #tpu.memory_space<vmem>>, vector<1024x1xi32>
    %eq3A = vector.broadcast %get3A_17 : vector<1024x1xi32> to vector<1024x64xi32>
    %eq3A_18 = arith.cmpi eq, %iota3A, %eq3A : vector<1024x64xi32>
    %convert_element_type3A = arith.extui %eq3A_18 : vector<1024x64xi1> to vector<1024x64xi32>
    %convert_element_type3A_19 = arith.sitofp %convert_element_type3A : vector<1024x64xi32> to vector<1024x64xf32>
    %get3A_20 = arith.constant 0 : index
    %get3A_21 = arith.constant 0 : index
    %get3A_22 = vector.load %arg7[%get3A_20, %get3A_21] : memref<64x384xf32, #tpu.memory_space<vmem>>, vector<64x384xf32>
    %dot_general3A_23 = arith.constant dense<0.000000e+00> : vector<1024x384xf32>
    %dot_general3A_24 = tpu.matmul %convert_element_type3A_19, %get3A_22, %dot_general3A_23 {dimension_numbers = #tpu.dot_dimension_numbers<[1], [0], [0], [1], [0, 0, 1, 1], [], []>, transpose_lhs_hint = false} : vector<1024x64xf32>, vector<64x384xf32>, vector<1024x384xf32> -> vector<1024x384xf32>
    %add3A_25 = arith.addf %add3A, %dot_general3A_24 : vector<1024x384xf32>
    %mul3A = arith.constant 5.000000e-01 : f32
    %mul3A_26 = vector.broadcast %mul3A : f32 to vector<1024x384xf32>
    %mul3A_27 = arith.mulf %mul3A_26, %add3A_25 : vector<1024x384xf32>
    %mul3A_28 = arith.constant 0.707106769 : f32
    %mul3A_29 = vector.broadcast %mul3A_28 : f32 to vector<1024x384xf32>
    %mul3A_30 = arith.mulf %add3A_25, %mul3A_29 : vector<1024x384xf32>
    %erf3A = math.erf %mul3A_30 : vector<1024x384xf32>
    %add3A_31 = arith.constant 1.000000e+00 : f32
    %add3A_32 = vector.broadcast %add3A_31 : f32 to vector<1024x384xf32>
    %add3A_33 = arith.addf %add3A_32, %erf3A : vector<1024x384xf32>
    %mul3A_34 = arith.mulf %mul3A_27, %add3A_33 : vector<1024x384xf32>
    %get3A_35 = arith.constant 0 : index
    %get3A_36 = arith.constant 0 : index
    %get3A_37 = vector.load %arg8[%get3A_35, %get3A_36] : memref<384x384xf32, #tpu.memory_space<vmem>>, vector<384x384xf32>
    %dot_general3A_38 = arith.constant dense<0.000000e+00> : vector<1024x384xf32>
    %dot_general3A_39 = tpu.matmul %mul3A_34, %get3A_37, %dot_general3A_38 {dimension_numbers = #tpu.dot_dimension_numbers<[1], [0], [0], [1], [0, 0, 1, 1], [], []>, transpose_lhs_hint = false} : vector<1024x384xf32>, vector<384x384xf32>, vector<1024x384xf32> -> vector<1024x384xf32>
    %get3A_40 = arith.constant 0 : index
    %get3A_41 = arith.constant 0 : index
    %get3A_42 = vector.load %arg9[%get3A_40, %get3A_41] : memref<1x384xf32, #tpu.memory_space<vmem>>, vector<1x384xf32>
    %add3A_43 = vector.broadcast %get3A_42 : vector<1x384xf32> to vector<1024x384xf32>
    %add3A_44 = arith.addf %dot_general3A_39, %add3A_43 : vector<1024x384xf32>
    %swap3A = arith.constant 0 : index
    %swap3A_45 = arith.constant 0 : index
    %swap3A_46 = vector.load %arg10[%swap3A, %swap3A_45] : memref<1024x384xf32, #tpu.memory_space<vmem>>, vector<1024x384xf32>
    tpu.vector_store %arg10[%swap3A, %swap3A_45], %add3A_44 {strides = array<i32>} : memref<1024x384xf32, #tpu.memory_space<vmem>>, vector<1024x384xf32>,
    return
  }
  func.func @transform_0(%arg0: i32) -> (i32, i32) {
    %c0_i32 = arith.constant 0 : i32
    %c0_i32_0 = arith.constant 0 : i32
    return %arg0, %c0_i32 : i32, i32
  }
  func.func @transform_1(%arg0: i32) -> (i32, i32) {
    %c0_i32 = arith.constant 0 : i32
    %c0_i32_0 = arith.constant 0 : i32
    return %arg0, %c0_i32 : i32, i32
  }
  func.func @transform_2(%arg0: i32) -> (i32, i32) {
    %c0_i32 = arith.constant 0 : i32
    %c0_i32_0 = arith.constant 0 : i32
    return %arg0, %c0_i32 : i32, i32
  }
  func.func @transform_3(%arg0: i32) -> (i32, i32) {
    %add3A = arith.constant 0 : i32
    %add3A_0 = arith.addi %add3A, %arg0 : i32
    %c0_i32 = arith.constant 0 : i32
    %c0_i32_1 = arith.constant 0 : i32
    return %add3A_0, %c0_i32 : i32, i32
  }
  func.func @transform_4(%arg0: i32) -> (i32, i32) {
    %add3A = arith.constant 0 : i32
    %add3A_0 = arith.addi %add3A, %arg0 : i32
    %c0_i32 = arith.constant 0 : i32
    %c0_i32_1 = arith.constant 0 : i32
    return %add3A_0, %c0_i32 : i32, i32
  }
  func.func @transform_5(%arg0: i32) -> (i32, i32) {
    %c0_i32 = arith.constant 0 : i32
    %c0_i32_0 = arith.constant 0 : i32
    %c0_i32_1 = arith.constant 0 : i32
    return %c0_i32, %c0_i32_0 : i32, i32
  }
  func.func @transform_6(%arg0: i32) -> (i32, i32) {
    %c0_i32 = arith.constant 0 : i32
    %c0_i32_0 = arith.constant 0 : i32
    %c0_i32_1 = arith.constant 0 : i32
    return %c0_i32, %c0_i32_0 : i32, i32
  }
  func.func @transform_7(%arg0: i32) -> (i32, i32) {
    %c0_i32 = arith.constant 0 : i32
    %c0_i32_0 = arith.constant 0 : i32
    %c0_i32_1 = arith.constant 0 : i32
    return %c0_i32, %c0_i32_0 : i32, i32
  }
  func.func @transform_8(%arg0: i32) -> (i32, i32) {
    %c0_i32 = arith.constant 0 : i32
    %c0_i32_0 = arith.constant 0 : i32
    %c0_i32_1 = arith.constant 0 : i32
    return %c0_i32, %c0_i32_0 : i32, i32
  }
  func.func @transform_9(%arg0: i32) -> (i32, i32) {
    %add3A = arith.constant 0 : i32
    %add3A_0 = arith.addi %add3A, %arg0 : i32
    %c0_i32 = arith.constant 0 : i32
    %c0_i32_1 = arith.constant 0 : i32
    return %add3A_0, %c0_i32 : i32, i32
  }
}

module attributes {stable_mosaic.version = 14 : i64} {
  func.func @_mlp_body(%arg0: i32, %arg1: memref<204800x384xf32, #tpu.memory_space<any>>, %arg2: memref<1024x128xf32, #tpu.memory_space<vmem>>, %arg3: memref<1024x128xf32, #tpu.memory_space<vmem>>, %arg4: memref<1024x128xf32, #tpu.memory_space<vmem>>, %arg5: memref<1024x21xf32, #tpu.memory_space<vmem>>, %arg6: memref<1024x1xi32, #tpu.memory_space<vmem>>, %arg7: memref<21x384xf32, #tpu.memory_space<vmem>>, %arg8: memref<64x384xf32, #tpu.memory_space<vmem>>, %arg9: memref<384x384xf32, #tpu.memory_space<vmem>>, %arg10: memref<1x384xf32, #tpu.memory_space<vmem>>, %arg11: memref<1024x384xf32, #tpu.memory_space<vmem>>) attributes {dimension_semantics = [#tpu.dimension_semantics<arbitrary>], iteration_bounds = array<i64: 40>, scalar_prefetch = 0 : i64, scratch_operands = 0 : i64, tpu.core_type = #tpu.core_type<tc>, window_params = [{}, {transform_indices = @transform_1, window_bounds = array<i64: 1024, 128>}, {transform_indices = @transform_2, window_bounds = array<i64: 1024, 128>}, {transform_indices = @transform_3, window_bounds = array<i64: 1024, 128>}, {transform_indices = @transform_4, window_bounds = array<i64: 1024, 21>}, {transform_indices = @transform_5, window_bounds = array<i64: 1024, 1>}, {pipeline_mode = #tpu.pipeline_mode<synchronous>, transform_indices = @transform_6, window_bounds = array<i64: 21, 384>}, {pipeline_mode = #tpu.pipeline_mode<synchronous>, transform_indices = @transform_7, window_bounds = array<i64: 64, 384>}, {pipeline_mode = #tpu.pipeline_mode<synchronous>, transform_indices = @transform_8, window_bounds = array<i64: 384, 384>}, {pipeline_mode = #tpu.pipeline_mode<synchronous>, transform_indices = @transform_9, window_bounds = array<i64: 1, 384>}, {transform_indices = @transform_10, window_bounds = array<i64: 1024, 384>}]} {
    %get3A = arith.constant 0 : index
    %get3A_0 = arith.constant 0 : index
    %get3A_1 = vector.load %arg2[%get3A, %get3A_0] : memref<1024x128xf32, #tpu.memory_space<vmem>>, vector<1024x128xf32>
    %get3A_2 = arith.constant 0 : index
    %get3A_3 = arith.constant 0 : index
    %get3A_4 = vector.load %arg3[%get3A_2, %get3A_3] : memref<1024x128xf32, #tpu.memory_space<vmem>>, vector<1024x128xf32>
    %get3A_5 = arith.constant 0 : index
    %get3A_6 = arith.constant 0 : index
    %get3A_7 = vector.load %arg4[%get3A_5, %get3A_6] : memref<1024x128xf32, #tpu.memory_space<vmem>>, vector<1024x128xf32>
    %concatenate3A = tpu.concatenate %get3A_1, %get3A_4, %get3A_7 in 1 : vector<1024x128xf32>, vector<1024x128xf32>, vector<1024x128xf32> -> vector<1024x384xf32>
    %get3A_8 = arith.constant 0 : index
    %get3A_9 = arith.constant 0 : index
    %get3A_10 = vector.load %arg5[%get3A_8, %get3A_9] : memref<1024x21xf32, #tpu.memory_space<vmem>>, vector<1024x21xf32>
    %get3A_11 = arith.constant 0 : index
    %get3A_12 = arith.constant 0 : index
    %get3A_13 = vector.load %arg7[%get3A_11, %get3A_12] : memref<21x384xf32, #tpu.memory_space<vmem>>, vector<21x384xf32>
    %dot_general3A = arith.constant dense<0.000000e+00> : vector<1024x384xf32>
    %dot_general3A_14 = tpu.matmul %get3A_10, %get3A_13, %dot_general3A {dimension_numbers = #tpu.dot_dimension_numbers<[1], [0], [0], [1], [0, 0, 1, 1], [], []>, transpose_lhs_hint = false} : vector<1024x21xf32>, vector<21x384xf32>, vector<1024x384xf32> -> vector<1024x384xf32>
    %add3A = arith.addf %concatenate3A, %dot_general3A_14 : vector<1024x384xf32>
    %iota3A = tpu.iota {dimensions = array<i32: 1>} : vector<1024x64xi32>
    %get3A_15 = arith.constant 0 : index
    %get3A_16 = arith.constant 0 : index
    %get3A_17 = vector.load %arg6[%get3A_15, %get3A_16] : memref<1024x1xi32, #tpu.memory_space<vmem>>, vector<1024x1xi32>
    %eq3A = vector.broadcast %get3A_17 : vector<1024x1xi32> to vector<1024x64xi32>
    %eq3A_18 = arith.cmpi eq, %iota3A, %eq3A : vector<1024x64xi32>
    %convert_element_type3A = arith.extui %eq3A_18 : vector<1024x64xi1> to vector<1024x64xi32>
    %convert_element_type3A_19 = arith.sitofp %convert_element_type3A : vector<1024x64xi32> to vector<1024x64xf32>
    %get3A_20 = arith.constant 0 : index
    %get3A_21 = arith.constant 0 : index
    %get3A_22 = vector.load %arg8[%get3A_20, %get3A_21] : memref<64x384xf32, #tpu.memory_space<vmem>>, vector<64x384xf32>
    %dot_general3A_23 = arith.constant dense<0.000000e+00> : vector<1024x384xf32>
    %dot_general3A_24 = tpu.matmul %convert_element_type3A_19, %get3A_22, %dot_general3A_23 {dimension_numbers = #tpu.dot_dimension_numbers<[1], [0], [0], [1], [0, 0, 1, 1], [], []>, transpose_lhs_hint = false} : vector<1024x64xf32>, vector<64x384xf32>, vector<1024x384xf32> -> vector<1024x384xf32>
    %add3A_25 = arith.addf %add3A, %dot_general3A_24 : vector<1024x384xf32>
    %mul3A = arith.constant 5.000000e-01 : f32
    %mul3A_26 = vector.broadcast %mul3A : f32 to vector<1024x384xf32>
    %mul3A_27 = arith.mulf %mul3A_26, %add3A_25 : vector<1024x384xf32>
    %mul3A_28 = arith.constant 0.707106769 : f32
    %mul3A_29 = vector.broadcast %mul3A_28 : f32 to vector<1024x384xf32>
    %mul3A_30 = arith.mulf %add3A_25, %mul3A_29 : vector<1024x384xf32>
    %erf3A = math.erf %mul3A_30 : vector<1024x384xf32>
    %add3A_31 = arith.constant 1.000000e+00 : f32
    %add3A_32 = vector.broadcast %add3A_31 : f32 to vector<1024x384xf32>
    %add3A_33 = arith.addf %add3A_32, %erf3A : vector<1024x384xf32>
    %mul3A_34 = arith.mulf %mul3A_27, %add3A_33 : vector<1024x384xf32>
    %get3A_35 = arith.constant 0 : index
    %get3A_36 = arith.constant 0 : index
    %get3A_37 = vector.load %arg9[%get3A_35, %get3A_36] : memref<384x384xf32, #tpu.memory_space<vmem>>, vector<384x384xf32>
    %dot_general3A_38 = arith.constant dense<0.000000e+00> : vector<1024x384xf32>
    %dot_general3A_39 = tpu.matmul %mul3A_34, %get3A_37, %dot_general3A_38 {dimension_numbers = #tpu.dot_dimension_numbers<[1], [0], [0], [1], [0, 0, 1, 1], [], []>, transpose_lhs_hint = false} : vector<1024x384xf32>, vector<384x384xf32>, vector<1024x384xf32> -> vector<1024x384xf32>
    %get3A_40 = arith.constant 0 : index
    %get3A_41 = arith.constant 0 : index
    %get3A_42 = vector.load %arg10[%get3A_40, %get3A_41] : memref<1x384xf32, #tpu.memory_space<vmem>>, vector<1x384xf32>
    %add3A_43 = vector.broadcast %get3A_42 : vector<1x384xf32> to vector<1024x384xf32>
    %add3A_44 = arith.addf %dot_general3A_39, %add3A_43 : vector<1024x384xf32>
    %swap3A = arith.constant 0 : index
    %swap3A_45 = arith.constant 0 : index
    %swap3A_46 = vector.load %arg11[%swap3A, %swap3A_45] : memref<1024x384xf32, #tpu.memory_space<vmem>>, vector<1024x384xf32>
    tpu.vector_store %arg11[%swap3A, %swap3A_45], %add3A_44 {strides = array<i32>} : memref<1024x384xf32, #tpu.memory_space<vmem>>, vector<1024x384xf32>,
    return
  }
  func.func @transform_1(%arg0: i32) -> (i32, i32) {
    %c0_i32 = arith.constant 0 : i32
    %c0_i32_0 = arith.constant 0 : i32
    return %arg0, %c0_i32 : i32, i32
  }
  func.func @transform_2(%arg0: i32) -> (i32, i32) {
    %c0_i32 = arith.constant 0 : i32
    %c0_i32_0 = arith.constant 0 : i32
    return %arg0, %c0_i32 : i32, i32
  }
  func.func @transform_3(%arg0: i32) -> (i32, i32) {
    %c0_i32 = arith.constant 0 : i32
    %c0_i32_0 = arith.constant 0 : i32
    return %arg0, %c0_i32 : i32, i32
  }
  func.func @transform_4(%arg0: i32) -> (i32, i32) {
    %add3A = arith.constant 40 : i32
    %add3A_0 = arith.addi %add3A, %arg0 : i32
    %c0_i32 = arith.constant 0 : i32
    %c0_i32_1 = arith.constant 0 : i32
    return %add3A_0, %c0_i32 : i32, i32
  }
  func.func @transform_5(%arg0: i32) -> (i32, i32) {
    %add3A = arith.constant 40 : i32
    %add3A_0 = arith.addi %add3A, %arg0 : i32
    %c0_i32 = arith.constant 0 : i32
    %c0_i32_1 = arith.constant 0 : i32
    return %add3A_0, %c0_i32 : i32, i32
  }
  func.func @transform_6(%arg0: i32) -> (i32, i32) {
    %c0_i32 = arith.constant 0 : i32
    %c0_i32_0 = arith.constant 0 : i32
    %c0_i32_1 = arith.constant 0 : i32
    return %c0_i32, %c0_i32_0 : i32, i32
  }
  func.func @transform_7(%arg0: i32) -> (i32, i32) {
    %c0_i32 = arith.constant 0 : i32
    %c0_i32_0 = arith.constant 0 : i32
    %c0_i32_1 = arith.constant 0 : i32
    return %c0_i32, %c0_i32_0 : i32, i32
  }
  func.func @transform_8(%arg0: i32) -> (i32, i32) {
    %c0_i32 = arith.constant 0 : i32
    %c0_i32_0 = arith.constant 0 : i32
    %c0_i32_1 = arith.constant 0 : i32
    return %c0_i32, %c0_i32_0 : i32, i32
  }
  func.func @transform_9(%arg0: i32) -> (i32, i32) {
    %c0_i32 = arith.constant 0 : i32
    %c0_i32_0 = arith.constant 0 : i32
    %c0_i32_1 = arith.constant 0 : i32
    return %c0_i32, %c0_i32_0 : i32, i32
  }
  func.func @transform_10(%arg0: i32) -> (i32, i32) {
    %add3A = arith.constant 40 : i32
    %add3A_0 = arith.addi %add3A, %arg0 : i32
    %c0_i32 = arith.constant 0 : i32
    %c0_i32_1 = arith.constant 0 : i32
    return %add3A_0, %c0_i32 : i32, i32
  }
}

module attributes {stable_mosaic.version = 14 : i64} {
  func.func @_mlp_body(%arg0: i32, %arg1: memref<204800x384xf32, #tpu.memory_space<any>>, %arg2: memref<1024x128xf32, #tpu.memory_space<vmem>>, %arg3: memref<1024x128xf32, #tpu.memory_space<vmem>>, %arg4: memref<1024x128xf32, #tpu.memory_space<vmem>>, %arg5: memref<1024x21xf32, #tpu.memory_space<vmem>>, %arg6: memref<1024x1xi32, #tpu.memory_space<vmem>>, %arg7: memref<21x384xf32, #tpu.memory_space<vmem>>, %arg8: memref<64x384xf32, #tpu.memory_space<vmem>>, %arg9: memref<384x384xf32, #tpu.memory_space<vmem>>, %arg10: memref<1x384xf32, #tpu.memory_space<vmem>>, %arg11: memref<1024x384xf32, #tpu.memory_space<vmem>>) attributes {dimension_semantics = [#tpu.dimension_semantics<arbitrary>], iteration_bounds = array<i64: 40>, scalar_prefetch = 0 : i64, scratch_operands = 0 : i64, tpu.core_type = #tpu.core_type<tc>, window_params = [{}, {transform_indices = @transform_1, window_bounds = array<i64: 1024, 128>}, {transform_indices = @transform_2, window_bounds = array<i64: 1024, 128>}, {transform_indices = @transform_3, window_bounds = array<i64: 1024, 128>}, {transform_indices = @transform_4, window_bounds = array<i64: 1024, 21>}, {transform_indices = @transform_5, window_bounds = array<i64: 1024, 1>}, {pipeline_mode = #tpu.pipeline_mode<synchronous>, transform_indices = @transform_6, window_bounds = array<i64: 21, 384>}, {pipeline_mode = #tpu.pipeline_mode<synchronous>, transform_indices = @transform_7, window_bounds = array<i64: 64, 384>}, {pipeline_mode = #tpu.pipeline_mode<synchronous>, transform_indices = @transform_8, window_bounds = array<i64: 384, 384>}, {pipeline_mode = #tpu.pipeline_mode<synchronous>, transform_indices = @transform_9, window_bounds = array<i64: 1, 384>}, {transform_indices = @transform_10, window_bounds = array<i64: 1024, 384>}]} {
    %get3A = arith.constant 0 : index
    %get3A_0 = arith.constant 0 : index
    %get3A_1 = vector.load %arg2[%get3A, %get3A_0] : memref<1024x128xf32, #tpu.memory_space<vmem>>, vector<1024x128xf32>
    %get3A_2 = arith.constant 0 : index
    %get3A_3 = arith.constant 0 : index
    %get3A_4 = vector.load %arg3[%get3A_2, %get3A_3] : memref<1024x128xf32, #tpu.memory_space<vmem>>, vector<1024x128xf32>
    %get3A_5 = arith.constant 0 : index
    %get3A_6 = arith.constant 0 : index
    %get3A_7 = vector.load %arg4[%get3A_5, %get3A_6] : memref<1024x128xf32, #tpu.memory_space<vmem>>, vector<1024x128xf32>
    %concatenate3A = tpu.concatenate %get3A_1, %get3A_4, %get3A_7 in 1 : vector<1024x128xf32>, vector<1024x128xf32>, vector<1024x128xf32> -> vector<1024x384xf32>
    %get3A_8 = arith.constant 0 : index
    %get3A_9 = arith.constant 0 : index
    %get3A_10 = vector.load %arg5[%get3A_8, %get3A_9] : memref<1024x21xf32, #tpu.memory_space<vmem>>, vector<1024x21xf32>
    %get3A_11 = arith.constant 0 : index
    %get3A_12 = arith.constant 0 : index
    %get3A_13 = vector.load %arg7[%get3A_11, %get3A_12] : memref<21x384xf32, #tpu.memory_space<vmem>>, vector<21x384xf32>
    %dot_general3A = arith.constant dense<0.000000e+00> : vector<1024x384xf32>
    %dot_general3A_14 = tpu.matmul %get3A_10, %get3A_13, %dot_general3A {dimension_numbers = #tpu.dot_dimension_numbers<[1], [0], [0], [1], [0, 0, 1, 1], [], []>, transpose_lhs_hint = false} : vector<1024x21xf32>, vector<21x384xf32>, vector<1024x384xf32> -> vector<1024x384xf32>
    %add3A = arith.addf %concatenate3A, %dot_general3A_14 : vector<1024x384xf32>
    %iota3A = tpu.iota {dimensions = array<i32: 1>} : vector<1024x64xi32>
    %get3A_15 = arith.constant 0 : index
    %get3A_16 = arith.constant 0 : index
    %get3A_17 = vector.load %arg6[%get3A_15, %get3A_16] : memref<1024x1xi32, #tpu.memory_space<vmem>>, vector<1024x1xi32>
    %eq3A = vector.broadcast %get3A_17 : vector<1024x1xi32> to vector<1024x64xi32>
    %eq3A_18 = arith.cmpi eq, %iota3A, %eq3A : vector<1024x64xi32>
    %convert_element_type3A = arith.extui %eq3A_18 : vector<1024x64xi1> to vector<1024x64xi32>
    %convert_element_type3A_19 = arith.sitofp %convert_element_type3A : vector<1024x64xi32> to vector<1024x64xf32>
    %get3A_20 = arith.constant 0 : index
    %get3A_21 = arith.constant 0 : index
    %get3A_22 = vector.load %arg8[%get3A_20, %get3A_21] : memref<64x384xf32, #tpu.memory_space<vmem>>, vector<64x384xf32>
    %dot_general3A_23 = arith.constant dense<0.000000e+00> : vector<1024x384xf32>
    %dot_general3A_24 = tpu.matmul %convert_element_type3A_19, %get3A_22, %dot_general3A_23 {dimension_numbers = #tpu.dot_dimension_numbers<[1], [0], [0], [1], [0, 0, 1, 1], [], []>, transpose_lhs_hint = false} : vector<1024x64xf32>, vector<64x384xf32>, vector<1024x384xf32> -> vector<1024x384xf32>
    %add3A_25 = arith.addf %add3A, %dot_general3A_24 : vector<1024x384xf32>
    %mul3A = arith.constant 5.000000e-01 : f32
    %mul3A_26 = vector.broadcast %mul3A : f32 to vector<1024x384xf32>
    %mul3A_27 = arith.mulf %mul3A_26, %add3A_25 : vector<1024x384xf32>
    %mul3A_28 = arith.constant 0.707106769 : f32
    %mul3A_29 = vector.broadcast %mul3A_28 : f32 to vector<1024x384xf32>
    %mul3A_30 = arith.mulf %add3A_25, %mul3A_29 : vector<1024x384xf32>
    %erf3A = math.erf %mul3A_30 : vector<1024x384xf32>
    %add3A_31 = arith.constant 1.000000e+00 : f32
    %add3A_32 = vector.broadcast %add3A_31 : f32 to vector<1024x384xf32>
    %add3A_33 = arith.addf %add3A_32, %erf3A : vector<1024x384xf32>
    %mul3A_34 = arith.mulf %mul3A_27, %add3A_33 : vector<1024x384xf32>
    %get3A_35 = arith.constant 0 : index
    %get3A_36 = arith.constant 0 : index
    %get3A_37 = vector.load %arg9[%get3A_35, %get3A_36] : memref<384x384xf32, #tpu.memory_space<vmem>>, vector<384x384xf32>
    %dot_general3A_38 = arith.constant dense<0.000000e+00> : vector<1024x384xf32>
    %dot_general3A_39 = tpu.matmul %mul3A_34, %get3A_37, %dot_general3A_38 {dimension_numbers = #tpu.dot_dimension_numbers<[1], [0], [0], [1], [0, 0, 1, 1], [], []>, transpose_lhs_hint = false} : vector<1024x384xf32>, vector<384x384xf32>, vector<1024x384xf32> -> vector<1024x384xf32>
    %get3A_40 = arith.constant 0 : index
    %get3A_41 = arith.constant 0 : index
    %get3A_42 = vector.load %arg10[%get3A_40, %get3A_41] : memref<1x384xf32, #tpu.memory_space<vmem>>, vector<1x384xf32>
    %add3A_43 = vector.broadcast %get3A_42 : vector<1x384xf32> to vector<1024x384xf32>
    %add3A_44 = arith.addf %dot_general3A_39, %add3A_43 : vector<1024x384xf32>
    %swap3A = arith.constant 0 : index
    %swap3A_45 = arith.constant 0 : index
    %swap3A_46 = vector.load %arg11[%swap3A, %swap3A_45] : memref<1024x384xf32, #tpu.memory_space<vmem>>, vector<1024x384xf32>
    tpu.vector_store %arg11[%swap3A, %swap3A_45], %add3A_44 {strides = array<i32>} : memref<1024x384xf32, #tpu.memory_space<vmem>>, vector<1024x384xf32>,
    return
  }
  func.func @transform_1(%arg0: i32) -> (i32, i32) {
    %c0_i32 = arith.constant 0 : i32
    %c0_i32_0 = arith.constant 0 : i32
    return %arg0, %c0_i32 : i32, i32
  }
  func.func @transform_2(%arg0: i32) -> (i32, i32) {
    %c0_i32 = arith.constant 0 : i32
    %c0_i32_0 = arith.constant 0 : i32
    return %arg0, %c0_i32 : i32, i32
  }
  func.func @transform_3(%arg0: i32) -> (i32, i32) {
    %c0_i32 = arith.constant 0 : i32
    %c0_i32_0 = arith.constant 0 : i32
    return %arg0, %c0_i32 : i32, i32
  }
  func.func @transform_4(%arg0: i32) -> (i32, i32) {
    %add3A = arith.constant 80 : i32
    %add3A_0 = arith.addi %add3A, %arg0 : i32
    %c0_i32 = arith.constant 0 : i32
    %c0_i32_1 = arith.constant 0 : i32
    return %add3A_0, %c0_i32 : i32, i32
  }
  func.func @transform_5(%arg0: i32) -> (i32, i32) {
    %add3A = arith.constant 80 : i32
    %add3A_0 = arith.addi %add3A, %arg0 : i32
    %c0_i32 = arith.constant 0 : i32
    %c0_i32_1 = arith.constant 0 : i32
    return %add3A_0, %c0_i32 : i32, i32
  }
  func.func @transform_6(%arg0: i32) -> (i32, i32) {
    %c0_i32 = arith.constant 0 : i32
    %c0_i32_0 = arith.constant 0 : i32
    %c0_i32_1 = arith.constant 0 : i32
    return %c0_i32, %c0_i32_0 : i32, i32
  }
  func.func @transform_7(%arg0: i32) -> (i32, i32) {
    %c0_i32 = arith.constant 0 : i32
    %c0_i32_0 = arith.constant 0 : i32
    %c0_i32_1 = arith.constant 0 : i32
    return %c0_i32, %c0_i32_0 : i32, i32
  }
  func.func @transform_8(%arg0: i32) -> (i32, i32) {
    %c0_i32 = arith.constant 0 : i32
    %c0_i32_0 = arith.constant 0 : i32
    %c0_i32_1 = arith.constant 0 : i32
    return %c0_i32, %c0_i32_0 : i32, i32
  }
  func.func @transform_9(%arg0: i32) -> (i32, i32) {
    %c0_i32 = arith.constant 0 : i32
    %c0_i32_0 = arith.constant 0 : i32
    %c0_i32_1 = arith.constant 0 : i32
    return %c0_i32, %c0_i32_0 : i32, i32
  }
  func.func @transform_10(%arg0: i32) -> (i32, i32) {
    %add3A = arith.constant 80 : i32
    %add3A_0 = arith.addi %add3A, %arg0 : i32
    %c0_i32 = arith.constant 0 : i32
    %c0_i32_1 = arith.constant 0 : i32
    return %add3A_0, %c0_i32 : i32, i32
  }
}

module attributes {stable_mosaic.version = 14 : i64} {
  func.func @_mlp_body(%arg0: i32, %arg1: memref<204800x384xf32, #tpu.memory_space<any>>, %arg2: memref<1024x128xf32, #tpu.memory_space<vmem>>, %arg3: memref<1024x128xf32, #tpu.memory_space<vmem>>, %arg4: memref<1024x128xf32, #tpu.memory_space<vmem>>, %arg5: memref<1024x21xf32, #tpu.memory_space<vmem>>, %arg6: memref<1024x1xi32, #tpu.memory_space<vmem>>, %arg7: memref<21x384xf32, #tpu.memory_space<vmem>>, %arg8: memref<64x384xf32, #tpu.memory_space<vmem>>, %arg9: memref<384x384xf32, #tpu.memory_space<vmem>>, %arg10: memref<1x384xf32, #tpu.memory_space<vmem>>, %arg11: memref<1024x384xf32, #tpu.memory_space<vmem>>) attributes {dimension_semantics = [#tpu.dimension_semantics<arbitrary>], iteration_bounds = array<i64: 40>, scalar_prefetch = 0 : i64, scratch_operands = 0 : i64, tpu.core_type = #tpu.core_type<tc>, window_params = [{}, {transform_indices = @transform_1, window_bounds = array<i64: 1024, 128>}, {transform_indices = @transform_2, window_bounds = array<i64: 1024, 128>}, {transform_indices = @transform_3, window_bounds = array<i64: 1024, 128>}, {transform_indices = @transform_4, window_bounds = array<i64: 1024, 21>}, {transform_indices = @transform_5, window_bounds = array<i64: 1024, 1>}, {pipeline_mode = #tpu.pipeline_mode<synchronous>, transform_indices = @transform_6, window_bounds = array<i64: 21, 384>}, {pipeline_mode = #tpu.pipeline_mode<synchronous>, transform_indices = @transform_7, window_bounds = array<i64: 64, 384>}, {pipeline_mode = #tpu.pipeline_mode<synchronous>, transform_indices = @transform_8, window_bounds = array<i64: 384, 384>}, {pipeline_mode = #tpu.pipeline_mode<synchronous>, transform_indices = @transform_9, window_bounds = array<i64: 1, 384>}, {transform_indices = @transform_10, window_bounds = array<i64: 1024, 384>}]} {
    %get3A = arith.constant 0 : index
    %get3A_0 = arith.constant 0 : index
    %get3A_1 = vector.load %arg2[%get3A, %get3A_0] : memref<1024x128xf32, #tpu.memory_space<vmem>>, vector<1024x128xf32>
    %get3A_2 = arith.constant 0 : index
    %get3A_3 = arith.constant 0 : index
    %get3A_4 = vector.load %arg3[%get3A_2, %get3A_3] : memref<1024x128xf32, #tpu.memory_space<vmem>>, vector<1024x128xf32>
    %get3A_5 = arith.constant 0 : index
    %get3A_6 = arith.constant 0 : index
    %get3A_7 = vector.load %arg4[%get3A_5, %get3A_6] : memref<1024x128xf32, #tpu.memory_space<vmem>>, vector<1024x128xf32>
    %concatenate3A = tpu.concatenate %get3A_1, %get3A_4, %get3A_7 in 1 : vector<1024x128xf32>, vector<1024x128xf32>, vector<1024x128xf32> -> vector<1024x384xf32>
    %get3A_8 = arith.constant 0 : index
    %get3A_9 = arith.constant 0 : index
    %get3A_10 = vector.load %arg5[%get3A_8, %get3A_9] : memref<1024x21xf32, #tpu.memory_space<vmem>>, vector<1024x21xf32>
    %get3A_11 = arith.constant 0 : index
    %get3A_12 = arith.constant 0 : index
    %get3A_13 = vector.load %arg7[%get3A_11, %get3A_12] : memref<21x384xf32, #tpu.memory_space<vmem>>, vector<21x384xf32>
    %dot_general3A = arith.constant dense<0.000000e+00> : vector<1024x384xf32>
    %dot_general3A_14 = tpu.matmul %get3A_10, %get3A_13, %dot_general3A {dimension_numbers = #tpu.dot_dimension_numbers<[1], [0], [0], [1], [0, 0, 1, 1], [], []>, transpose_lhs_hint = false} : vector<1024x21xf32>, vector<21x384xf32>, vector<1024x384xf32> -> vector<1024x384xf32>
    %add3A = arith.addf %concatenate3A, %dot_general3A_14 : vector<1024x384xf32>
    %iota3A = tpu.iota {dimensions = array<i32: 1>} : vector<1024x64xi32>
    %get3A_15 = arith.constant 0 : index
    %get3A_16 = arith.constant 0 : index
    %get3A_17 = vector.load %arg6[%get3A_15, %get3A_16] : memref<1024x1xi32, #tpu.memory_space<vmem>>, vector<1024x1xi32>
    %eq3A = vector.broadcast %get3A_17 : vector<1024x1xi32> to vector<1024x64xi32>
    %eq3A_18 = arith.cmpi eq, %iota3A, %eq3A : vector<1024x64xi32>
    %convert_element_type3A = arith.extui %eq3A_18 : vector<1024x64xi1> to vector<1024x64xi32>
    %convert_element_type3A_19 = arith.sitofp %convert_element_type3A : vector<1024x64xi32> to vector<1024x64xf32>
    %get3A_20 = arith.constant 0 : index
    %get3A_21 = arith.constant 0 : index
    %get3A_22 = vector.load %arg8[%get3A_20, %get3A_21] : memref<64x384xf32, #tpu.memory_space<vmem>>, vector<64x384xf32>
    %dot_general3A_23 = arith.constant dense<0.000000e+00> : vector<1024x384xf32>
    %dot_general3A_24 = tpu.matmul %convert_element_type3A_19, %get3A_22, %dot_general3A_23 {dimension_numbers = #tpu.dot_dimension_numbers<[1], [0], [0], [1], [0, 0, 1, 1], [], []>, transpose_lhs_hint = false} : vector<1024x64xf32>, vector<64x384xf32>, vector<1024x384xf32> -> vector<1024x384xf32>
    %add3A_25 = arith.addf %add3A, %dot_general3A_24 : vector<1024x384xf32>
    %mul3A = arith.constant 5.000000e-01 : f32
    %mul3A_26 = vector.broadcast %mul3A : f32 to vector<1024x384xf32>
    %mul3A_27 = arith.mulf %mul3A_26, %add3A_25 : vector<1024x384xf32>
    %mul3A_28 = arith.constant 0.707106769 : f32
    %mul3A_29 = vector.broadcast %mul3A_28 : f32 to vector<1024x384xf32>
    %mul3A_30 = arith.mulf %add3A_25, %mul3A_29 : vector<1024x384xf32>
    %erf3A = math.erf %mul3A_30 : vector<1024x384xf32>
    %add3A_31 = arith.constant 1.000000e+00 : f32
    %add3A_32 = vector.broadcast %add3A_31 : f32 to vector<1024x384xf32>
    %add3A_33 = arith.addf %add3A_32, %erf3A : vector<1024x384xf32>
    %mul3A_34 = arith.mulf %mul3A_27, %add3A_33 : vector<1024x384xf32>
    %get3A_35 = arith.constant 0 : index
    %get3A_36 = arith.constant 0 : index
    %get3A_37 = vector.load %arg9[%get3A_35, %get3A_36] : memref<384x384xf32, #tpu.memory_space<vmem>>, vector<384x384xf32>
    %dot_general3A_38 = arith.constant dense<0.000000e+00> : vector<1024x384xf32>
    %dot_general3A_39 = tpu.matmul %mul3A_34, %get3A_37, %dot_general3A_38 {dimension_numbers = #tpu.dot_dimension_numbers<[1], [0], [0], [1], [0, 0, 1, 1], [], []>, transpose_lhs_hint = false} : vector<1024x384xf32>, vector<384x384xf32>, vector<1024x384xf32> -> vector<1024x384xf32>
    %get3A_40 = arith.constant 0 : index
    %get3A_41 = arith.constant 0 : index
    %get3A_42 = vector.load %arg10[%get3A_40, %get3A_41] : memref<1x384xf32, #tpu.memory_space<vmem>>, vector<1x384xf32>
    %add3A_43 = vector.broadcast %get3A_42 : vector<1x384xf32> to vector<1024x384xf32>
    %add3A_44 = arith.addf %dot_general3A_39, %add3A_43 : vector<1024x384xf32>
    %swap3A = arith.constant 0 : index
    %swap3A_45 = arith.constant 0 : index
    %swap3A_46 = vector.load %arg11[%swap3A, %swap3A_45] : memref<1024x384xf32, #tpu.memory_space<vmem>>, vector<1024x384xf32>
    tpu.vector_store %arg11[%swap3A, %swap3A_45], %add3A_44 {strides = array<i32>} : memref<1024x384xf32, #tpu.memory_space<vmem>>, vector<1024x384xf32>,
    return
  }
  func.func @transform_1(%arg0: i32) -> (i32, i32) {
    %c0_i32 = arith.constant 0 : i32
    %c0_i32_0 = arith.constant 0 : i32
    return %arg0, %c0_i32 : i32, i32
  }
  func.func @transform_2(%arg0: i32) -> (i32, i32) {
    %c0_i32 = arith.constant 0 : i32
    %c0_i32_0 = arith.constant 0 : i32
    return %arg0, %c0_i32 : i32, i32
  }
  func.func @transform_3(%arg0: i32) -> (i32, i32) {
    %c0_i32 = arith.constant 0 : i32
    %c0_i32_0 = arith.constant 0 : i32
    return %arg0, %c0_i32 : i32, i32
  }
  func.func @transform_4(%arg0: i32) -> (i32, i32) {
    %add3A = arith.constant 120 : i32
    %add3A_0 = arith.addi %add3A, %arg0 : i32
    %c0_i32 = arith.constant 0 : i32
    %c0_i32_1 = arith.constant 0 : i32
    return %add3A_0, %c0_i32 : i32, i32
  }
  func.func @transform_5(%arg0: i32) -> (i32, i32) {
    %add3A = arith.constant 120 : i32
    %add3A_0 = arith.addi %add3A, %arg0 : i32
    %c0_i32 = arith.constant 0 : i32
    %c0_i32_1 = arith.constant 0 : i32
    return %add3A_0, %c0_i32 : i32, i32
  }
  func.func @transform_6(%arg0: i32) -> (i32, i32) {
    %c0_i32 = arith.constant 0 : i32
    %c0_i32_0 = arith.constant 0 : i32
    %c0_i32_1 = arith.constant 0 : i32
    return %c0_i32, %c0_i32_0 : i32, i32
  }
  func.func @transform_7(%arg0: i32) -> (i32, i32) {
    %c0_i32 = arith.constant 0 : i32
    %c0_i32_0 = arith.constant 0 : i32
    %c0_i32_1 = arith.constant 0 : i32
    return %c0_i32, %c0_i32_0 : i32, i32
  }
  func.func @transform_8(%arg0: i32) -> (i32, i32) {
    %c0_i32 = arith.constant 0 : i32
    %c0_i32_0 = arith.constant 0 : i32
    %c0_i32_1 = arith.constant 0 : i32
    return %c0_i32, %c0_i32_0 : i32, i32
  }
  func.func @transform_9(%arg0: i32) -> (i32, i32) {
    %c0_i32 = arith.constant 0 : i32
    %c0_i32_0 = arith.constant 0 : i32
    %c0_i32_1 = arith.constant 0 : i32
    return %c0_i32, %c0_i32_0 : i32, i32
  }
  func.func @transform_10(%arg0: i32) -> (i32, i32) {
    %add3A = arith.constant 120 : i32
    %add3A_0 = arith.addi %add3A, %arg0 : i32
    %c0_i32 = arith.constant 0 : i32
    %c0_i32_1 = arith.constant 0 : i32
    return %add3A_0, %c0_i32 : i32, i32
  }
}

module attributes {stable_mosaic.version = 14 : i64} {
  func.func @_mlp_body(%arg0: i32, %arg1: memref<204800x384xf32, #tpu.memory_space<any>>, %arg2: memref<1024x128xf32, #tpu.memory_space<vmem>>, %arg3: memref<1024x128xf32, #tpu.memory_space<vmem>>, %arg4: memref<1024x128xf32, #tpu.memory_space<vmem>>, %arg5: memref<1024x21xf32, #tpu.memory_space<vmem>>, %arg6: memref<1024x1xi32, #tpu.memory_space<vmem>>, %arg7: memref<21x384xf32, #tpu.memory_space<vmem>>, %arg8: memref<64x384xf32, #tpu.memory_space<vmem>>, %arg9: memref<384x384xf32, #tpu.memory_space<vmem>>, %arg10: memref<1x384xf32, #tpu.memory_space<vmem>>, %arg11: memref<1024x384xf32, #tpu.memory_space<vmem>>) attributes {dimension_semantics = [#tpu.dimension_semantics<arbitrary>], iteration_bounds = array<i64: 40>, scalar_prefetch = 0 : i64, scratch_operands = 0 : i64, tpu.core_type = #tpu.core_type<tc>, window_params = [{}, {transform_indices = @transform_1, window_bounds = array<i64: 1024, 128>}, {transform_indices = @transform_2, window_bounds = array<i64: 1024, 128>}, {transform_indices = @transform_3, window_bounds = array<i64: 1024, 128>}, {transform_indices = @transform_4, window_bounds = array<i64: 1024, 21>}, {transform_indices = @transform_5, window_bounds = array<i64: 1024, 1>}, {pipeline_mode = #tpu.pipeline_mode<synchronous>, transform_indices = @transform_6, window_bounds = array<i64: 21, 384>}, {pipeline_mode = #tpu.pipeline_mode<synchronous>, transform_indices = @transform_7, window_bounds = array<i64: 64, 384>}, {pipeline_mode = #tpu.pipeline_mode<synchronous>, transform_indices = @transform_8, window_bounds = array<i64: 384, 384>}, {pipeline_mode = #tpu.pipeline_mode<synchronous>, transform_indices = @transform_9, window_bounds = array<i64: 1, 384>}, {transform_indices = @transform_10, window_bounds = array<i64: 1024, 384>}]} {
    %get3A = arith.constant 0 : index
    %get3A_0 = arith.constant 0 : index
    %get3A_1 = vector.load %arg2[%get3A, %get3A_0] : memref<1024x128xf32, #tpu.memory_space<vmem>>, vector<1024x128xf32>
    %get3A_2 = arith.constant 0 : index
    %get3A_3 = arith.constant 0 : index
    %get3A_4 = vector.load %arg3[%get3A_2, %get3A_3] : memref<1024x128xf32, #tpu.memory_space<vmem>>, vector<1024x128xf32>
    %get3A_5 = arith.constant 0 : index
    %get3A_6 = arith.constant 0 : index
    %get3A_7 = vector.load %arg4[%get3A_5, %get3A_6] : memref<1024x128xf32, #tpu.memory_space<vmem>>, vector<1024x128xf32>
    %concatenate3A = tpu.concatenate %get3A_1, %get3A_4, %get3A_7 in 1 : vector<1024x128xf32>, vector<1024x128xf32>, vector<1024x128xf32> -> vector<1024x384xf32>
    %get3A_8 = arith.constant 0 : index
    %get3A_9 = arith.constant 0 : index
    %get3A_10 = vector.load %arg5[%get3A_8, %get3A_9] : memref<1024x21xf32, #tpu.memory_space<vmem>>, vector<1024x21xf32>
    %get3A_11 = arith.constant 0 : index
    %get3A_12 = arith.constant 0 : index
    %get3A_13 = vector.load %arg7[%get3A_11, %get3A_12] : memref<21x384xf32, #tpu.memory_space<vmem>>, vector<21x384xf32>
    %dot_general3A = arith.constant dense<0.000000e+00> : vector<1024x384xf32>
    %dot_general3A_14 = tpu.matmul %get3A_10, %get3A_13, %dot_general3A {dimension_numbers = #tpu.dot_dimension_numbers<[1], [0], [0], [1], [0, 0, 1, 1], [], []>, transpose_lhs_hint = false} : vector<1024x21xf32>, vector<21x384xf32>, vector<1024x384xf32> -> vector<1024x384xf32>
    %add3A = arith.addf %concatenate3A, %dot_general3A_14 : vector<1024x384xf32>
    %iota3A = tpu.iota {dimensions = array<i32: 1>} : vector<1024x64xi32>
    %get3A_15 = arith.constant 0 : index
    %get3A_16 = arith.constant 0 : index
    %get3A_17 = vector.load %arg6[%get3A_15, %get3A_16] : memref<1024x1xi32, #tpu.memory_space<vmem>>, vector<1024x1xi32>
    %eq3A = vector.broadcast %get3A_17 : vector<1024x1xi32> to vector<1024x64xi32>
    %eq3A_18 = arith.cmpi eq, %iota3A, %eq3A : vector<1024x64xi32>
    %convert_element_type3A = arith.extui %eq3A_18 : vector<1024x64xi1> to vector<1024x64xi32>
    %convert_element_type3A_19 = arith.sitofp %convert_element_type3A : vector<1024x64xi32> to vector<1024x64xf32>
    %get3A_20 = arith.constant 0 : index
    %get3A_21 = arith.constant 0 : index
    %get3A_22 = vector.load %arg8[%get3A_20, %get3A_21] : memref<64x384xf32, #tpu.memory_space<vmem>>, vector<64x384xf32>
    %dot_general3A_23 = arith.constant dense<0.000000e+00> : vector<1024x384xf32>
    %dot_general3A_24 = tpu.matmul %convert_element_type3A_19, %get3A_22, %dot_general3A_23 {dimension_numbers = #tpu.dot_dimension_numbers<[1], [0], [0], [1], [0, 0, 1, 1], [], []>, transpose_lhs_hint = false} : vector<1024x64xf32>, vector<64x384xf32>, vector<1024x384xf32> -> vector<1024x384xf32>
    %add3A_25 = arith.addf %add3A, %dot_general3A_24 : vector<1024x384xf32>
    %mul3A = arith.constant 5.000000e-01 : f32
    %mul3A_26 = vector.broadcast %mul3A : f32 to vector<1024x384xf32>
    %mul3A_27 = arith.mulf %mul3A_26, %add3A_25 : vector<1024x384xf32>
    %mul3A_28 = arith.constant 0.707106769 : f32
    %mul3A_29 = vector.broadcast %mul3A_28 : f32 to vector<1024x384xf32>
    %mul3A_30 = arith.mulf %add3A_25, %mul3A_29 : vector<1024x384xf32>
    %erf3A = math.erf %mul3A_30 : vector<1024x384xf32>
    %add3A_31 = arith.constant 1.000000e+00 : f32
    %add3A_32 = vector.broadcast %add3A_31 : f32 to vector<1024x384xf32>
    %add3A_33 = arith.addf %add3A_32, %erf3A : vector<1024x384xf32>
    %mul3A_34 = arith.mulf %mul3A_27, %add3A_33 : vector<1024x384xf32>
    %get3A_35 = arith.constant 0 : index
    %get3A_36 = arith.constant 0 : index
    %get3A_37 = vector.load %arg9[%get3A_35, %get3A_36] : memref<384x384xf32, #tpu.memory_space<vmem>>, vector<384x384xf32>
    %dot_general3A_38 = arith.constant dense<0.000000e+00> : vector<1024x384xf32>
    %dot_general3A_39 = tpu.matmul %mul3A_34, %get3A_37, %dot_general3A_38 {dimension_numbers = #tpu.dot_dimension_numbers<[1], [0], [0], [1], [0, 0, 1, 1], [], []>, transpose_lhs_hint = false} : vector<1024x384xf32>, vector<384x384xf32>, vector<1024x384xf32> -> vector<1024x384xf32>
    %get3A_40 = arith.constant 0 : index
    %get3A_41 = arith.constant 0 : index
    %get3A_42 = vector.load %arg10[%get3A_40, %get3A_41] : memref<1x384xf32, #tpu.memory_space<vmem>>, vector<1x384xf32>
    %add3A_43 = vector.broadcast %get3A_42 : vector<1x384xf32> to vector<1024x384xf32>
    %add3A_44 = arith.addf %dot_general3A_39, %add3A_43 : vector<1024x384xf32>
    %swap3A = arith.constant 0 : index
    %swap3A_45 = arith.constant 0 : index
    %swap3A_46 = vector.load %arg11[%swap3A, %swap3A_45] : memref<1024x384xf32, #tpu.memory_space<vmem>>, vector<1024x384xf32>
    tpu.vector_store %arg11[%swap3A, %swap3A_45], %add3A_44 {strides = array<i32>} : memref<1024x384xf32, #tpu.memory_space<vmem>>, vector<1024x384xf32>,
    return
  }
  func.func @transform_1(%arg0: i32) -> (i32, i32) {
    %c0_i32 = arith.constant 0 : i32
    %c0_i32_0 = arith.constant 0 : i32
    return %arg0, %c0_i32 : i32, i32
  }
  func.func @transform_2(%arg0: i32) -> (i32, i32) {
    %c0_i32 = arith.constant 0 : i32
    %c0_i32_0 = arith.constant 0 : i32
    return %arg0, %c0_i32 : i32, i32
  }
  func.func @transform_3(%arg0: i32) -> (i32, i32) {
    %c0_i32 = arith.constant 0 : i32
    %c0_i32_0 = arith.constant 0 : i32
    return %arg0, %c0_i32 : i32, i32
  }
  func.func @transform_4(%arg0: i32) -> (i32, i32) {
    %add3A = arith.constant 160 : i32
    %add3A_0 = arith.addi %add3A, %arg0 : i32
    %c0_i32 = arith.constant 0 : i32
    %c0_i32_1 = arith.constant 0 : i32
    return %add3A_0, %c0_i32 : i32, i32
  }
  func.func @transform_5(%arg0: i32) -> (i32, i32) {
    %add3A = arith.constant 160 : i32
    %add3A_0 = arith.addi %add3A, %arg0 : i32
    %c0_i32 = arith.constant 0 : i32
    %c0_i32_1 = arith.constant 0 : i32
    return %add3A_0, %c0_i32 : i32, i32
  }
  func.func @transform_6(%arg0: i32) -> (i32, i32) {
    %c0_i32 = arith.constant 0 : i32
    %c0_i32_0 = arith.constant 0 : i32
    %c0_i32_1 = arith.constant 0 : i32
    return %c0_i32, %c0_i32_0 : i32, i32
  }
  func.func @transform_7(%arg0: i32) -> (i32, i32) {
    %c0_i32 = arith.constant 0 : i32
    %c0_i32_0 = arith.constant 0 : i32
    %c0_i32_1 = arith.constant 0 : i32
    return %c0_i32, %c0_i32_0 : i32, i32
  }
  func.func @transform_8(%arg0: i32) -> (i32, i32) {
    %c0_i32 = arith.constant 0 : i32
    %c0_i32_0 = arith.constant 0 : i32
    %c0_i32_1 = arith.constant 0 : i32
    return %c0_i32, %c0_i32_0 : i32, i32
  }
  func.func @transform_9(%arg0: i32) -> (i32, i32) {
    %c0_i32 = arith.constant 0 : i32
    %c0_i32_0 = arith.constant 0 : i32
    %c0_i32_1 = arith.constant 0 : i32
    return %c0_i32, %c0_i32_0 : i32, i32
  }
  func.func @transform_10(%arg0: i32) -> (i32, i32) {
    %add3A = arith.constant 160 : i32
    %add3A_0 = arith.addi %add3A, %arg0 : i32
    %c0_i32 = arith.constant 0 : i32
    %c0_i32_1 = arith.constant 0 : i32
    return %add3A_0, %c0_i32 : i32, i32
  }
}

</mosaic_0001>

<sc_bundles>
// kernel: kernel.14.cloned.1.call-start
scs
__scs_entry_jumppad:
0x0: {  	(pc) =	sbr.rel $0x88, $3  }
0x1: {  	(tag) =	ssettag $0x0;
	lr =	simm.s32 $0x1  }
0x2: {  	[smem:$0x3F91] =	sst lr;
	_ =	strace $0xD0000000  }
0x3: {  	_ = 	snop  }
0x4: {  	_ = 	snop  }
0x5: {  	_ = 	snop  }
0x6: {  	_ = 	snop  }
0x7: {  	_ = 	snop  }
__scs_overlays_trampoline_lowered:
0x8: {  	[smem:$0x3FA0] =	sst s0  }
0x9: {  	[smem:$0x3FA1] =	sst s1  }
0xa: {  	[smem:$0x3FA2] =	sst s2  }
0xb: {  	[smem:$0x3FA3] =	sst s3  }
0xc: {  	[smem:$0x3FA4] =	sst s4  }
0xd: {  	[smem:$0x3FA5] =	sst s5  }
0xe: {  	[smem:$0x3FA6] =	sst s6  }
0xf: {  	[smem:$0x3FA7] =	sst s7  }
0x10: {  	[smem:$0x3FA8] =	sst s8  }
0x11: {  	[smem:$0x3FA9] =	sst s9;
	s0 =	simm.s32 @!p0 $0x0  }
0x12: {  	s1 =	sld [smem:$0x3F8F];
	s0 =	simm.s32 @p0 $0x1  }
0x13: {  	[smem:$0x3FAA] =	sst s0;
	s0 =	simm.s32 @!p1 $0x0  }
0x14: {  	s2 =	sld [smem:$0x3F8E];
	s0 =	simm.s32 @p1 $0x1  }
0x15: {  	[smem:$0x3FAB] =	sst s0;
	s0 =	simm.s32 @!p2 $0x0  }
0x16: {  	s3 =	sld [smem:$0x3FDB];
	s0 =	simm.s32 @p2 $0x1  }
0x17: {  	s4 =	simm.s32 $0x1BF5;
	[smem:$0x3FAD] =	sst s0  }
0x18: {  	s0 =	sld [smem:$0x3F90];
	_ =	swait.ge [sflag:s4], $0x0  }
0x19: {  	s7 =	sld [smem:$0x3F91]  }
0x1a: {  	s8 =	sadd.s32 $0xFFFFE003, lr  }
0x1b: {  	s9 =	sadd.s32 $0xFFFFFEF7, lr;
	s5 =	simm.s32 $0xFFFFFFFF;
	p2 =	slt.u32 s8, $0xFFFFF086  }
0x1c: {  	p1 =	slt.u32 s9, $0xF7A;
	s5 =	simm.s32 @!p2 $0x0  }
0x1d: {  	s5 =	simm.s32 @p1 $0x1;
	p0 =	seq.s32 s7, s2  }
0x1e: {  	s7 =	smul.u32 @!p0 $0xF7A, s2;
	p2 =	seq.s32 @!p0 s5, $0x0  }
0x1f: {  	s9 =	smul.u32 $0xF7A, s1;
	s8 =	simm.s32 @!p0 $0x1BF5;
	p2 =	por !p2, p0  }
0x20: {  	[sflag:s8] =	ssyncset.s32 @!p0 $0xFFFFF086;
	s6 =	sadd.s32 @!p0 s3, s7;
	s7 =	simm.s32 @!p0 $0x108  }
0x21: {  	s3 =	sadd.s32 s3, s9;
	s6 =	sadd.s32 @!p0 $0x88, s6;
	s7 =	simm.s32 @p2 $0x1082  }
0x22: {  	[simem:s7], [sflag:s8] =	dma.local @!p0 [hbm:s6], $0xF7A  }
0x23: {  	s9 =	sor.u32 $0xD0000000, s2;
	s6 =	simm.s32 $0x108;
	_ =	swait.ge @!p0 [sflag:s8], $0x0  }
0x24: {  	s3 =	sadd.s32 $0x88, s3;
	s6 =	simm.s32 @!p1 $0x1082;
	[sflag:s4] =	ssyncset.s32 $0xFFFFF086  }
0x25: {  	[simem:s6], [sflag:s4] =	dma.local [hbm:s3], $0xF7A  }
0x26: {  	[smem:$0x3F91] =	sst s1;
	(tag) =	ssettag s2;
	_ =	strace s9  }
0x27: {  	s1 =	sld [smem:$0x3FA1]  }
0x28: {  	s2 =	sld [smem:$0x3FA2]  }
0x29: {  	s4 =	sld [smem:$0x3FA4]  }
0x2a: {  	p0 =	seq.s32 s5, $0x0;
	s5 =	sld [smem:$0x3FA5]  }
0x2b: {  	s6 =	sld [smem:$0x3FA6]  }
0x2c: {  	s7 =	sld [smem:$0x3FA7]  }
0x2d: {  	s3 =	simm.s32 $0x108;
	s8 =	sld [smem:$0x3FA8]  }
0x2e: {  	s3 =	simm.s32 @!p0 $0x1082;
	s9 =	sld [smem:$0x3FA9]  }
0x2f: {  	lr =	sadd.s32 s0, s3;
	s0 =	sld [smem:$0x3FA0]  }
0x30: {  	s3 =	sld [smem:$0x3FA3]  }
0x31: {  	[smem:$0x3FAC] =	sst s10  }
0x32: {  	s10 =	sld [smem:$0x3FAA];
	_ =	sdelay $0x3  }
0x33: {  	p0 =	seq.s32 s10, $0x1;
	s10 =	sld [smem:$0x3FAC];
	_ =	sdelay $0x3  }
0x34: {  	[smem:$0x3FAC] =	sst s10  }
0x35: {  	s10 =	sld [smem:$0x3FAB];
	_ =	sdelay $0x3  }
0x36: {  	p1 =	seq.s32 s10, $0x1;
	s10 =	sld [smem:$0x3FAC];
	_ =	sdelay $0x3  }
0x37: {  	[smem:$0x3FAC] =	sst s10  }
0x38: {  	s10 =	sld [smem:$0x3FAD]  }
0x39: {  	_ = 	snop;
	(pc) =	sbr.ind lr, $3  }
0x3a: {  	_ = 	snop  }
0x3b: {  	_ = 	snop  }
0x3c: {  	p2 =	seq.s32 s10, $0x1;
	s10 =	sld [smem:$0x3FAC]  }
0x3d: {  	_ =	shalt  }
0x3e: {  	_ =	shalt  }
0x3f: {  	_ =	shalt  }
0x40: {  	_ =	shalt  }
0x41: {  	_ =	shalt  }
0x42: {  	_ =	shalt  }
0x43: {  	_ =	shalt  }
0x44: {  	_ =	shalt  }
0x45: {  	_ =	shalt  }
0x46: {  	_ =	shalt  }
0x47: {  	_ =	shalt  }
0x48: {  	_ =	shalt  }
0x49: {  	_ =	shalt  }
0x4a: {  	_ =	shalt  }
0x4b: {  	_ =	shalt  }
0x4c: {  	_ =	shalt  }
0x4d: {  	_ =	shalt  }
0x4e: {  	_ =	shalt  }
0x4f: {  	_ =	shalt  }
0x50: {  	_ =	shalt  }
0x51: {  	_ =	shalt  }
0x52: {  	_ =	shalt  }
0x53: {  	_ =	shalt  }
0x54: {  	_ =	shalt  }
0x55: {  	_ =	shalt  }
0x56: {  	_ =	shalt  }
0x57: {  	_ =	shalt  }
0x58: {  	_ =	shalt  }
0x59: {  	_ =	shalt  }
0x5a: {  	_ =	shalt  }
0x5b: {  	_ =	shalt  }
0x5c: {  	_ =	shalt  }
0x5d: {  	_ =	shalt  }
0x5e: {  	_ =	shalt  }
0x5f: {  	_ =	shalt  }
0x60: {  	_ =	shalt  }
0x61: {  	_ =	shalt  }
0x62: {  	_ =	shalt  }
0x63: {  	_ =	shalt  }
0x64: {  	_ =	shalt  }
0x65: {  	_ =	shalt  }
0x66: {  	_ =	shalt  }
0x67: {  	_ =	shalt  }
0x68: {  	_ =	shalt  }
0x69: {  	_ =	shalt  }
0x6a: {  	_ =	shalt  }
0x6b: {  	_ =	shalt  }
0x6c: {  	_ =	shalt  }
0x6d: {  	_ =	shalt  }
0x6e: {  	_ =	shalt  }
0x6f: {  	_ =	shalt  }
0x70: {  	_ =	shalt  }
0x71: {  	_ =	shalt  }
0x72: {  	_ =	shalt  }
0x73: {  	_ =	shalt  }
0x74: {  	_ =	shalt  }
0x75: {  	_ =	shalt  }
0x76: {  	_ =	shalt  }
0x77: {  	_ =	shalt  }
0x78: {  	_ =	shalt  }
0x79: {  	_ =	shalt  }
0x7a: {  	_ =	shalt  }
0x7b: {  	_ =	shalt  }
0x7c: {  	_ =	shalt  }
0x7d: {  	_ =	shalt  }
0x7e: {  	_ =	shalt  }
0x7f: {  	_ =	shalt  }
0x80: {  	_ =	shalt  }
0x81: {  	_ =	shalt  }
0x82: {  	_ =	shalt  }
0x83: {  	_ =	shalt  }
0x84: {  	_ =	shalt  }
0x85: {  	_ =	shalt  }
0x86: {  	_ =	shalt  }
0x87: {  	_ =	shalt  }
.Lfunc_end0:
.L_simem_size_0:
called_computation_lowered:
.L_overlay_start_0:
0x88: {  	s2 =	sld [smem:$0x3FD9]  }
0x89: {  	s3 =	sld [smem:$0x3FFE];
	_ =	sdelay $0x1  }
0x8a: {  	s1 =	srdreg.scid  }
0x8b: {  	s0 =	sand.u32 $0x1, s1  }
0x8c: {  	s17 =	sshll.u32 s0, $0xA;
	s2 =	sadd.s32 s3, s2  }
0x8d: {  	s2 =	sadd.s32 s2, s17  }
0x8e: {  	[smem:$0x3FB8] =	sst s2  }
0x8f: {  	_ = 	snop  }
0x90: {  	s2 =	sld [smem:$0x3FD0];
	(tm) =	ssettm $0x1  }
0x91: {  	s18 =	sld [smem:$0x3FFB];
	_ =	sdelay $0x3  }
0x92: {  	_ =	strace s18  }
0x93: {  	s3 =	sld [smem:$0x3FFC];
	_ =	sdelay $0x3  }
0x94: {  	_ =	strace s3  }
0x95: {  	s3 =	sld [smem:$0x3FFD];
	_ =	sdelay $0x3  }
0x96: {  	_ =	strace s3  }
0x97: {  	_ =	strace $0x8FFFFFFF  }
0x98: {  	s19 =	sld [smem:$0x3FDB];
	_ =	sdelay $0x1  }
0x99: {  	s4 =	simm.s32 $_scs_section_size  }
0x9a: {  	s5 =	simm.s32 $_size__tile_overlayer_lowered;
	s6 =	simm.s32 $_tile_overlayer_lowered  }
0x9b: {  	s22 =	simm.s32 $0x1BFF;
	s21 =	sshll.u32 s6, $0x1;
	s3 =	sadd.s32 s4, s19  }
0x9c: {  	s7 =	simm.s32 $0x0;
	s20 =	sshll.u32 s5, $0x1;
	s5 =	sadd.s32 s21, s3  }
0x9d: {  	[timem:s7], [sflag:s22] =	dma.local [hbm:s5], s20  }
0x9e: {  	_ =	swait.ge [sflag:s22], s20  }
0x9f: {  	s4 =	ssub.s32 $0x0, s20;
	[sflag:s22] =	ssyncset.done $0x0  }
0xa0: {  	[sflag:s22] =	ssyncadd.s32 s4;
	_ =	sdelay $0x1  }
0xa1: {  	s23 =	simm.s32 $0x1B8B  }
0xa2: {  	_ =	swait.ge [sflag:s23], $0x1  }
0xa3: {  	[sflag:s23] =	ssyncset.done $0x0  }
0xa4: {  	s25 =	simm.s32 $0x1B8E;
	s24 =	sld [smem:$0x3FFE];
	[sflag:s23] =	ssyncadd.s32 $0xFFFFFFFF  }
0xa5: {  	s26 =	simm.s32 $execute0_lowered;
	[smem:$0x3FD2] =	sst s25  }
0xa6: {  	s5 =	sshll.u32 s26, $0x1;
	_ =	strace $0x80000046;
	[dreg:$0x1] =	wrdreg $0xFFFFFFFF  }
0xa7: {  	s28 =	simm.s32 $_size_execute0_lowered;
	s3 =	sadd.s32 s3, s5;
	[dreg:$0x0] =	wrdreg $0x0  }
0xa8: {  	s5 =	sshll.u32 s28, $0x1;
	[dreg:$0x2] =	wrdreg s3  }
0xa9: {  	[dreg:$0x3] =	wrdreg s5  }
0xaa: {  	[dreg:$0x4] =	wrdreg $0xC0  }
0xab: {  	_ =	task [dreg:s7], $0x5FFFF  }
0xac: {  	[dreg:$0x1] =	wrdreg $0xFFFFFFFF  }
0xad: {  	[dreg:$0x0] =	wrdreg $0x60  }
0xae: {  	[dreg:$0x2] =	wrdreg s24  }
0xaf: {  	[dreg:$0x3] =	wrdreg s2  }
0xb0: {  	[dreg:$0x4] =	wrdreg $0x9  }
0xb1: {  	_ =	task.clear_ibuf [dreg:s7], $0x5FFFF;
	_ =	strace $0x90000046  }
0xb2: {  	s29 =	simm.s32 $0x9;
	_ =	strace $0x80000048  }
0xb3: {  	_ =	swait.ge [sflag:s29], $0x1  }
0xb4: {  	[sflag:s29] =	ssyncadd.s32 $0xFFFFFFFF  }
0xb5: {  	_ =	strace $0x90000048  }
0xb6: {  	_ =	sfence  }
0xb7: {  	s30 =	sld [smem:$0x0];
	_ =	sdelay $0x2  }
0xb8: {  	s31 =	sshll.u32 s1, $0xD;
	s1 =	sshrl.u32 s1, $0x2  }
0xb9: {  	s3 =	sand.u32 $0x4000, s31;
	s1 =	sadd.s32 s1, s30  }
0xba: {  	s0 =	sor.u32 s3, s0;
	s1 =	sshll.u32 s1, $0x11  }
0xbb: {  	s0 =	sor.u32 s1, s0  }
0xbc: {  	s0 =	sadd.s32 $0x8F2B, s0  }
0xbd: {  	[sflag:s0] =	ssyncadd.remote.s32 $0x1  }
0xbe: {  	_ =	sfence.sel $0xFFFF  }
0xbf: {  	[dreg:$0x0] =	wrdreg $0xFFFFFFFF;
	(pc) =	sbr.abs _section_cstart, $3  }
0xc0: {  	[dreg:$0x1] =	wrdreg $0xFFFFFFFF  }
0xc1: {  	_ =	task.clear_ibuf [dreg:s7], $0x2FFFF;
	_ =	strace $0x9FFFFFFF  }
0xc2: {  	(tm) =	ssettm $0x7FFFFFFF  }
0xc3: {  	_ =	shalt  }
tec
execute0_lowered:
.L_overlay_start_1:
0x0: {  	(tag) =	ssettag $0x1  }
0x1: {  	s9 =	rddreg [dreg:$0x0]  }
0x2: {  	s11 =	rddreg [dreg:$0x1]  }
0x3: {  	s0 =	rddreg [dreg:$0x2];
	s1 =	simm.s32 $0x0  }
0x4: {  	s7 =	srdreg.scid;
	s3 =	stileid.u32;
	s17 =	simm.s32 $0x1000  }
0x5: {  	s18 =	simm.s32 $0x5000;
	s19 =	simm.s32 $0x9000;
	s20 =	simm.s32 $0x1  }
0x6: {  	[smem:$0x7FF] =	sst s1;
	s2 =	sadd.s32 $0x9400, s9;
	s4 =	sadd.s32 $0x623C00, s9  }
0x7: {  	s21 =	simm.s32 $0x0;
	s5 =	sadd.s32 $0x7AA600, s9;
	s6 =	sadd.s32 $0x18FE00, s9  }
0x8: {  	s10 =	sand.u32 $0x1, s7;
	s7 =	sadd.s32 $0x316800, s9;
	s8 =	sshll.u32 s3, $0x9  }
0x9: {  	s13 =	smul.u32 $0xA000, s3;
	_ =	strace $0x80000047;
	s12 =	sshll.u32 s10, $0x8  }
0xa: {  	s14 =	ssub.s32 $0x2, s10;
	s29 =	smul.u32 $0x5000, s10;
	s12 =	sor.u32 s12, s8  }
0xb: {  	s8 =	sadd.s32 $0x49D200, s9;
	s15 =	sshrl.u32 s14, $0x1;
	s16 =	sadd.s32 s13, s9  }
0xc: {  	s30 =	sadd.s32 s13, s11;
	s12 =	sadd.s32 s12, s9;
	s14 =	ssub.s32 s14, s15  }
0xd: {  	s31 =	sadd.s32 s29, s16;
	s15 =	simm.s32 $0x2;
	s16 =	simm.s32 $0x80  }
0xe: {  	s9 =	sadd.s32 $0x5400, s12;
	s10 =	sadd.s32 $0x7400, s12;
	s11 =	smax.u32 s14, $0x1  }
0xf: {  	s12 =	sadd.s32 s29, s30;
	s13 =	sadd.s32 $0x931000, s31;
	s14 =	sadd.s32 $0x9D1000, s31  }
.LBB2_1:
0x10: {  	[tilespmem:s1], [sflag:$0x2] =	stream.linear.gather [hbm4b:s9+s1], $0x500, $0x38;
	[tilespmem:$0xD000] =	vst v63  }
0x11: {  	_ =	swait.ge [sflag:s15], $0x500  }
0x12: {  	[sflag:s15] =	ssyncset.done $0x0  }
0x13: {  	s22 =	simm.s32 $0x800;
	[sflag:s15] =	ssyncadd.s32 $0xFFFFFB00  }
0x14: {  	[tilespmem:s22], [sflag:$0x2] =	stream.linear.gather [hbm4b:s10+s1], $0x500, $0x38;
	[tilespmem:$0xD000] =	vst v63  }
0x15: {  	_ =	swait.ge [sflag:s15], $0x500  }
0x16: {  	[sflag:s15] =	ssyncset.done $0x0  }
0x17: {  	[sflag:s15] =	ssyncadd.s32 $0xFFFFFB00  }
0x18: {  	[tilespmem:s17], [sflag:$0x1] =	stream.indirect.gather [hbm4b:s2+s16], $0x80, s1, s16, $0xb8;
	[tilespmem:$0xD000] =	vst v63  }
0x19: {  	_ = 	snop  }
0x1a: {  	[tilespmem:s18], [sflag:$0x1] =	stream.indirect.gather [hbm4b:s4+s16], $0x80, s1, s16, $0xb8;
	[tilespmem:$0xD000] =	vst v63  }
0x1b: {  	_ = 	snop  }
0x1c: {  	[tilespmem:s19], [sflag:$0x1] =	stream.indirect.gather [hbm4b:s5+s16], $0x80, s1, s16, $0xb8;
	[tilespmem:$0xD000] =	vst v63  }
0x1d: {  	_ =	swait.ge [sflag:s20], $0x4000  }
0x1e: {  	[sflag:s20] =	ssyncset.done $0x0  }
0x1f: {  	[sflag:s20] =	ssyncadd.s32 $0xFFFFC000  }
0x20: {  	_ =	swait.ge [sflag:s20], $0x4000  }
0x21: {  	[sflag:s20] =	ssyncset.done $0x0  }
0x22: {  	[sflag:s20] =	ssyncadd.s32 $0xFFFFC000  }
0x23: {  	_ =	swait.ge [sflag:s20], $0x4000  }
0x24: {  	[sflag:s20] =	ssyncset.done $0x0  }
0x25: {  	[sflag:s20] =	ssyncadd.s32 $0xFFFFC000  }
0x26: {  	[tilespmem:s17], [sflag:$0x1] =	stream.indirect.gather.add.f32 [hbm:s6], $0x80, s22, s16, $0xb8;
	[tilespmem:$0xD000] =	vst v63  }
0x27: {  	_ = 	snop  }
0x28: {  	[tilespmem:s18], [sflag:$0x1] =	stream.indirect.gather.add.f32 [hbm:s7], $0x80, s22, s16, $0xb8;
	[tilespmem:$0xD000] =	vst v63  }
0x29: {  	_ = 	snop  }
0x2a: {  	[tilespmem:s19], [sflag:$0x1] =	stream.indirect.gather.add.f32 [hbm:s8], $0x80, s22, s16, $0xb8;
	[tilespmem:$0xD000] =	vst v63  }
0x2b: {  	_ =	swait.ge [sflag:s20], $0x4000  }
0x2c: {  	[sflag:s20] =	ssyncset.done $0x0  }
0x2d: {  	[sflag:s20] =	ssyncadd.s32 $0xFFFFC000  }
0x2e: {  	_ =	swait.ge [sflag:s20], $0x4000  }
0x2f: {  	[sflag:s20] =	ssyncset.done $0x0  }
0x30: {  	[sflag:s20] =	ssyncadd.s32 $0xFFFFC000  }
0x31: {  	_ =	swait.ge [sflag:s20], $0x4000  }
0x32: {  	[sflag:s20] =	ssyncset.done $0x0  }
0x33: {  	s23 =	sadd.s32 $0x0, s12;
	[sflag:s20] =	ssyncadd.s32 $0xFFFFC000  }
0x34: {  	[hbm4b:s23+s1] =	stream.linear.scatter [tilespmem:s17], [sflag:$0x2], $0x4000, $0x38;
	[tilespmem:$0xD000] =	vst v63  }
0x35: {  	_ =	swait.ge [sflag:s15], $0x4000  }
0x36: {  	[sflag:s15] =	ssyncset.done $0x0  }
0x37: {  	s30 =	sadd.s32 $0x0, s13;
	[sflag:s15] =	ssyncadd.s32 $0xFFFFC000  }
0x38: {  	[hbm4b:s30+s1] =	stream.linear.scatter [tilespmem:s18], [sflag:$0x2], $0x4000, $0x38;
	[tilespmem:$0xD000] =	vst v63  }
0x39: {  	_ =	swait.ge [sflag:s15], $0x4000  }
0x3a: {  	[sflag:s15] =	ssyncset.done $0x0  }
0x3b: {  	s31 =	sadd.s32 $0x0, s14;
	[sflag:s15] =	ssyncadd.s32 $0xFFFFC000  }
0x3c: {  	[hbm4b:s31+s1] =	stream.linear.scatter [tilespmem:s19], [sflag:$0x2], $0x4000, $0x38;
	[tilespmem:$0xD000] =	vst v63  }
0x3d: {  	_ =	swait.ge [sflag:s15], $0x4000  }
0x3e: {  	s24 =	simm.s32 $0x0;
	s23 =	simm.s32 $0x800;
	[sflag:s15] =	ssyncset.done $0x0  }
.LBB2_2:
0x3f: {  	[sflag:s15] =	ssyncadd.s32 $0xFFFFC000;
	s24 =	sadd.s32 $0x80, s24;
	s22 =	sadd.s32 $0x80, s22  }
0x40: {  	[tilespmem:s17], [sflag:$0x1] =	stream.indirect.gather [hbm4b:s2+s16], $0x80, s24, s16, $0xb8;
	[tilespmem:$0xD000] =	vst v63  }
0x41: {  	p0 =	sne.s32 s23, $0x4800;
	s25 =	smov.u32 s23;
	s23 =	sadd.s32 $0x800, s23  }
0x42: {  	[tilespmem:s18], [sflag:$0x1] =	stream.indirect.gather [hbm4b:s4+s16], $0x80, s24, s16, $0xb8;
	[tilespmem:$0xD000] =	vst v63  }
0x43: {  	_ = 	snop  }
0x44: {  	[tilespmem:s19], [sflag:$0x1] =	stream.indirect.gather [hbm4b:s5+s16], $0x80, s24, s16, $0xb8;
	[tilespmem:$0xD000] =	vst v63  }
0x45: {  	_ =	swait.ge [sflag:s20], $0x4000  }
0x46: {  	[sflag:s20] =	ssyncset.done $0x0  }
0x47: {  	[sflag:s20] =	ssyncadd.s32 $0xFFFFC000  }
0x48: {  	_ =	swait.ge [sflag:s20], $0x4000  }
0x49: {  	[sflag:s20] =	ssyncset.done $0x0  }
0x4a: {  	[sflag:s20] =	ssyncadd.s32 $0xFFFFC000  }
0x4b: {  	_ =	swait.ge [sflag:s20], $0x4000  }
0x4c: {  	[sflag:s20] =	ssyncset.done $0x0  }
0x4d: {  	[sflag:s20] =	ssyncadd.s32 $0xFFFFC000  }
0x4e: {  	[tilespmem:s17], [sflag:$0x1] =	stream.indirect.gather.add.f32 [hbm:s6], $0x80, s22, s16, $0xb8;
	[tilespmem:$0xD000] =	vst v63  }
0x4f: {  	_ = 	snop  }
0x50: {  	[tilespmem:s18], [sflag:$0x1] =	stream.indirect.gather.add.f32 [hbm:s7], $0x80, s22, s16, $0xb8;
	[tilespmem:$0xD000] =	vst v63  }
0x51: {  	_ = 	snop  }
0x52: {  	[tilespmem:s19], [sflag:$0x1] =	stream.indirect.gather.add.f32 [hbm:s8], $0x80, s22, s16, $0xb8;
	[tilespmem:$0xD000] =	vst v63  }
0x53: {  	_ =	swait.ge [sflag:s20], $0x4000  }
0x54: {  	[sflag:s20] =	ssyncset.done $0x0  }
0x55: {  	[sflag:s20] =	ssyncadd.s32 $0xFFFFC000  }
0x56: {  	_ =	swait.ge [sflag:s20], $0x4000  }
0x57: {  	[sflag:s20] =	ssyncset.done $0x0  }
0x58: {  	[sflag:s20] =	ssyncadd.s32 $0xFFFFC000  }
0x59: {  	_ =	swait.ge [sflag:s20], $0x4000  }
0x5a: {  	[sflag:s20] =	ssyncset.done $0x0  }
0x5b: {  	s26 =	sadd.s32 s25, s12;
	[sflag:s20] =	ssyncadd.s32 $0xFFFFC000  }
0x5c: {  	[hbm4b:s26+s1] =	stream.linear.scatter [tilespmem:s17], [sflag:$0x2], $0x4000, $0x38;
	[tilespmem:$0xD000] =	vst v63  }
0x5d: {  	_ =	swait.ge [sflag:s15], $0x4000  }
0x5e: {  	[sflag:s15] =	ssyncset.done $0x0  }
0x5f: {  	s26 =	sadd.s32 s25, s13;
	[sflag:s15] =	ssyncadd.s32 $0xFFFFC000  }
0x60: {  	[hbm4b:s26+s1] =	stream.linear.scatter [tilespmem:s18], [sflag:$0x2], $0x4000, $0x38;
	[tilespmem:$0xD000] =	vst v63  }
0x61: {  	_ =	swait.ge [sflag:s15], $0x4000  }
.Ltmp0:
0x62: {  	[sflag:s15] =	ssyncset.done $0x0;
	(pc) =	sbr.rel @p0 .LBB2_2-.Ltmp0, $4  }
0x63: {  	s25 =	sadd.s32 s25, s14;
	[sflag:s15] =	ssyncadd.s32 $0xFFFFC000  }
0x64: {  	[hbm4b:s25+s1] =	stream.linear.scatter [tilespmem:s19], [sflag:$0x2], $0x4000, $0x38;
	[tilespmem:$0xD000] =	vst v63  }
0x65: {  	_ =	swait.ge [sflag:s15], $0x4000  }
0x66: {  	[sflag:s15] =	ssyncset.done $0x0  }
0x67: {  	s21 =	sadd.s32 $0x1, s21  }
0x68: {  	p0 =	sne.s32 s21, s11  }
.Ltmp1:
0x69: {  	_ = 	snop;
	(pc) =	sbr.rel @p0 .LBB2_1-.Ltmp1, $2  }
0x6a: {  	_ =	sdelay $0x2  }
0x6b: {  	[sflag:s15] =	ssyncadd.s32 $0xFFFFC000  }
0x6c: {  	_ =	sfence.sel $0x180000  }
0x6d: {  	[bflag:$0x0] =	sbarrier.arrive $0xFFFF  }
0x6e: {  	p0 =	sne.s32 s3, $0x0;
	_ =	strace $0x90000047  }
0x6f: {  	s0 =	sadd.s32 @!p0 $0x100000, s0;
	[bflag:$0x2] =	sbarrier.arrive $0xFFFF  }
0x70: {  	[sflag:s0] =	ssyncadd.tile.s32 @!p0 $0x1;
	_ =	shalt  }
.Lfunc_end2:
_tile_overlayer_lowered:
.L_overlay_start_2:
0x71: {  	(tag) =	ssettag $0x2  }
0x72: {  	s0 =	rddreg [dreg:$0x0];
	s2 =	stileid.u32  }
0x73: {  	s1 =	rddreg [dreg:$0x1];
	p0 =	sne.s32 s2, $0x0  }
0x74: {  	s3 =	rddreg [dreg:$0x2];
	[bflag:$0x3] =	sbarrier.arrive $0xFFFF;
	s2 =	simm.s32 @!p0 $0x1C02  }
0x75: {  	[timem:s3], [sflag:s2] =	dma.local @!p0 [hbm:s0], s1  }
0x76: {  	s0 =	simm.s32 @!p0 $0x2  }
0x77: {  	_ =	swait.ge @!p0 [sflag:s0], s1  }
0x78: {  	s1 =	ssub.s32 @!p0 $0x0, s1;
	[sflag:s0] =	ssyncset.done @!p0 $0x0  }
0x79: {  	[sflag:s0] =	ssyncadd.s32 @!p0 s1  }
0x7a: {  	[bflag:$0x3] =	sbarrier.arrive $0xFFFF  }
0x7b: {  	_ =	shalt  }

// kernel: kernel.17.cloned.1.call-start
scs
__scs_entry_jumppad:
0x0: {  	(pc) =	sbr.rel $0x88, $3  }
0x1: {  	(tag) =	ssettag $0x0;
	lr =	simm.s32 $0x1  }
0x2: {  	[smem:$0x3F91] =	sst lr;
	_ =	strace $0xD0000000  }
0x3: {  	_ = 	snop  }
0x4: {  	_ = 	snop  }
0x5: {  	_ = 	snop  }
0x6: {  	_ = 	snop  }
0x7: {  	_ = 	snop  }
__scs_overlays_trampoline_lowered:
0x8: {  	[smem:$0x3FA0] =	sst s0  }
0x9: {  	[smem:$0x3FA1] =	sst s1  }
0xa: {  	[smem:$0x3FA2] =	sst s2  }
0xb: {  	[smem:$0x3FA3] =	sst s3  }
0xc: {  	[smem:$0x3FA4] =	sst s4  }
0xd: {  	[smem:$0x3FA5] =	sst s5  }
0xe: {  	[smem:$0x3FA6] =	sst s6  }
0xf: {  	[smem:$0x3FA7] =	sst s7  }
0x10: {  	[smem:$0x3FA8] =	sst s8  }
0x11: {  	[smem:$0x3FA9] =	sst s9;
	s0 =	simm.s32 @!p0 $0x0  }
0x12: {  	s1 =	sld [smem:$0x3F8F];
	s0 =	simm.s32 @p0 $0x1  }
0x13: {  	[smem:$0x3FAA] =	sst s0;
	s0 =	simm.s32 @!p1 $0x0  }
0x14: {  	s2 =	sld [smem:$0x3F8E];
	s0 =	simm.s32 @p1 $0x1  }
0x15: {  	[smem:$0x3FAB] =	sst s0;
	s0 =	simm.s32 @!p2 $0x0  }
0x16: {  	s3 =	sld [smem:$0x3FDB];
	s0 =	simm.s32 @p2 $0x1  }
0x17: {  	s4 =	simm.s32 $0x1BF5;
	[smem:$0x3FAD] =	sst s0  }
0x18: {  	s0 =	sld [smem:$0x3F90];
	_ =	swait.ge [sflag:s4], $0x0  }
0x19: {  	s7 =	sld [smem:$0x3F91]  }
0x1a: {  	s8 =	sadd.s32 $0xFFFFE003, lr  }
0x1b: {  	s9 =	sadd.s32 $0xFFFFFEF7, lr;
	s5 =	simm.s32 $0xFFFFFFFF;
	p2 =	slt.u32 s8, $0xFFFFF086  }
0x1c: {  	p1 =	slt.u32 s9, $0xF7A;
	s5 =	simm.s32 @!p2 $0x0  }
0x1d: {  	s5 =	simm.s32 @p1 $0x1;
	p0 =	seq.s32 s7, s2  }
0x1e: {  	s7 =	smul.u32 @!p0 $0xF7A, s2;
	p2 =	seq.s32 @!p0 s5, $0x0  }
0x1f: {  	s9 =	smul.u32 $0xF7A, s1;
	s8 =	simm.s32 @!p0 $0x1BF5;
	p2 =	por !p2, p0  }
0x20: {  	[sflag:s8] =	ssyncset.s32 @!p0 $0xFFFFF086;
	s6 =	sadd.s32 @!p0 s3, s7;
	s7 =	simm.s32 @!p0 $0x108  }
0x21: {  	s3 =	sadd.s32 s3, s9;
	s6 =	sadd.s32 @!p0 $0x88, s6;
	s7 =	simm.s32 @p2 $0x1082  }
0x22: {  	[simem:s7], [sflag:s8] =	dma.local @!p0 [hbm:s6], $0xF7A  }
0x23: {  	s9 =	sor.u32 $0xD0000000, s2;
	s6 =	simm.s32 $0x108;
	_ =	swait.ge @!p0 [sflag:s8], $0x0  }
0x24: {  	s3 =	sadd.s32 $0x88, s3;
	s6 =	simm.s32 @!p1 $0x1082;
	[sflag:s4] =	ssyncset.s32 $0xFFFFF086  }
0x25: {  	[simem:s6], [sflag:s4] =	dma.local [hbm:s3], $0xF7A  }
0x26: {  	[smem:$0x3F91] =	sst s1;
	(tag) =	ssettag s2;
	_ =	strace s9  }
0x27: {  	s1 =	sld [smem:$0x3FA1]  }
0x28: {  	s2 =	sld [smem:$0x3FA2]  }
0x29: {  	s4 =	sld [smem:$0x3FA4]  }
0x2a: {  	p0 =	seq.s32 s5, $0x0;
	s5 =	sld [smem:$0x3FA5]  }
0x2b: {  	s6 =	sld [smem:$0x3FA6]  }
0x2c: {  	s7 =	sld [smem:$0x3FA7]  }
0x2d: {  	s3 =	simm.s32 $0x108;
	s8 =	sld [smem:$0x3FA8]  }
0x2e: {  	s3 =	simm.s32 @!p0 $0x1082;
	s9 =	sld [smem:$0x3FA9]  }
0x2f: {  	lr =	sadd.s32 s0, s3;
	s0 =	sld [smem:$0x3FA0]  }
0x30: {  	s3 =	sld [smem:$0x3FA3]  }
0x31: {  	[smem:$0x3FAC] =	sst s10  }
0x32: {  	s10 =	sld [smem:$0x3FAA];
	_ =	sdelay $0x3  }
0x33: {  	p0 =	seq.s32 s10, $0x1;
	s10 =	sld [smem:$0x3FAC];
	_ =	sdelay $0x3  }
0x34: {  	[smem:$0x3FAC] =	sst s10  }
0x35: {  	s10 =	sld [smem:$0x3FAB];
	_ =	sdelay $0x3  }
0x36: {  	p1 =	seq.s32 s10, $0x1;
	s10 =	sld [smem:$0x3FAC];
	_ =	sdelay $0x3  }
0x37: {  	[smem:$0x3FAC] =	sst s10  }
0x38: {  	s10 =	sld [smem:$0x3FAD]  }
0x39: {  	_ = 	snop;
	(pc) =	sbr.ind lr, $3  }
0x3a: {  	_ = 	snop  }
0x3b: {  	_ = 	snop  }
0x3c: {  	p2 =	seq.s32 s10, $0x1;
	s10 =	sld [smem:$0x3FAC]  }
0x3d: {  	_ =	shalt  }
0x3e: {  	_ =	shalt  }
0x3f: {  	_ =	shalt  }
0x40: {  	_ =	shalt  }
0x41: {  	_ =	shalt  }
0x42: {  	_ =	shalt  }
0x43: {  	_ =	shalt  }
0x44: {  	_ =	shalt  }
0x45: {  	_ =	shalt  }
0x46: {  	_ =	shalt  }
0x47: {  	_ =	shalt  }
0x48: {  	_ =	shalt  }
0x49: {  	_ =	shalt  }
0x4a: {  	_ =	shalt  }
0x4b: {  	_ =	shalt  }
0x4c: {  	_ =	shalt  }
0x4d: {  	_ =	shalt  }
0x4e: {  	_ =	shalt  }
0x4f: {  	_ =	shalt  }
0x50: {  	_ =	shalt  }
0x51: {  	_ =	shalt  }
0x52: {  	_ =	shalt  }
0x53: {  	_ =	shalt  }
0x54: {  	_ =	shalt  }
0x55: {  	_ =	shalt  }
0x56: {  	_ =	shalt  }
0x57: {  	_ =	shalt  }
0x58: {  	_ =	shalt  }
0x59: {  	_ =	shalt  }
0x5a: {  	_ =	shalt  }
0x5b: {  	_ =	shalt  }
0x5c: {  	_ =	shalt  }
0x5d: {  	_ =	shalt  }
0x5e: {  	_ =	shalt  }
0x5f: {  	_ =	shalt  }
0x60: {  	_ =	shalt  }
0x61: {  	_ =	shalt  }
0x62: {  	_ =	shalt  }
0x63: {  	_ =	shalt  }
0x64: {  	_ =	shalt  }
0x65: {  	_ =	shalt  }
0x66: {  	_ =	shalt  }
0x67: {  	_ =	shalt  }
0x68: {  	_ =	shalt  }
0x69: {  	_ =	shalt  }
0x6a: {  	_ =	shalt  }
0x6b: {  	_ =	shalt  }
0x6c: {  	_ =	shalt  }
0x6d: {  	_ =	shalt  }
0x6e: {  	_ =	shalt  }
0x6f: {  	_ =	shalt  }
0x70: {  	_ =	shalt  }
0x71: {  	_ =	shalt  }
0x72: {  	_ =	shalt  }
0x73: {  	_ =	shalt  }
0x74: {  	_ =	shalt  }
0x75: {  	_ =	shalt  }
0x76: {  	_ =	shalt  }
0x77: {  	_ =	shalt  }
0x78: {  	_ =	shalt  }
0x79: {  	_ =	shalt  }
0x7a: {  	_ =	shalt  }
0x7b: {  	_ =	shalt  }
0x7c: {  	_ =	shalt  }
0x7d: {  	_ =	shalt  }
0x7e: {  	_ =	shalt  }
0x7f: {  	_ =	shalt  }
0x80: {  	_ =	shalt  }
0x81: {  	_ =	shalt  }
0x82: {  	_ =	shalt  }
0x83: {  	_ =	shalt  }
0x84: {  	_ =	shalt  }
0x85: {  	_ =	shalt  }
0x86: {  	_ =	shalt  }
0x87: {  	_ =	shalt  }
.Lfunc_end0:
.L_simem_size_0:
called_computation.1_lowered:
.L_overlay_start_0:
0x88: {  	s2 =	sld [smem:$0x3FD9]  }
0x89: {  	s3 =	sld [smem:$0x3FFE];
	_ =	sdelay $0x1  }
0x8a: {  	s1 =	srdreg.scid  }
0x8b: {  	s0 =	sand.u32 $0x1, s1  }
0x8c: {  	s17 =	sshll.u32 s0, $0xA;
	s2 =	sadd.s32 s3, s2  }
0x8d: {  	s2 =	sadd.s32 s2, s17  }
0x8e: {  	[smem:$0x3FB8] =	sst s2  }
0x8f: {  	_ = 	snop  }
0x90: {  	(tm) =	ssettm $0x1  }
0x91: {  	s18 =	sld [smem:$0x3FFB];
	_ =	sdelay $0x3  }
0x92: {  	_ =	strace s18  }
0x93: {  	s2 =	sld [smem:$0x3FFC];
	_ =	sdelay $0x3  }
0x94: {  	_ =	strace s2  }
0x95: {  	s2 =	sld [smem:$0x3FFD];
	_ =	sdelay $0x3  }
0x96: {  	_ =	strace s2  }
0x97: {  	_ =	strace $0x8FFFFFFF  }
0x98: {  	s19 =	sld [smem:$0x3FDB];
	_ =	sdelay $0x1  }
0x99: {  	s20 =	simm.s32 $_scs_section_size  }
0x9a: {  	s4 =	simm.s32 $_size__tile_overlayer_lowered;
	s5 =	simm.s32 $_tile_overlayer_lowered  }
0x9b: {  	s6 =	simm.s32 $0x1BFF;
	s21 =	sshll.u32 s5, $0x1;
	s3 =	sadd.s32 s20, s19  }
0x9c: {  	s22 =	simm.s32 $0x0;
	s4 =	sshll.u32 s4, $0x1;
	s5 =	sadd.s32 s21, s3  }
0x9d: {  	[timem:s22], [sflag:s6] =	dma.local [hbm:s5], s4  }
0x9e: {  	_ =	swait.ge [sflag:s6], s4  }
0x9f: {  	s4 =	ssub.s32 $0x0, s4;
	[sflag:s6] =	ssyncset.done $0x0  }
0xa0: {  	[sflag:s6] =	ssyncadd.s32 s4;
	_ =	sdelay $0x1  }
0xa1: {  	s23 =	simm.s32 $0x1B8B  }
0xa2: {  	_ =	swait.ge [sflag:s23], $0x1  }
0xa3: {  	[sflag:s23] =	ssyncset.done $0x0  }
0xa4: {  	[sflag:s23] =	ssyncadd.s32 $0xFFFFFFFF  }
0xa5: {  	s4 =	sld [smem:$0x0]  }
0xa6: {  	s5 =	sand.u32 $0xFFFFFFFE, s1  }
0xa7: {  	p0 =	sne.s32 s1, s5  }
0xa8: {  	s5 =	sshll.u32 @p0 s5, $0xE  }
0xa9: {  	s5 =	sadd.s32 @p0 $0x11B8D, s5;
	s6 =	sshll.u32 @p0 s4, $0x11  }
0xaa: {  	s5 =	sor.u32 @p0 s6, s5  }
0xab: {  	[sflag:s5] =	ssyncadd.remote.s32 @p0 $0x1;
	_ =	sdelay $0x1  }
0xac: {  	s5 =	simm.s32 @p0 $0x1B8D  }
0xad: {  	_ =	swait.eq @p0 [sflag:s5], $0x1  }
0xae: {  	[sflag:s5] =	ssyncadd.s32 @p0 $0xFFFFFFFF  }
0xaf: {  	s6 =	sshll.u32 @!p0 s1, $0xE  }
0xb0: {  	s6 =	sor.u32 @!p0 $0x4000, s6;
	s5 =	simm.s32 @!p0 $0x1B8D  }
0xb1: {  	s4 =	sshll.u32 @!p0 s4, $0x11;
	s6 =	sadd.s32 @!p0 $0x11B8D, s6;
	_ =	swait.eq @!p0 [sflag:s5], $0x1  }
0xb2: {  	s4 =	sor.u32 @!p0 s4, s6;
	[sflag:s5] =	ssyncadd.s32 @!p0 $0xFFFFFFFF  }
0xb3: {  	s25 =	simm.s32 $0x1B8E;
	s24 =	sld [smem:$0x3FFE];
	[sflag:s4] =	ssyncadd.remote.s32 @!p0 $0x1  }
0xb4: {  	s26 =	simm.s32 $execute0_lowered;
	[smem:$0x3FD2] =	sst s25  }
0xb5: {  	s5 =	sshll.u32 s26, $0x1;
	_ =	strace $0x80000049;
	[dreg:$0x1] =	wrdreg $0xFFFFFFFF  }
0xb6: {  	s28 =	simm.s32 $_size_execute0_lowered;
	s3 =	sadd.s32 s3, s5;
	[dreg:$0x0] =	wrdreg $0x0  }
0xb7: {  	s5 =	sshll.u32 s28, $0x1;
	[dreg:$0x2] =	wrdreg s3  }
0xb8: {  	[dreg:$0x3] =	wrdreg s5  }
0xb9: {  	[dreg:$0x4] =	wrdreg $0xC0  }
0xba: {  	_ =	task [dreg:s22], $0x5FFFF  }
0xbb: {  	[dreg:$0x1] =	wrdreg $0xFFFFFFFF  }
0xbc: {  	[dreg:$0x0] =	wrdreg $0x60  }
0xbd: {  	[dreg:$0x2] =	wrdreg s24  }
0xbe: {  	[dreg:$0x3] =	wrdreg $0xA  }
0xbf: {  	_ =	task.clear_ibuf [dreg:s22], $0x4FFFF;
	_ =	strace $0x90000049  }
0xc0: {  	s29 =	simm.s32 $0xA;
	_ =	strace $0x8000004B  }
0xc1: {  	_ =	swait.ge [sflag:s29], $0x1  }
0xc2: {  	[sflag:s29] =	ssyncadd.s32 $0xFFFFFFFF  }
0xc3: {  	_ =	strace $0x9000004B  }
0xc4: {  	_ =	sfence  }
0xc5: {  	s30 =	sld [smem:$0x0];
	_ =	sdelay $0x2  }
0xc6: {  	s31 =	sshll.u32 s1, $0xD;
	s1 =	sshrl.u32 s1, $0x2  }
0xc7: {  	s4 =	sand.u32 $0x4000, s31;
	s1 =	sadd.s32 s1, s30  }
0xc8: {  	s0 =	sor.u32 s4, s0;
	s1 =	sshll.u32 s1, $0x11  }
0xc9: {  	s0 =	sor.u32 s1, s0  }
0xca: {  	s0 =	sadd.s32 $0x8F2B, s0  }
0xcb: {  	[sflag:s0] =	ssyncadd.remote.s32 $0x1  }
0xcc: {  	_ =	sfence.sel $0xFFFF  }
0xcd: {  	[dreg:$0x0] =	wrdreg $0xFFFFFFFF;
	(pc) =	sbr.abs _section_cstart, $3  }
0xce: {  	[dreg:$0x1] =	wrdreg $0xFFFFFFFF  }
0xcf: {  	_ =	task.clear_ibuf [dreg:s22], $0x2FFFF;
	_ =	strace $0x9FFFFFFF  }
0xd0: {  	(tm) =	ssettm $0x7FFFFFFF  }
0xd1: {  	_ =	shalt  }
tec
execute0_lowered:
.L_overlay_start_1:
0x0: {  	(tag) =	ssettag $0x1  }
0x1: {  	s9 =	rddreg [dreg:$0x0]  }
0x2: {  	s0 =	rddreg [dreg:$0x1]  }
0x3: {  	s1 =	simm.s32 $0x0;
	s10 =	srdreg.scid;
	s5 =	stileid.u32  }
0x4: {  	s15 =	simm.s32 $0x2;
	s16 =	simm.s32 $0x80;
	s17 =	simm.s32 $0x1000  }
0x5: {  	s18 =	simm.s32 $0x5000;
	s19 =	simm.s32 $0x9000;
	s20 =	simm.s32 $0x1  }
0x6: {  	[smem:$0x7FF] =	sst s1;
	s2 =	sadd.s32 $0x9400, s9;
	s3 =	sadd.s32 $0x623C00, s9  }
0x7: {  	s21 =	simm.s32 $0x0;
	s4 =	sadd.s32 $0x7AA600, s9;
	s6 =	sadd.s32 $0x18FE00, s9  }
0x8: {  	s7 =	sadd.s32 $0x316800, s9;
	s8 =	sadd.s32 $0x49D200, s9;
	s10 =	sand.u32 $0x1, s10  }
0x9: {  	s11 =	sshll.u32 s5, $0x9;
	s13 =	smul.u32 $0xA000, s5;
	_ =	strace $0x8000004A  }
0xa: {  	s12 =	sshll.u32 s10, $0x8;
	s30 =	ssub.s32 $0x2, s10;
	s10 =	smul.u32 $0x5000, s10  }
0xb: {  	s11 =	sor.u32 s12, s11;
	s13 =	sadd.s32 s13, s9;
	s31 =	sshrl.u32 s30, $0x1  }
0xc: {  	s11 =	sadd.s32 s11, s9;
	s12 =	ssub.s32 s30, s31;
	s14 =	sadd.s32 s10, s13  }
0xd: {  	s9 =	sadd.s32 $0xA73000, s11;
	s10 =	sadd.s32 $0xA71000, s11;
	s11 =	smax.u32 s12, $0x1  }
0xe: {  	s12 =	sadd.s32 $0xA81000, s14;
	s13 =	sadd.s32 $0xB21000, s14;
	s14 =	sadd.s32 $0xBC1000, s14  }
.LBB2_1:
0xf: {  	[tilespmem:s1], [sflag:$0x2] =	stream.linear.gather [hbm4b:s9+s1], $0x500, $0x38;
	[tilespmem:$0xD000] =	vst v63  }
0x10: {  	_ =	swait.ge [sflag:s15], $0x500  }
0x11: {  	[sflag:s15] =	ssyncset.done $0x0  }
0x12: {  	s22 =	simm.s32 $0x800;
	[sflag:s15] =	ssyncadd.s32 $0xFFFFFB00  }
0x13: {  	[tilespmem:s22], [sflag:$0x2] =	stream.linear.gather [hbm4b:s10+s1], $0x500, $0x38;
	[tilespmem:$0xD000] =	vst v63  }
0x14: {  	_ =	swait.ge [sflag:s15], $0x500  }
0x15: {  	[sflag:s15] =	ssyncset.done $0x0  }
0x16: {  	[sflag:s15] =	ssyncadd.s32 $0xFFFFFB00  }
0x17: {  	[tilespmem:s17], [sflag:$0x1] =	stream.indirect.gather [hbm4b:s2+s16], $0x80, s1, s16, $0xb8;
	[tilespmem:$0xD000] =	vst v63  }
0x18: {  	_ = 	snop  }
0x19: {  	[tilespmem:s18], [sflag:$0x1] =	stream.indirect.gather [hbm4b:s3+s16], $0x80, s1, s16, $0xb8;
	[tilespmem:$0xD000] =	vst v63  }
0x1a: {  	_ = 	snop  }
0x1b: {  	[tilespmem:s19], [sflag:$0x1] =	stream.indirect.gather [hbm4b:s4+s16], $0x80, s1, s16, $0xb8;
	[tilespmem:$0xD000] =	vst v63  }
0x1c: {  	_ =	swait.ge [sflag:s20], $0x4000  }
0x1d: {  	[sflag:s20] =	ssyncset.done $0x0  }
0x1e: {  	[sflag:s20] =	ssyncadd.s32 $0xFFFFC000  }
0x1f: {  	_ =	swait.ge [sflag:s20], $0x4000  }
0x20: {  	[sflag:s20] =	ssyncset.done $0x0  }
0x21: {  	[sflag:s20] =	ssyncadd.s32 $0xFFFFC000  }
0x22: {  	_ =	swait.ge [sflag:s20], $0x4000  }
0x23: {  	[sflag:s20] =	ssyncset.done $0x0  }
0x24: {  	[sflag:s20] =	ssyncadd.s32 $0xFFFFC000  }
0x25: {  	[tilespmem:s17], [sflag:$0x1] =	stream.indirect.gather.add.f32 [hbm:s6], $0x80, s22, s16, $0xb8;
	[tilespmem:$0xD000] =	vst v63  }
0x26: {  	_ = 	snop  }
0x27: {  	[tilespmem:s18], [sflag:$0x1] =	stream.indirect.gather.add.f32 [hbm:s7], $0x80, s22, s16, $0xb8;
	[tilespmem:$0xD000] =	vst v63  }
0x28: {  	_ = 	snop  }
0x29: {  	[tilespmem:s19], [sflag:$0x1] =	stream.indirect.gather.add.f32 [hbm:s8], $0x80, s22, s16, $0xb8;
	[tilespmem:$0xD000] =	vst v63  }
0x2a: {  	_ =	swait.ge [sflag:s20], $0x4000  }
0x2b: {  	[sflag:s20] =	ssyncset.done $0x0  }
0x2c: {  	[sflag:s20] =	ssyncadd.s32 $0xFFFFC000  }
0x2d: {  	_ =	swait.ge [sflag:s20], $0x4000  }
0x2e: {  	[sflag:s20] =	ssyncset.done $0x0  }
0x2f: {  	[sflag:s20] =	ssyncadd.s32 $0xFFFFC000  }
0x30: {  	_ =	swait.ge [sflag:s20], $0x4000  }
0x31: {  	[sflag:s20] =	ssyncset.done $0x0  }
0x32: {  	s23 =	sadd.s32 $0x0, s12;
	[sflag:s20] =	ssyncadd.s32 $0xFFFFC000  }
0x33: {  	[hbm4b:s23+s1] =	stream.linear.scatter [tilespmem:s17], [sflag:$0x2], $0x4000, $0x38;
	[tilespmem:$0xD000] =	vst v63  }
0x34: {  	_ =	swait.ge [sflag:s15], $0x4000  }
0x35: {  	[sflag:s15] =	ssyncset.done $0x0  }
0x36: {  	s30 =	sadd.s32 $0x0, s13;
	[sflag:s15] =	ssyncadd.s32 $0xFFFFC000  }
0x37: {  	[hbm4b:s30+s1] =	stream.linear.scatter [tilespmem:s18], [sflag:$0x2], $0x4000, $0x38;
	[tilespmem:$0xD000] =	vst v63  }
0x38: {  	_ =	swait.ge [sflag:s15], $0x4000  }
0x39: {  	[sflag:s15] =	ssyncset.done $0x0  }
0x3a: {  	s31 =	sadd.s32 $0x0, s14;
	[sflag:s15] =	ssyncadd.s32 $0xFFFFC000  }
0x3b: {  	[hbm4b:s31+s1] =	stream.linear.scatter [tilespmem:s19], [sflag:$0x2], $0x4000, $0x38;
	[tilespmem:$0xD000] =	vst v63  }
0x3c: {  	_ =	swait.ge [sflag:s15], $0x4000  }
0x3d: {  	s24 =	simm.s32 $0x0;
	s23 =	simm.s32 $0x800;
	[sflag:s15] =	ssyncset.done $0x0  }
.LBB2_2:
0x3e: {  	[sflag:s15] =	ssyncadd.s32 $0xFFFFC000;
	s24 =	sadd.s32 $0x80, s24;
	s22 =	sadd.s32 $0x80, s22  }
0x3f: {  	[tilespmem:s17], [sflag:$0x1] =	stream.indirect.gather [hbm4b:s2+s16], $0x80, s24, s16, $0xb8;
	[tilespmem:$0xD000] =	vst v63  }
0x40: {  	p0 =	sne.s32 s23, $0x4800;
	s25 =	smov.u32 s23;
	s23 =	sadd.s32 $0x800, s23  }
0x41: {  	[tilespmem:s18], [sflag:$0x1] =	stream.indirect.gather [hbm4b:s3+s16], $0x80, s24, s16, $0xb8;
	[tilespmem:$0xD000] =	vst v63  }
0x42: {  	_ = 	snop  }
0x43: {  	[tilespmem:s19], [sflag:$0x1] =	stream.indirect.gather [hbm4b:s4+s16], $0x80, s24, s16, $0xb8;
	[tilespmem:$0xD000] =	vst v63  }
0x44: {  	_ =	swait.ge [sflag:s20], $0x4000  }
0x45: {  	[sflag:s20] =	ssyncset.done $0x0  }
0x46: {  	[sflag:s20] =	ssyncadd.s32 $0xFFFFC000  }
0x47: {  	_ =	swait.ge [sflag:s20], $0x4000  }
0x48: {  	[sflag:s20] =	ssyncset.done $0x0  }
0x49: {  	[sflag:s20] =	ssyncadd.s32 $0xFFFFC000  }
0x4a: {  	_ =	swait.ge [sflag:s20], $0x4000  }
0x4b: {  	[sflag:s20] =	ssyncset.done $0x0  }
0x4c: {  	[sflag:s20] =	ssyncadd.s32 $0xFFFFC000  }
0x4d: {  	[tilespmem:s17], [sflag:$0x1] =	stream.indirect.gather.add.f32 [hbm:s6], $0x80, s22, s16, $0xb8;
	[tilespmem:$0xD000] =	vst v63  }
0x4e: {  	_ = 	snop  }
0x4f: {  	[tilespmem:s18], [sflag:$0x1] =	stream.indirect.gather.add.f32 [hbm:s7], $0x80, s22, s16, $0xb8;
	[tilespmem:$0xD000] =	vst v63  }
0x50: {  	_ = 	snop  }
0x51: {  	[tilespmem:s19], [sflag:$0x1] =	stream.indirect.gather.add.f32 [hbm:s8], $0x80, s22, s16, $0xb8;
	[tilespmem:$0xD000] =	vst v63  }
0x52: {  	_ =	swait.ge [sflag:s20], $0x4000  }
0x53: {  	[sflag:s20] =	ssyncset.done $0x0  }
0x54: {  	[sflag:s20] =	ssyncadd.s32 $0xFFFFC000  }
0x55: {  	_ =	swait.ge [sflag:s20], $0x4000  }
0x56: {  	[sflag:s20] =	ssyncset.done $0x0  }
0x57: {  	[sflag:s20] =	ssyncadd.s32 $0xFFFFC000  }
0x58: {  	_ =	swait.ge [sflag:s20], $0x4000  }
0x59: {  	[sflag:s20] =	ssyncset.done $0x0  }
0x5a: {  	s26 =	sadd.s32 s25, s12;
	[sflag:s20] =	ssyncadd.s32 $0xFFFFC000  }
0x5b: {  	[hbm4b:s26+s1] =	stream.linear.scatter [tilespmem:s17], [sflag:$0x2], $0x4000, $0x38;
	[tilespmem:$0xD000] =	vst v63  }
0x5c: {  	_ =	swait.ge [sflag:s15], $0x4000  }
0x5d: {  	[sflag:s15] =	ssyncset.done $0x0  }
0x5e: {  	s26 =	sadd.s32 s25, s13;
	[sflag:s15] =	ssyncadd.s32 $0xFFFFC000  }
0x5f: {  	[hbm4b:s26+s1] =	stream.linear.scatter [tilespmem:s18], [sflag:$0x2], $0x4000, $0x38;
	[tilespmem:$0xD000] =	vst v63  }
0x60: {  	_ =	swait.ge [sflag:s15], $0x4000  }
.Ltmp0:
0x61: {  	[sflag:s15] =	ssyncset.done $0x0;
	(pc) =	sbr.rel @p0 .LBB2_2-.Ltmp0, $4  }
0x62: {  	s25 =	sadd.s32 s25, s14;
	[sflag:s15] =	ssyncadd.s32 $0xFFFFC000  }
0x63: {  	[hbm4b:s25+s1] =	stream.linear.scatter [tilespmem:s19], [sflag:$0x2], $0x4000, $0x38;
	[tilespmem:$0xD000] =	vst v63  }
0x64: {  	_ =	swait.ge [sflag:s15], $0x4000  }
0x65: {  	[sflag:s15] =	ssyncset.done $0x0  }
0x66: {  	s21 =	sadd.s32 $0x1, s21  }
0x67: {  	p0 =	sne.s32 s21, s11  }
.Ltmp1:
0x68: {  	_ = 	snop;
	(pc) =	sbr.rel @p0 .LBB2_1-.Ltmp1, $2  }
0x69: {  	_ =	sdelay $0x2  }
0x6a: {  	[sflag:s15] =	ssyncadd.s32 $0xFFFFC000  }
0x6b: {  	_ =	sfence.sel $0x180000  }
0x6c: {  	[bflag:$0x0] =	sbarrier.arrive $0xFFFF  }
0x6d: {  	p0 =	sne.s32 s5, $0x0;
	_ =	strace $0x9000004A  }
0x6e: {  	s0 =	sadd.s32 @!p0 $0x100000, s0;
	[bflag:$0x2] =	sbarrier.arrive $0xFFFF  }
0x6f: {  	[sflag:s0] =	ssyncadd.tile.s32 @!p0 $0x1;
	_ =	shalt  }
.Lfunc_end2:
_tile_overlayer_lowered:
.L_overlay_start_2:
0x70: {  	(tag) =	ssettag $0x2  }
0x71: {  	s0 =	rddreg [dreg:$0x0];
	s2 =	stileid.u32  }
0x72: {  	s1 =	rddreg [dreg:$0x1];
	p0 =	sne.s32 s2, $0x0  }
0x73: {  	s3 =	rddreg [dreg:$0x2];
	[bflag:$0x3] =	sbarrier.arrive $0xFFFF;
	s2 =	simm.s32 @!p0 $0x1C02  }
0x74: {  	[timem:s3], [sflag:s2] =	dma.local @!p0 [hbm:s0], s1  }
0x75: {  	s0 =	simm.s32 @!p0 $0x2  }
0x76: {  	_ =	swait.ge @!p0 [sflag:s0], s1  }
0x77: {  	s1 =	ssub.s32 @!p0 $0x0, s1;
	[sflag:s0] =	ssyncset.done @!p0 $0x0  }
0x78: {  	[sflag:s0] =	ssyncadd.s32 @!p0 s1  }
0x79: {  	[bflag:$0x3] =	sbarrier.arrive $0xFFFF  }
0x7a: {  	_ =	shalt  }

// kernel: kernel.20.cloned.1.call-start
scs
__scs_entry_jumppad:
0x0: {  	(pc) =	sbr.rel $0x88, $3  }
0x1: {  	(tag) =	ssettag $0x0;
	lr =	simm.s32 $0x1  }
0x2: {  	[smem:$0x3F91] =	sst lr;
	_ =	strace $0xD0000000  }
0x3: {  	_ = 	snop  }
0x4: {  	_ = 	snop  }
0x5: {  	_ = 	snop  }
0x6: {  	_ = 	snop  }
0x7: {  	_ = 	snop  }
__scs_overlays_trampoline_lowered:
0x8: {  	[smem:$0x3FA0] =	sst s0  }
0x9: {  	[smem:$0x3FA1] =	sst s1  }
0xa: {  	[smem:$0x3FA2] =	sst s2  }
0xb: {  	[smem:$0x3FA3] =	sst s3  }
0xc: {  	[smem:$0x3FA4] =	sst s4  }
0xd: {  	[smem:$0x3FA5] =	sst s5  }
0xe: {  	[smem:$0x3FA6] =	sst s6  }
0xf: {  	[smem:$0x3FA7] =	sst s7  }
0x10: {  	[smem:$0x3FA8] =	sst s8  }
0x11: {  	[smem:$0x3FA9] =	sst s9;
	s0 =	simm.s32 @!p0 $0x0  }
0x12: {  	s1 =	sld [smem:$0x3F8F];
	s0 =	simm.s32 @p0 $0x1  }
0x13: {  	[smem:$0x3FAA] =	sst s0;
	s0 =	simm.s32 @!p1 $0x0  }
0x14: {  	s2 =	sld [smem:$0x3F8E];
	s0 =	simm.s32 @p1 $0x1  }
0x15: {  	[smem:$0x3FAB] =	sst s0;
	s0 =	simm.s32 @!p2 $0x0  }
0x16: {  	s3 =	sld [smem:$0x3FDB];
	s0 =	simm.s32 @p2 $0x1  }
0x17: {  	s4 =	simm.s32 $0x1BF5;
	[smem:$0x3FAD] =	sst s0  }
0x18: {  	s0 =	sld [smem:$0x3F90];
	_ =	swait.ge [sflag:s4], $0x0  }
0x19: {  	s7 =	sld [smem:$0x3F91]  }
0x1a: {  	s8 =	sadd.s32 $0xFFFFE003, lr  }
0x1b: {  	s9 =	sadd.s32 $0xFFFFFEF7, lr;
	s5 =	simm.s32 $0xFFFFFFFF;
	p2 =	slt.u32 s8, $0xFFFFF086  }
0x1c: {  	p1 =	slt.u32 s9, $0xF7A;
	s5 =	simm.s32 @!p2 $0x0  }
0x1d: {  	s5 =	simm.s32 @p1 $0x1;
	p0 =	seq.s32 s7, s2  }
0x1e: {  	s7 =	smul.u32 @!p0 $0xF7A, s2;
	p2 =	seq.s32 @!p0 s5, $0x0  }
0x1f: {  	s9 =	smul.u32 $0xF7A, s1;
	s8 =	simm.s32 @!p0 $0x1BF5;
	p2 =	por !p2, p0  }
0x20: {  	[sflag:s8] =	ssyncset.s32 @!p0 $0xFFFFF086;
	s6 =	sadd.s32 @!p0 s3, s7;
	s7 =	simm.s32 @!p0 $0x108  }
0x21: {  	s3 =	sadd.s32 s3, s9;
	s6 =	sadd.s32 @!p0 $0x88, s6;
	s7 =	simm.s32 @p2 $0x1082  }
0x22: {  	[simem:s7], [sflag:s8] =	dma.local @!p0 [hbm:s6], $0xF7A  }
0x23: {  	s9 =	sor.u32 $0xD0000000, s2;
	s6 =	simm.s32 $0x108;
	_ =	swait.ge @!p0 [sflag:s8], $0x0  }
0x24: {  	s3 =	sadd.s32 $0x88, s3;
	s6 =	simm.s32 @!p1 $0x1082;
	[sflag:s4] =	ssyncset.s32 $0xFFFFF086  }
0x25: {  	[simem:s6], [sflag:s4] =	dma.local [hbm:s3], $0xF7A  }
0x26: {  	[smem:$0x3F91] =	sst s1;
	(tag) =	ssettag s2;
	_ =	strace s9  }
0x27: {  	s1 =	sld [smem:$0x3FA1]  }
0x28: {  	s2 =	sld [smem:$0x3FA2]  }
0x29: {  	s4 =	sld [smem:$0x3FA4]  }
0x2a: {  	p0 =	seq.s32 s5, $0x0;
	s5 =	sld [smem:$0x3FA5]  }
0x2b: {  	s6 =	sld [smem:$0x3FA6]  }
0x2c: {  	s7 =	sld [smem:$0x3FA7]  }
0x2d: {  	s3 =	simm.s32 $0x108;
	s8 =	sld [smem:$0x3FA8]  }
0x2e: {  	s3 =	simm.s32 @!p0 $0x1082;
	s9 =	sld [smem:$0x3FA9]  }
0x2f: {  	lr =	sadd.s32 s0, s3;
	s0 =	sld [smem:$0x3FA0]  }
0x30: {  	s3 =	sld [smem:$0x3FA3]  }
0x31: {  	[smem:$0x3FAC] =	sst s10  }
0x32: {  	s10 =	sld [smem:$0x3FAA];
	_ =	sdelay $0x3  }
0x33: {  	p0 =	seq.s32 s10, $0x1;
	s10 =	sld [smem:$0x3FAC];
	_ =	sdelay $0x3  }
0x34: {  	[smem:$0x3FAC] =	sst s10  }
0x35: {  	s10 =	sld [smem:$0x3FAB];
	_ =	sdelay $0x3  }
0x36: {  	p1 =	seq.s32 s10, $0x1;
	s10 =	sld [smem:$0x3FAC];
	_ =	sdelay $0x3  }
0x37: {  	[smem:$0x3FAC] =	sst s10  }
0x38: {  	s10 =	sld [smem:$0x3FAD]  }
0x39: {  	_ = 	snop;
	(pc) =	sbr.ind lr, $3  }
0x3a: {  	_ = 	snop  }
0x3b: {  	_ = 	snop  }
0x3c: {  	p2 =	seq.s32 s10, $0x1;
	s10 =	sld [smem:$0x3FAC]  }
0x3d: {  	_ =	shalt  }
0x3e: {  	_ =	shalt  }
0x3f: {  	_ =	shalt  }
0x40: {  	_ =	shalt  }
0x41: {  	_ =	shalt  }
0x42: {  	_ =	shalt  }
0x43: {  	_ =	shalt  }
0x44: {  	_ =	shalt  }
0x45: {  	_ =	shalt  }
0x46: {  	_ =	shalt  }
0x47: {  	_ =	shalt  }
0x48: {  	_ =	shalt  }
0x49: {  	_ =	shalt  }
0x4a: {  	_ =	shalt  }
0x4b: {  	_ =	shalt  }
0x4c: {  	_ =	shalt  }
0x4d: {  	_ =	shalt  }
0x4e: {  	_ =	shalt  }
0x4f: {  	_ =	shalt  }
0x50: {  	_ =	shalt  }
0x51: {  	_ =	shalt  }
0x52: {  	_ =	shalt  }
0x53: {  	_ =	shalt  }
0x54: {  	_ =	shalt  }
0x55: {  	_ =	shalt  }
0x56: {  	_ =	shalt  }
0x57: {  	_ =	shalt  }
0x58: {  	_ =	shalt  }
0x59: {  	_ =	shalt  }
0x5a: {  	_ =	shalt  }
0x5b: {  	_ =	shalt  }
0x5c: {  	_ =	shalt  }
0x5d: {  	_ =	shalt  }
0x5e: {  	_ =	shalt  }
0x5f: {  	_ =	shalt  }
0x60: {  	_ =	shalt  }
0x61: {  	_ =	shalt  }
0x62: {  	_ =	shalt  }
0x63: {  	_ =	shalt  }
0x64: {  	_ =	shalt  }
0x65: {  	_ =	shalt  }
0x66: {  	_ =	shalt  }
0x67: {  	_ =	shalt  }
0x68: {  	_ =	shalt  }
0x69: {  	_ =	shalt  }
0x6a: {  	_ =	shalt  }
0x6b: {  	_ =	shalt  }
0x6c: {  	_ =	shalt  }
0x6d: {  	_ =	shalt  }
0x6e: {  	_ =	shalt  }
0x6f: {  	_ =	shalt  }
0x70: {  	_ =	shalt  }
0x71: {  	_ =	shalt  }
0x72: {  	_ =	shalt  }
0x73: {  	_ =	shalt  }
0x74: {  	_ =	shalt  }
0x75: {  	_ =	shalt  }
0x76: {  	_ =	shalt  }
0x77: {  	_ =	shalt  }
0x78: {  	_ =	shalt  }
0x79: {  	_ =	shalt  }
0x7a: {  	_ =	shalt  }
0x7b: {  	_ =	shalt  }
0x7c: {  	_ =	shalt  }
0x7d: {  	_ =	shalt  }
0x7e: {  	_ =	shalt  }
0x7f: {  	_ =	shalt  }
0x80: {  	_ =	shalt  }
0x81: {  	_ =	shalt  }
0x82: {  	_ =	shalt  }
0x83: {  	_ =	shalt  }
0x84: {  	_ =	shalt  }
0x85: {  	_ =	shalt  }
0x86: {  	_ =	shalt  }
0x87: {  	_ =	shalt  }
.Lfunc_end0:
.L_simem_size_0:
called_computation.2_lowered:
.L_overlay_start_0:
0x88: {  	s2 =	sld [smem:$0x3FD9]  }
0x89: {  	s3 =	sld [smem:$0x3FFE];
	_ =	sdelay $0x1  }
0x8a: {  	s1 =	srdreg.scid  }
0x8b: {  	s0 =	sand.u32 $0x1, s1  }
0x8c: {  	s17 =	sshll.u32 s0, $0xA;
	s2 =	sadd.s32 s3, s2  }
0x8d: {  	s2 =	sadd.s32 s2, s17  }
0x8e: {  	[smem:$0x3FB8] =	sst s2  }
0x8f: {  	_ = 	snop  }
0x90: {  	(tm) =	ssettm $0x1  }
0x91: {  	s18 =	sld [smem:$0x3FFB];
	_ =	sdelay $0x3  }
0x92: {  	_ =	strace s18  }
0x93: {  	s2 =	sld [smem:$0x3FFC];
	_ =	sdelay $0x3  }
0x94: {  	_ =	strace s2  }
0x95: {  	s2 =	sld [smem:$0x3FFD];
	_ =	sdelay $0x3  }
0x96: {  	_ =	strace s2  }
0x97: {  	_ =	strace $0x8FFFFFFF  }
0x98: {  	s19 =	sld [smem:$0x3FDB];
	_ =	sdelay $0x1  }
0x99: {  	s20 =	simm.s32 $_scs_section_size  }
0x9a: {  	s4 =	simm.s32 $_size__tile_overlayer_lowered;
	s5 =	simm.s32 $_tile_overlayer_lowered  }
0x9b: {  	s6 =	simm.s32 $0x1BFF;
	s21 =	sshll.u32 s5, $0x1;
	s3 =	sadd.s32 s20, s19  }
0x9c: {  	s22 =	simm.s32 $0x0;
	s4 =	sshll.u32 s4, $0x1;
	s5 =	sadd.s32 s21, s3  }
0x9d: {  	[timem:s22], [sflag:s6] =	dma.local [hbm:s5], s4  }
0x9e: {  	_ =	swait.ge [sflag:s6], s4  }
0x9f: {  	s4 =	ssub.s32 $0x0, s4;
	[sflag:s6] =	ssyncset.done $0x0  }
0xa0: {  	[sflag:s6] =	ssyncadd.s32 s4;
	_ =	sdelay $0x1  }
0xa1: {  	s23 =	simm.s32 $0x1B8B  }
0xa2: {  	_ =	swait.ge [sflag:s23], $0x1  }
0xa3: {  	[sflag:s23] =	ssyncset.done $0x0  }
0xa4: {  	[sflag:s23] =	ssyncadd.s32 $0xFFFFFFFF  }
0xa5: {  	s4 =	sld [smem:$0x0]  }
0xa6: {  	s5 =	sand.u32 $0xFFFFFFFE, s1  }
0xa7: {  	p0 =	sne.s32 s1, s5  }
0xa8: {  	s5 =	sshll.u32 @p0 s5, $0xE  }
0xa9: {  	s5 =	sadd.s32 @p0 $0x11B8D, s5;
	s6 =	sshll.u32 @p0 s4, $0x11  }
0xaa: {  	s5 =	sor.u32 @p0 s6, s5  }
0xab: {  	[sflag:s5] =	ssyncadd.remote.s32 @p0 $0x1;
	_ =	sdelay $0x1  }
0xac: {  	s5 =	simm.s32 @p0 $0x1B8D  }
0xad: {  	_ =	swait.eq @p0 [sflag:s5], $0x1  }
0xae: {  	[sflag:s5] =	ssyncadd.s32 @p0 $0xFFFFFFFF  }
0xaf: {  	s6 =	sshll.u32 @!p0 s1, $0xE  }
0xb0: {  	s6 =	sor.u32 @!p0 $0x4000, s6;
	s5 =	simm.s32 @!p0 $0x1B8D  }
0xb1: {  	s4 =	sshll.u32 @!p0 s4, $0x11;
	s6 =	sadd.s32 @!p0 $0x11B8D, s6;
	_ =	swait.eq @!p0 [sflag:s5], $0x1  }
0xb2: {  	s4 =	sor.u32 @!p0 s4, s6;
	[sflag:s5] =	ssyncadd.s32 @!p0 $0xFFFFFFFF  }
0xb3: {  	s25 =	simm.s32 $0x1B8E;
	s24 =	sld [smem:$0x3FFE];
	[sflag:s4] =	ssyncadd.remote.s32 @!p0 $0x1  }
0xb4: {  	s26 =	simm.s32 $execute0_lowered;
	[smem:$0x3FD2] =	sst s25  }
0xb5: {  	s5 =	sshll.u32 s26, $0x1;
	_ =	strace $0x8000004C;
	[dreg:$0x1] =	wrdreg $0xFFFFFFFF  }
0xb6: {  	s28 =	simm.s32 $_size_execute0_lowered;
	s3 =	sadd.s32 s3, s5;
	[dreg:$0x0] =	wrdreg $0x0  }
0xb7: {  	s5 =	sshll.u32 s28, $0x1;
	[dreg:$0x2] =	wrdreg s3  }
0xb8: {  	[dreg:$0x3] =	wrdreg s5  }
0xb9: {  	[dreg:$0x4] =	wrdreg $0xC0  }
0xba: {  	_ =	task [dreg:s22], $0x5FFFF  }
0xbb: {  	[dreg:$0x1] =	wrdreg $0xFFFFFFFF  }
0xbc: {  	[dreg:$0x0] =	wrdreg $0x60  }
0xbd: {  	[dreg:$0x2] =	wrdreg s24  }
0xbe: {  	[dreg:$0x3] =	wrdreg $0xB  }
0xbf: {  	_ =	task.clear_ibuf [dreg:s22], $0x4FFFF;
	_ =	strace $0x9000004C  }
0xc0: {  	s29 =	simm.s32 $0xB;
	_ =	strace $0x8000004E  }
0xc1: {  	_ =	swait.ge [sflag:s29], $0x1  }
0xc2: {  	[sflag:s29] =	ssyncadd.s32 $0xFFFFFFFF  }
0xc3: {  	_ =	strace $0x9000004E  }
0xc4: {  	_ =	sfence  }
0xc5: {  	s30 =	sld [smem:$0x0];
	_ =	sdelay $0x2  }
0xc6: {  	s31 =	sshll.u32 s1, $0xD;
	s1 =	sshrl.u32 s1, $0x2  }
0xc7: {  	s4 =	sand.u32 $0x4000, s31;
	s1 =	sadd.s32 s1, s30  }
0xc8: {  	s0 =	sor.u32 s4, s0;
	s1 =	sshll.u32 s1, $0x11  }
0xc9: {  	s0 =	sor.u32 s1, s0  }
0xca: {  	s0 =	sadd.s32 $0x8F2B, s0  }
0xcb: {  	[sflag:s0] =	ssyncadd.remote.s32 $0x1  }
0xcc: {  	_ =	sfence.sel $0xFFFF  }
0xcd: {  	[dreg:$0x0] =	wrdreg $0xFFFFFFFF;
	(pc) =	sbr.abs _section_cstart, $3  }
0xce: {  	[dreg:$0x1] =	wrdreg $0xFFFFFFFF  }
0xcf: {  	_ =	task.clear_ibuf [dreg:s22], $0x2FFFF;
	_ =	strace $0x9FFFFFFF  }
0xd0: {  	(tm) =	ssettm $0x7FFFFFFF  }
0xd1: {  	_ =	shalt  }
tec
execute0_lowered:
.L_overlay_start_1:
0x0: {  	(tag) =	ssettag $0x1  }
0x1: {  	s9 =	rddreg [dreg:$0x0]  }
0x2: {  	s0 =	rddreg [dreg:$0x1]  }
0x3: {  	s1 =	simm.s32 $0x0;
	s10 =	srdreg.scid;
	s5 =	stileid.u32  }
0x4: {  	s15 =	simm.s32 $0x2;
	s16 =	simm.s32 $0x80;
	s17 =	simm.s32 $0x1000  }
0x5: {  	s18 =	simm.s32 $0x5000;
	s19 =	simm.s32 $0x9000;
	s20 =	simm.s32 $0x1  }
0x6: {  	[smem:$0x7FF] =	sst s1;
	s2 =	sadd.s32 $0x9400, s9;
	s3 =	sadd.s32 $0x623C00, s9  }
0x7: {  	s21 =	simm.s32 $0x0;
	s4 =	sadd.s32 $0x7AA600, s9;
	s6 =	sadd.s32 $0x18FE00, s9  }
0x8: {  	s7 =	sadd.s32 $0x316800, s9;
	s8 =	sadd.s32 $0x49D200, s9;
	s10 =	sand.u32 $0x1, s10  }
0x9: {  	s11 =	sshll.u32 s5, $0x9;
	s13 =	smul.u32 $0xA000, s5;
	_ =	strace $0x8000004D  }
0xa: {  	s12 =	sshll.u32 s10, $0x8;
	s30 =	ssub.s32 $0x2, s10;
	s10 =	smul.u32 $0x5000, s10  }
0xb: {  	s11 =	sor.u32 s12, s11;
	s13 =	sadd.s32 s13, s9;
	s31 =	sshrl.u32 s30, $0x1  }
0xc: {  	s11 =	sadd.s32 s11, s9;
	s12 =	ssub.s32 s30, s31;
	s14 =	sadd.s32 s10, s13  }
0xd: {  	s9 =	sadd.s32 $0xA77000, s11;
	s10 =	sadd.s32 $0xA75000, s11;
	s11 =	smax.u32 s12, $0x1  }
0xe: {  	s12 =	sadd.s32 $0xC61000, s14;
	s13 =	sadd.s32 $0xD01000, s14;
	s14 =	sadd.s32 $0xDA1000, s14  }
.LBB2_1:
0xf: {  	[tilespmem:s1], [sflag:$0x2] =	stream.linear.gather [hbm4b:s9+s1], $0x500, $0x38;
	[tilespmem:$0xD000] =	vst v63  }
0x10: {  	_ =	swait.ge [sflag:s15], $0x500  }
0x11: {  	[sflag:s15] =	ssyncset.done $0x0  }
0x12: {  	s22 =	simm.s32 $0x800;
	[sflag:s15] =	ssyncadd.s32 $0xFFFFFB00  }
0x13: {  	[tilespmem:s22], [sflag:$0x2] =	stream.linear.gather [hbm4b:s10+s1], $0x500, $0x38;
	[tilespmem:$0xD000] =	vst v63  }
0x14: {  	_ =	swait.ge [sflag:s15], $0x500  }
0x15: {  	[sflag:s15] =	ssyncset.done $0x0  }
0x16: {  	[sflag:s15] =	ssyncadd.s32 $0xFFFFFB00  }
0x17: {  	[tilespmem:s17], [sflag:$0x1] =	stream.indirect.gather [hbm4b:s2+s16], $0x80, s1, s16, $0xb8;
	[tilespmem:$0xD000] =	vst v63  }
0x18: {  	_ = 	snop  }
0x19: {  	[tilespmem:s18], [sflag:$0x1] =	stream.indirect.gather [hbm4b:s3+s16], $0x80, s1, s16, $0xb8;
	[tilespmem:$0xD000] =	vst v63  }
0x1a: {  	_ = 	snop  }
0x1b: {  	[tilespmem:s19], [sflag:$0x1] =	stream.indirect.gather [hbm4b:s4+s16], $0x80, s1, s16, $0xb8;
	[tilespmem:$0xD000] =	vst v63  }
0x1c: {  	_ =	swait.ge [sflag:s20], $0x4000  }
0x1d: {  	[sflag:s20] =	ssyncset.done $0x0  }
0x1e: {  	[sflag:s20] =	ssyncadd.s32 $0xFFFFC000  }
0x1f: {  	_ =	swait.ge [sflag:s20], $0x4000  }
0x20: {  	[sflag:s20] =	ssyncset.done $0x0  }
0x21: {  	[sflag:s20] =	ssyncadd.s32 $0xFFFFC000  }
0x22: {  	_ =	swait.ge [sflag:s20], $0x4000  }
0x23: {  	[sflag:s20] =	ssyncset.done $0x0  }
0x24: {  	[sflag:s20] =	ssyncadd.s32 $0xFFFFC000  }
0x25: {  	[tilespmem:s17], [sflag:$0x1] =	stream.indirect.gather.add.f32 [hbm:s6], $0x80, s22, s16, $0xb8;
	[tilespmem:$0xD000] =	vst v63  }
0x26: {  	_ = 	snop  }
0x27: {  	[tilespmem:s18], [sflag:$0x1] =	stream.indirect.gather.add.f32 [hbm:s7], $0x80, s22, s16, $0xb8;
	[tilespmem:$0xD000] =	vst v63  }
0x28: {  	_ = 	snop  }
0x29: {  	[tilespmem:s19], [sflag:$0x1] =	stream.indirect.gather.add.f32 [hbm:s8], $0x80, s22, s16, $0xb8;
	[tilespmem:$0xD000] =	vst v63  }
0x2a: {  	_ =	swait.ge [sflag:s20], $0x4000  }
0x2b: {  	[sflag:s20] =	ssyncset.done $0x0  }
0x2c: {  	[sflag:s20] =	ssyncadd.s32 $0xFFFFC000  }
0x2d: {  	_ =	swait.ge [sflag:s20], $0x4000  }
0x2e: {  	[sflag:s20] =	ssyncset.done $0x0  }
0x2f: {  	[sflag:s20] =	ssyncadd.s32 $0xFFFFC000  }
0x30: {  	_ =	swait.ge [sflag:s20], $0x4000  }
0x31: {  	[sflag:s20] =	ssyncset.done $0x0  }
0x32: {  	s23 =	sadd.s32 $0x0, s12;
	[sflag:s20] =	ssyncadd.s32 $0xFFFFC000  }
0x33: {  	[hbm4b:s23+s1] =	stream.linear.scatter [tilespmem:s17], [sflag:$0x2], $0x4000, $0x38;
	[tilespmem:$0xD000] =	vst v63  }
0x34: {  	_ =	swait.ge [sflag:s15], $0x4000  }
0x35: {  	[sflag:s15] =	ssyncset.done $0x0  }
0x36: {  	s30 =	sadd.s32 $0x0, s13;
	[sflag:s15] =	ssyncadd.s32 $0xFFFFC000  }
0x37: {  	[hbm4b:s30+s1] =	stream.linear.scatter [tilespmem:s18], [sflag:$0x2], $0x4000, $0x38;
	[tilespmem:$0xD000] =	vst v63  }
0x38: {  	_ =	swait.ge [sflag:s15], $0x4000  }
0x39: {  	[sflag:s15] =	ssyncset.done $0x0  }
0x3a: {  	s31 =	sadd.s32 $0x0, s14;
	[sflag:s15] =	ssyncadd.s32 $0xFFFFC000  }
0x3b: {  	[hbm4b:s31+s1] =	stream.linear.scatter [tilespmem:s19], [sflag:$0x2], $0x4000, $0x38;
	[tilespmem:$0xD000] =	vst v63  }
0x3c: {  	_ =	swait.ge [sflag:s15], $0x4000  }
0x3d: {  	s24 =	simm.s32 $0x0;
	s23 =	simm.s32 $0x800;
	[sflag:s15] =	ssyncset.done $0x0  }
.LBB2_2:
0x3e: {  	[sflag:s15] =	ssyncadd.s32 $0xFFFFC000;
	s24 =	sadd.s32 $0x80, s24;
	s22 =	sadd.s32 $0x80, s22  }
0x3f: {  	[tilespmem:s17], [sflag:$0x1] =	stream.indirect.gather [hbm4b:s2+s16], $0x80, s24, s16, $0xb8;
	[tilespmem:$0xD000] =	vst v63  }
0x40: {  	p0 =	sne.s32 s23, $0x4800;
	s25 =	smov.u32 s23;
	s23 =	sadd.s32 $0x800, s23  }
0x41: {  	[tilespmem:s18], [sflag:$0x1] =	stream.indirect.gather [hbm4b:s3+s16], $0x80, s24, s16, $0xb8;
	[tilespmem:$0xD000] =	vst v63  }
0x42: {  	_ = 	snop  }
0x43: {  	[tilespmem:s19], [sflag:$0x1] =	stream.indirect.gather [hbm4b:s4+s16], $0x80, s24, s16, $0xb8;
	[tilespmem:$0xD000] =	vst v63  }
0x44: {  	_ =	swait.ge [sflag:s20], $0x4000  }
0x45: {  	[sflag:s20] =	ssyncset.done $0x0  }
0x46: {  	[sflag:s20] =	ssyncadd.s32 $0xFFFFC000  }
0x47: {  	_ =	swait.ge [sflag:s20], $0x4000  }
0x48: {  	[sflag:s20] =	ssyncset.done $0x0  }
0x49: {  	[sflag:s20] =	ssyncadd.s32 $0xFFFFC000  }
0x4a: {  	_ =	swait.ge [sflag:s20], $0x4000  }
0x4b: {  	[sflag:s20] =	ssyncset.done $0x0  }
0x4c: {  	[sflag:s20] =	ssyncadd.s32 $0xFFFFC000  }
0x4d: {  	[tilespmem:s17], [sflag:$0x1] =	stream.indirect.gather.add.f32 [hbm:s6], $0x80, s22, s16, $0xb8;
	[tilespmem:$0xD000] =	vst v63  }
0x4e: {  	_ = 	snop  }
0x4f: {  	[tilespmem:s18], [sflag:$0x1] =	stream.indirect.gather.add.f32 [hbm:s7], $0x80, s22, s16, $0xb8;
	[tilespmem:$0xD000] =	vst v63  }
0x50: {  	_ = 	snop  }
0x51: {  	[tilespmem:s19], [sflag:$0x1] =	stream.indirect.gather.add.f32 [hbm:s8], $0x80, s22, s16, $0xb8;
	[tilespmem:$0xD000] =	vst v63  }
0x52: {  	_ =	swait.ge [sflag:s20], $0x4000  }
0x53: {  	[sflag:s20] =	ssyncset.done $0x0  }
0x54: {  	[sflag:s20] =	ssyncadd.s32 $0xFFFFC000  }
0x55: {  	_ =	swait.ge [sflag:s20], $0x4000  }
0x56: {  	[sflag:s20] =	ssyncset.done $0x0  }
0x57: {  	[sflag:s20] =	ssyncadd.s32 $0xFFFFC000  }
0x58: {  	_ =	swait.ge [sflag:s20], $0x4000  }
0x59: {  	[sflag:s20] =	ssyncset.done $0x0  }
0x5a: {  	s26 =	sadd.s32 s25, s12;
	[sflag:s20] =	ssyncadd.s32 $0xFFFFC000  }
0x5b: {  	[hbm4b:s26+s1] =	stream.linear.scatter [tilespmem:s17], [sflag:$0x2], $0x4000, $0x38;
	[tilespmem:$0xD000] =	vst v63  }
0x5c: {  	_ =	swait.ge [sflag:s15], $0x4000  }
0x5d: {  	[sflag:s15] =	ssyncset.done $0x0  }
0x5e: {  	s26 =	sadd.s32 s25, s13;
	[sflag:s15] =	ssyncadd.s32 $0xFFFFC000  }
0x5f: {  	[hbm4b:s26+s1] =	stream.linear.scatter [tilespmem:s18], [sflag:$0x2], $0x4000, $0x38;
	[tilespmem:$0xD000] =	vst v63  }
0x60: {  	_ =	swait.ge [sflag:s15], $0x4000  }
.Ltmp0:
0x61: {  	[sflag:s15] =	ssyncset.done $0x0;
	(pc) =	sbr.rel @p0 .LBB2_2-.Ltmp0, $4  }
0x62: {  	s25 =	sadd.s32 s25, s14;
	[sflag:s15] =	ssyncadd.s32 $0xFFFFC000  }
0x63: {  	[hbm4b:s25+s1] =	stream.linear.scatter [tilespmem:s19], [sflag:$0x2], $0x4000, $0x38;
	[tilespmem:$0xD000] =	vst v63  }
0x64: {  	_ =	swait.ge [sflag:s15], $0x4000  }
0x65: {  	[sflag:s15] =	ssyncset.done $0x0  }
0x66: {  	s21 =	sadd.s32 $0x1, s21  }
0x67: {  	p0 =	sne.s32 s21, s11  }
.Ltmp1:
0x68: {  	_ = 	snop;
	(pc) =	sbr.rel @p0 .LBB2_1-.Ltmp1, $2  }
0x69: {  	_ =	sdelay $0x2  }
0x6a: {  	[sflag:s15] =	ssyncadd.s32 $0xFFFFC000  }
0x6b: {  	_ =	sfence.sel $0x180000  }
0x6c: {  	[bflag:$0x0] =	sbarrier.arrive $0xFFFF  }
0x6d: {  	p0 =	sne.s32 s5, $0x0;
	_ =	strace $0x9000004D  }
0x6e: {  	s0 =	sadd.s32 @!p0 $0x100000, s0;
	[bflag:$0x2] =	sbarrier.arrive $0xFFFF  }
0x6f: {  	[sflag:s0] =	ssyncadd.tile.s32 @!p0 $0x1;
	_ =	shalt  }
.Lfunc_end2:
_tile_overlayer_lowered:
.L_overlay_start_2:
0x70: {  	(tag) =	ssettag $0x2  }
0x71: {  	s0 =	rddreg [dreg:$0x0];
	s2 =	stileid.u32  }
0x72: {  	s1 =	rddreg [dreg:$0x1];
	p0 =	sne.s32 s2, $0x0  }
0x73: {  	s3 =	rddreg [dreg:$0x2];
	[bflag:$0x3] =	sbarrier.arrive $0xFFFF;
	s2 =	simm.s32 @!p0 $0x1C02  }
0x74: {  	[timem:s3], [sflag:s2] =	dma.local @!p0 [hbm:s0], s1  }
0x75: {  	s0 =	simm.s32 @!p0 $0x2  }
0x76: {  	_ =	swait.ge @!p0 [sflag:s0], s1  }
0x77: {  	s1 =	ssub.s32 @!p0 $0x0, s1;
	[sflag:s0] =	ssyncset.done @!p0 $0x0  }
0x78: {  	[sflag:s0] =	ssyncadd.s32 @!p0 s1  }
0x79: {  	[bflag:$0x3] =	sbarrier.arrive $0xFFFF  }
0x7a: {  	_ =	shalt  }

// kernel: kernel.23.cloned.1.call-start
scs
__scs_entry_jumppad:
0x0: {  	(pc) =	sbr.rel $0x88, $3  }
0x1: {  	(tag) =	ssettag $0x0;
	lr =	simm.s32 $0x1  }
0x2: {  	[smem:$0x3F91] =	sst lr;
	_ =	strace $0xD0000000  }
0x3: {  	_ = 	snop  }
0x4: {  	_ = 	snop  }
0x5: {  	_ = 	snop  }
0x6: {  	_ = 	snop  }
0x7: {  	_ = 	snop  }
__scs_overlays_trampoline_lowered:
0x8: {  	[smem:$0x3FA0] =	sst s0  }
0x9: {  	[smem:$0x3FA1] =	sst s1  }
0xa: {  	[smem:$0x3FA2] =	sst s2  }
0xb: {  	[smem:$0x3FA3] =	sst s3  }
0xc: {  	[smem:$0x3FA4] =	sst s4  }
0xd: {  	[smem:$0x3FA5] =	sst s5  }
0xe: {  	[smem:$0x3FA6] =	sst s6  }
0xf: {  	[smem:$0x3FA7] =	sst s7  }
0x10: {  	[smem:$0x3FA8] =	sst s8  }
0x11: {  	[smem:$0x3FA9] =	sst s9;
	s0 =	simm.s32 @!p0 $0x0  }
0x12: {  	s1 =	sld [smem:$0x3F8F];
	s0 =	simm.s32 @p0 $0x1  }
0x13: {  	[smem:$0x3FAA] =	sst s0;
	s0 =	simm.s32 @!p1 $0x0  }
0x14: {  	s2 =	sld [smem:$0x3F8E];
	s0 =	simm.s32 @p1 $0x1  }
0x15: {  	[smem:$0x3FAB] =	sst s0;
	s0 =	simm.s32 @!p2 $0x0  }
0x16: {  	s3 =	sld [smem:$0x3FDB];
	s0 =	simm.s32 @p2 $0x1  }
0x17: {  	s4 =	simm.s32 $0x1BF5;
	[smem:$0x3FAD] =	sst s0  }
0x18: {  	s0 =	sld [smem:$0x3F90];
	_ =	swait.ge [sflag:s4], $0x0  }
0x19: {  	s7 =	sld [smem:$0x3F91]  }
0x1a: {  	s8 =	sadd.s32 $0xFFFFE003, lr  }
0x1b: {  	s9 =	sadd.s32 $0xFFFFFEF7, lr;
	s5 =	simm.s32 $0xFFFFFFFF;
	p2 =	slt.u32 s8, $0xFFFFF086  }
0x1c: {  	p1 =	slt.u32 s9, $0xF7A;
	s5 =	simm.s32 @!p2 $0x0  }
0x1d: {  	s5 =	simm.s32 @p1 $0x1;
	p0 =	seq.s32 s7, s2  }
0x1e: {  	s7 =	smul.u32 @!p0 $0xF7A, s2;
	p2 =	seq.s32 @!p0 s5, $0x0  }
0x1f: {  	s9 =	smul.u32 $0xF7A, s1;
	s8 =	simm.s32 @!p0 $0x1BF5;
	p2 =	por !p2, p0  }
0x20: {  	[sflag:s8] =	ssyncset.s32 @!p0 $0xFFFFF086;
	s6 =	sadd.s32 @!p0 s3, s7;
	s7 =	simm.s32 @!p0 $0x108  }
0x21: {  	s3 =	sadd.s32 s3, s9;
	s6 =	sadd.s32 @!p0 $0x88, s6;
	s7 =	simm.s32 @p2 $0x1082  }
0x22: {  	[simem:s7], [sflag:s8] =	dma.local @!p0 [hbm:s6], $0xF7A  }
0x23: {  	s9 =	sor.u32 $0xD0000000, s2;
	s6 =	simm.s32 $0x108;
	_ =	swait.ge @!p0 [sflag:s8], $0x0  }
0x24: {  	s3 =	sadd.s32 $0x88, s3;
	s6 =	simm.s32 @!p1 $0x1082;
	[sflag:s4] =	ssyncset.s32 $0xFFFFF086  }
0x25: {  	[simem:s6], [sflag:s4] =	dma.local [hbm:s3], $0xF7A  }
0x26: {  	[smem:$0x3F91] =	sst s1;
	(tag) =	ssettag s2;
	_ =	strace s9  }
0x27: {  	s1 =	sld [smem:$0x3FA1]  }
0x28: {  	s2 =	sld [smem:$0x3FA2]  }
0x29: {  	s4 =	sld [smem:$0x3FA4]  }
0x2a: {  	p0 =	seq.s32 s5, $0x0;
	s5 =	sld [smem:$0x3FA5]  }
0x2b: {  	s6 =	sld [smem:$0x3FA6]  }
0x2c: {  	s7 =	sld [smem:$0x3FA7]  }
0x2d: {  	s3 =	simm.s32 $0x108;
	s8 =	sld [smem:$0x3FA8]  }
0x2e: {  	s3 =	simm.s32 @!p0 $0x1082;
	s9 =	sld [smem:$0x3FA9]  }
0x2f: {  	lr =	sadd.s32 s0, s3;
	s0 =	sld [smem:$0x3FA0]  }
0x30: {  	s3 =	sld [smem:$0x3FA3]  }
0x31: {  	[smem:$0x3FAC] =	sst s10  }
0x32: {  	s10 =	sld [smem:$0x3FAA];
	_ =	sdelay $0x3  }
0x33: {  	p0 =	seq.s32 s10, $0x1;
	s10 =	sld [smem:$0x3FAC];
	_ =	sdelay $0x3  }
0x34: {  	[smem:$0x3FAC] =	sst s10  }
0x35: {  	s10 =	sld [smem:$0x3FAB];
	_ =	sdelay $0x3  }
0x36: {  	p1 =	seq.s32 s10, $0x1;
	s10 =	sld [smem:$0x3FAC];
	_ =	sdelay $0x3  }
0x37: {  	[smem:$0x3FAC] =	sst s10  }
0x38: {  	s10 =	sld [smem:$0x3FAD]  }
0x39: {  	_ = 	snop;
	(pc) =	sbr.ind lr, $3  }
0x3a: {  	_ = 	snop  }
0x3b: {  	_ = 	snop  }
0x3c: {  	p2 =	seq.s32 s10, $0x1;
	s10 =	sld [smem:$0x3FAC]  }
0x3d: {  	_ =	shalt  }
0x3e: {  	_ =	shalt  }
0x3f: {  	_ =	shalt  }
0x40: {  	_ =	shalt  }
0x41: {  	_ =	shalt  }
0x42: {  	_ =	shalt  }
0x43: {  	_ =	shalt  }
0x44: {  	_ =	shalt  }
0x45: {  	_ =	shalt  }
0x46: {  	_ =	shalt  }
0x47: {  	_ =	shalt  }
0x48: {  	_ =	shalt  }
0x49: {  	_ =	shalt  }
0x4a: {  	_ =	shalt  }
0x4b: {  	_ =	shalt  }
0x4c: {  	_ =	shalt  }
0x4d: {  	_ =	shalt  }
0x4e: {  	_ =	shalt  }
0x4f: {  	_ =	shalt  }
0x50: {  	_ =	shalt  }
0x51: {  	_ =	shalt  }
0x52: {  	_ =	shalt  }
0x53: {  	_ =	shalt  }
0x54: {  	_ =	shalt  }
0x55: {  	_ =	shalt  }
0x56: {  	_ =	shalt  }
0x57: {  	_ =	shalt  }
0x58: {  	_ =	shalt  }
0x59: {  	_ =	shalt  }
0x5a: {  	_ =	shalt  }
0x5b: {  	_ =	shalt  }
0x5c: {  	_ =	shalt  }
0x5d: {  	_ =	shalt  }
0x5e: {  	_ =	shalt  }
0x5f: {  	_ =	shalt  }
0x60: {  	_ =	shalt  }
0x61: {  	_ =	shalt  }
0x62: {  	_ =	shalt  }
0x63: {  	_ =	shalt  }
0x64: {  	_ =	shalt  }
0x65: {  	_ =	shalt  }
0x66: {  	_ =	shalt  }
0x67: {  	_ =	shalt  }
0x68: {  	_ =	shalt  }
0x69: {  	_ =	shalt  }
0x6a: {  	_ =	shalt  }
0x6b: {  	_ =	shalt  }
0x6c: {  	_ =	shalt  }
0x6d: {  	_ =	shalt  }
0x6e: {  	_ =	shalt  }
0x6f: {  	_ =	shalt  }
0x70: {  	_ =	shalt  }
0x71: {  	_ =	shalt  }
0x72: {  	_ =	shalt  }
0x73: {  	_ =	shalt  }
0x74: {  	_ =	shalt  }
0x75: {  	_ =	shalt  }
0x76: {  	_ =	shalt  }
0x77: {  	_ =	shalt  }
0x78: {  	_ =	shalt  }
0x79: {  	_ =	shalt  }
0x7a: {  	_ =	shalt  }
0x7b: {  	_ =	shalt  }
0x7c: {  	_ =	shalt  }
0x7d: {  	_ =	shalt  }
0x7e: {  	_ =	shalt  }
0x7f: {  	_ =	shalt  }
0x80: {  	_ =	shalt  }
0x81: {  	_ =	shalt  }
0x82: {  	_ =	shalt  }
0x83: {  	_ =	shalt  }
0x84: {  	_ =	shalt  }
0x85: {  	_ =	shalt  }
0x86: {  	_ =	shalt  }
0x87: {  	_ =	shalt  }
.Lfunc_end0:
.L_simem_size_0:
called_computation.3_lowered:
.L_overlay_start_0:
0x88: {  	s2 =	sld [smem:$0x3FD9]  }
0x89: {  	s3 =	sld [smem:$0x3FFE];
	_ =	sdelay $0x1  }
0x8a: {  	s1 =	srdreg.scid  }
0x8b: {  	s0 =	sand.u32 $0x1, s1  }
0x8c: {  	s17 =	sshll.u32 s0, $0xA;
	s2 =	sadd.s32 s3, s2  }
0x8d: {  	s2 =	sadd.s32 s2, s17  }
0x8e: {  	[smem:$0x3FB8] =	sst s2  }
0x8f: {  	_ = 	snop  }
0x90: {  	(tm) =	ssettm $0x1  }
0x91: {  	s18 =	sld [smem:$0x3FFB];
	_ =	sdelay $0x3  }
0x92: {  	_ =	strace s18  }
0x93: {  	s2 =	sld [smem:$0x3FFC];
	_ =	sdelay $0x3  }
0x94: {  	_ =	strace s2  }
0x95: {  	s2 =	sld [smem:$0x3FFD];
	_ =	sdelay $0x3  }
0x96: {  	_ =	strace s2  }
0x97: {  	_ =	strace $0x8FFFFFFF  }
0x98: {  	s19 =	sld [smem:$0x3FDB];
	_ =	sdelay $0x1  }
0x99: {  	s20 =	simm.s32 $_scs_section_size  }
0x9a: {  	s4 =	simm.s32 $_size__tile_overlayer_lowered;
	s5 =	simm.s32 $_tile_overlayer_lowered  }
0x9b: {  	s6 =	simm.s32 $0x1BFF;
	s21 =	sshll.u32 s5, $0x1;
	s3 =	sadd.s32 s20, s19  }
0x9c: {  	s22 =	simm.s32 $0x0;
	s4 =	sshll.u32 s4, $0x1;
	s5 =	sadd.s32 s21, s3  }
0x9d: {  	[timem:s22], [sflag:s6] =	dma.local [hbm:s5], s4  }
0x9e: {  	_ =	swait.ge [sflag:s6], s4  }
0x9f: {  	s4 =	ssub.s32 $0x0, s4;
	[sflag:s6] =	ssyncset.done $0x0  }
0xa0: {  	[sflag:s6] =	ssyncadd.s32 s4;
	_ =	sdelay $0x1  }
0xa1: {  	s23 =	simm.s32 $0x1B8B  }
0xa2: {  	_ =	swait.ge [sflag:s23], $0x1  }
0xa3: {  	[sflag:s23] =	ssyncset.done $0x0  }
0xa4: {  	[sflag:s23] =	ssyncadd.s32 $0xFFFFFFFF  }
0xa5: {  	s4 =	sld [smem:$0x0]  }
0xa6: {  	s5 =	sand.u32 $0xFFFFFFFE, s1  }
0xa7: {  	p0 =	sne.s32 s1, s5  }
0xa8: {  	s5 =	sshll.u32 @p0 s5, $0xE  }
0xa9: {  	s5 =	sadd.s32 @p0 $0x11B8D, s5;
	s6 =	sshll.u32 @p0 s4, $0x11  }
0xaa: {  	s5 =	sor.u32 @p0 s6, s5  }
0xab: {  	[sflag:s5] =	ssyncadd.remote.s32 @p0 $0x1;
	_ =	sdelay $0x1  }
0xac: {  	s5 =	simm.s32 @p0 $0x1B8D  }
0xad: {  	_ =	swait.eq @p0 [sflag:s5], $0x1  }
0xae: {  	[sflag:s5] =	ssyncadd.s32 @p0 $0xFFFFFFFF  }
0xaf: {  	s6 =	sshll.u32 @!p0 s1, $0xE  }
0xb0: {  	s6 =	sor.u32 @!p0 $0x4000, s6;
	s5 =	simm.s32 @!p0 $0x1B8D  }
0xb1: {  	s4 =	sshll.u32 @!p0 s4, $0x11;
	s6 =	sadd.s32 @!p0 $0x11B8D, s6;
	_ =	swait.eq @!p0 [sflag:s5], $0x1  }
0xb2: {  	s4 =	sor.u32 @!p0 s4, s6;
	[sflag:s5] =	ssyncadd.s32 @!p0 $0xFFFFFFFF  }
0xb3: {  	s25 =	simm.s32 $0x1B8E;
	s24 =	sld [smem:$0x3FFE];
	[sflag:s4] =	ssyncadd.remote.s32 @!p0 $0x1  }
0xb4: {  	s26 =	simm.s32 $execute0_lowered;
	[smem:$0x3FD2] =	sst s25  }
0xb5: {  	s5 =	sshll.u32 s26, $0x1;
	_ =	strace $0x8000004F;
	[dreg:$0x1] =	wrdreg $0xFFFFFFFF  }
0xb6: {  	s28 =	simm.s32 $_size_execute0_lowered;
	s3 =	sadd.s32 s3, s5;
	[dreg:$0x0] =	wrdreg $0x0  }
0xb7: {  	s5 =	sshll.u32 s28, $0x1;
	[dreg:$0x2] =	wrdreg s3  }
0xb8: {  	[dreg:$0x3] =	wrdreg s5  }
0xb9: {  	[dreg:$0x4] =	wrdreg $0xC0  }
0xba: {  	_ =	task [dreg:s22], $0x5FFFF  }
0xbb: {  	[dreg:$0x1] =	wrdreg $0xFFFFFFFF  }
0xbc: {  	[dreg:$0x0] =	wrdreg $0x60  }
0xbd: {  	[dreg:$0x2] =	wrdreg s24  }
0xbe: {  	[dreg:$0x3] =	wrdreg $0xC  }
0xbf: {  	_ =	task.clear_ibuf [dreg:s22], $0x4FFFF;
	_ =	strace $0x9000004F  }
0xc0: {  	s29 =	simm.s32 $0xC;
	_ =	strace $0x80000051  }
0xc1: {  	_ =	swait.ge [sflag:s29], $0x1  }
0xc2: {  	[sflag:s29] =	ssyncadd.s32 $0xFFFFFFFF  }
0xc3: {  	_ =	strace $0x90000051  }
0xc4: {  	_ =	sfence  }
0xc5: {  	s30 =	sld [smem:$0x0];
	_ =	sdelay $0x2  }
0xc6: {  	s31 =	sshll.u32 s1, $0xD;
	s1 =	sshrl.u32 s1, $0x2  }
0xc7: {  	s4 =	sand.u32 $0x4000, s31;
	s1 =	sadd.s32 s1, s30  }
0xc8: {  	s0 =	sor.u32 s4, s0;
	s1 =	sshll.u32 s1, $0x11  }
0xc9: {  	s0 =	sor.u32 s1, s0  }
0xca: {  	s0 =	sadd.s32 $0x8F2B, s0  }
0xcb: {  	[sflag:s0] =	ssyncadd.remote.s32 $0x1  }
0xcc: {  	_ =	sfence.sel $0xFFFF  }
0xcd: {  	[dreg:$0x0] =	wrdreg $0xFFFFFFFF;
	(pc) =	sbr.abs _section_cstart, $3  }
0xce: {  	[dreg:$0x1] =	wrdreg $0xFFFFFFFF  }
0xcf: {  	_ =	task.clear_ibuf [dreg:s22], $0x2FFFF;
	_ =	strace $0x9FFFFFFF  }
0xd0: {  	(tm) =	ssettm $0x7FFFFFFF  }
0xd1: {  	_ =	shalt  }
tec
execute0_lowered:
.L_overlay_start_1:
0x0: {  	(tag) =	ssettag $0x1  }
0x1: {  	s9 =	rddreg [dreg:$0x0]  }
0x2: {  	s0 =	rddreg [dreg:$0x1]  }
0x3: {  	s1 =	simm.s32 $0x0;
	s10 =	srdreg.scid;
	s5 =	stileid.u32  }
0x4: {  	s15 =	simm.s32 $0x2;
	s16 =	simm.s32 $0x80;
	s17 =	simm.s32 $0x1000  }
0x5: {  	s18 =	simm.s32 $0x5000;
	s19 =	simm.s32 $0x9000;
	s20 =	simm.s32 $0x1  }
0x6: {  	[smem:$0x7FF] =	sst s1;
	s2 =	sadd.s32 $0x9400, s9;
	s3 =	sadd.s32 $0x623C00, s9  }
0x7: {  	s21 =	simm.s32 $0x0;
	s4 =	sadd.s32 $0x7AA600, s9;
	s6 =	sadd.s32 $0x18FE00, s9  }
0x8: {  	s7 =	sadd.s32 $0x316800, s9;
	s8 =	sadd.s32 $0x49D200, s9;
	s10 =	sand.u32 $0x1, s10  }
0x9: {  	s11 =	sshll.u32 s5, $0x9;
	s13 =	smul.u32 $0xA000, s5;
	_ =	strace $0x80000050  }
0xa: {  	s12 =	sshll.u32 s10, $0x8;
	s30 =	ssub.s32 $0x2, s10;
	s10 =	smul.u32 $0x5000, s10  }
0xb: {  	s11 =	sor.u32 s12, s11;
	s13 =	sadd.s32 s13, s9;
	s31 =	sshrl.u32 s30, $0x1  }
0xc: {  	s11 =	sadd.s32 s11, s9;
	s12 =	ssub.s32 s30, s31;
	s14 =	sadd.s32 s10, s13  }
0xd: {  	s9 =	sadd.s32 $0xA7B000, s11;
	s10 =	sadd.s32 $0xA79000, s11;
	s11 =	smax.u32 s12, $0x1  }
0xe: {  	s12 =	sadd.s32 $0xE41000, s14;
	s13 =	sadd.s32 $0xEE1000, s14;
	s14 =	sadd.s32 $0xF81000, s14  }
.LBB2_1:
0xf: {  	[tilespmem:s1], [sflag:$0x2] =	stream.linear.gather [hbm4b:s9+s1], $0x500, $0x38;
	[tilespmem:$0xD000] =	vst v63  }
0x10: {  	_ =	swait.ge [sflag:s15], $0x500  }
0x11: {  	[sflag:s15] =	ssyncset.done $0x0  }
0x12: {  	s22 =	simm.s32 $0x800;
	[sflag:s15] =	ssyncadd.s32 $0xFFFFFB00  }
0x13: {  	[tilespmem:s22], [sflag:$0x2] =	stream.linear.gather [hbm4b:s10+s1], $0x500, $0x38;
	[tilespmem:$0xD000] =	vst v63  }
0x14: {  	_ =	swait.ge [sflag:s15], $0x500  }
0x15: {  	[sflag:s15] =	ssyncset.done $0x0  }
0x16: {  	[sflag:s15] =	ssyncadd.s32 $0xFFFFFB00  }
0x17: {  	[tilespmem:s17], [sflag:$0x1] =	stream.indirect.gather [hbm4b:s2+s16], $0x80, s1, s16, $0xb8;
	[tilespmem:$0xD000] =	vst v63  }
0x18: {  	_ = 	snop  }
0x19: {  	[tilespmem:s18], [sflag:$0x1] =	stream.indirect.gather [hbm4b:s3+s16], $0x80, s1, s16, $0xb8;
	[tilespmem:$0xD000] =	vst v63  }
0x1a: {  	_ = 	snop  }
0x1b: {  	[tilespmem:s19], [sflag:$0x1] =	stream.indirect.gather [hbm4b:s4+s16], $0x80, s1, s16, $0xb8;
	[tilespmem:$0xD000] =	vst v63  }
0x1c: {  	_ =	swait.ge [sflag:s20], $0x4000  }
0x1d: {  	[sflag:s20] =	ssyncset.done $0x0  }
0x1e: {  	[sflag:s20] =	ssyncadd.s32 $0xFFFFC000  }
0x1f: {  	_ =	swait.ge [sflag:s20], $0x4000  }
0x20: {  	[sflag:s20] =	ssyncset.done $0x0  }
0x21: {  	[sflag:s20] =	ssyncadd.s32 $0xFFFFC000  }
0x22: {  	_ =	swait.ge [sflag:s20], $0x4000  }
0x23: {  	[sflag:s20] =	ssyncset.done $0x0  }
0x24: {  	[sflag:s20] =	ssyncadd.s32 $0xFFFFC000  }
0x25: {  	[tilespmem:s17], [sflag:$0x1] =	stream.indirect.gather.add.f32 [hbm:s6], $0x80, s22, s16, $0xb8;
	[tilespmem:$0xD000] =	vst v63  }
0x26: {  	_ = 	snop  }
0x27: {  	[tilespmem:s18], [sflag:$0x1] =	stream.indirect.gather.add.f32 [hbm:s7], $0x80, s22, s16, $0xb8;
	[tilespmem:$0xD000] =	vst v63  }
0x28: {  	_ = 	snop  }
0x29: {  	[tilespmem:s19], [sflag:$0x1] =	stream.indirect.gather.add.f32 [hbm:s8], $0x80, s22, s16, $0xb8;
	[tilespmem:$0xD000] =	vst v63  }
0x2a: {  	_ =	swait.ge [sflag:s20], $0x4000  }
0x2b: {  	[sflag:s20] =	ssyncset.done $0x0  }
0x2c: {  	[sflag:s20] =	ssyncadd.s32 $0xFFFFC000  }
0x2d: {  	_ =	swait.ge [sflag:s20], $0x4000  }
0x2e: {  	[sflag:s20] =	ssyncset.done $0x0  }
0x2f: {  	[sflag:s20] =	ssyncadd.s32 $0xFFFFC000  }
0x30: {  	_ =	swait.ge [sflag:s20], $0x4000  }
0x31: {  	[sflag:s20] =	ssyncset.done $0x0  }
0x32: {  	s23 =	sadd.s32 $0x0, s12;
	[sflag:s20] =	ssyncadd.s32 $0xFFFFC000  }
0x33: {  	[hbm4b:s23+s1] =	stream.linear.scatter [tilespmem:s17], [sflag:$0x2], $0x4000, $0x38;
	[tilespmem:$0xD000] =	vst v63  }
0x34: {  	_ =	swait.ge [sflag:s15], $0x4000  }
0x35: {  	[sflag:s15] =	ssyncset.done $0x0  }
0x36: {  	s30 =	sadd.s32 $0x0, s13;
	[sflag:s15] =	ssyncadd.s32 $0xFFFFC000  }
0x37: {  	[hbm4b:s30+s1] =	stream.linear.scatter [tilespmem:s18], [sflag:$0x2], $0x4000, $0x38;
	[tilespmem:$0xD000] =	vst v63  }
0x38: {  	_ =	swait.ge [sflag:s15], $0x4000  }
0x39: {  	[sflag:s15] =	ssyncset.done $0x0  }
0x3a: {  	s31 =	sadd.s32 $0x0, s14;
	[sflag:s15] =	ssyncadd.s32 $0xFFFFC000  }
0x3b: {  	[hbm4b:s31+s1] =	stream.linear.scatter [tilespmem:s19], [sflag:$0x2], $0x4000, $0x38;
	[tilespmem:$0xD000] =	vst v63  }
0x3c: {  	_ =	swait.ge [sflag:s15], $0x4000  }
0x3d: {  	s24 =	simm.s32 $0x0;
	s23 =	simm.s32 $0x800;
	[sflag:s15] =	ssyncset.done $0x0  }
.LBB2_2:
0x3e: {  	[sflag:s15] =	ssyncadd.s32 $0xFFFFC000;
	s24 =	sadd.s32 $0x80, s24;
	s22 =	sadd.s32 $0x80, s22  }
0x3f: {  	[tilespmem:s17], [sflag:$0x1] =	stream.indirect.gather [hbm4b:s2+s16], $0x80, s24, s16, $0xb8;
	[tilespmem:$0xD000] =	vst v63  }
0x40: {  	p0 =	sne.s32 s23, $0x4800;
	s25 =	smov.u32 s23;
	s23 =	sadd.s32 $0x800, s23  }
0x41: {  	[tilespmem:s18], [sflag:$0x1] =	stream.indirect.gather [hbm4b:s3+s16], $0x80, s24, s16, $0xb8;
	[tilespmem:$0xD000] =	vst v63  }
0x42: {  	_ = 	snop  }
0x43: {  	[tilespmem:s19], [sflag:$0x1] =	stream.indirect.gather [hbm4b:s4+s16], $0x80, s24, s16, $0xb8;
	[tilespmem:$0xD000] =	vst v63  }
0x44: {  	_ =	swait.ge [sflag:s20], $0x4000  }
0x45: {  	[sflag:s20] =	ssyncset.done $0x0  }
0x46: {  	[sflag:s20] =	ssyncadd.s32 $0xFFFFC000  }
0x47: {  	_ =	swait.ge [sflag:s20], $0x4000  }
0x48: {  	[sflag:s20] =	ssyncset.done $0x0  }
0x49: {  	[sflag:s20] =	ssyncadd.s32 $0xFFFFC000  }
0x4a: {  	_ =	swait.ge [sflag:s20], $0x4000  }
0x4b: {  	[sflag:s20] =	ssyncset.done $0x0  }
0x4c: {  	[sflag:s20] =	ssyncadd.s32 $0xFFFFC000  }
0x4d: {  	[tilespmem:s17], [sflag:$0x1] =	stream.indirect.gather.add.f32 [hbm:s6], $0x80, s22, s16, $0xb8;
	[tilespmem:$0xD000] =	vst v63  }
0x4e: {  	_ = 	snop  }
0x4f: {  	[tilespmem:s18], [sflag:$0x1] =	stream.indirect.gather.add.f32 [hbm:s7], $0x80, s22, s16, $0xb8;
	[tilespmem:$0xD000] =	vst v63  }
0x50: {  	_ = 	snop  }
0x51: {  	[tilespmem:s19], [sflag:$0x1] =	stream.indirect.gather.add.f32 [hbm:s8], $0x80, s22, s16, $0xb8;
	[tilespmem:$0xD000] =	vst v63  }
0x52: {  	_ =	swait.ge [sflag:s20], $0x4000  }
0x53: {  	[sflag:s20] =	ssyncset.done $0x0  }
0x54: {  	[sflag:s20] =	ssyncadd.s32 $0xFFFFC000  }
0x55: {  	_ =	swait.ge [sflag:s20], $0x4000  }
0x56: {  	[sflag:s20] =	ssyncset.done $0x0  }
0x57: {  	[sflag:s20] =	ssyncadd.s32 $0xFFFFC000  }
0x58: {  	_ =	swait.ge [sflag:s20], $0x4000  }
0x59: {  	[sflag:s20] =	ssyncset.done $0x0  }
0x5a: {  	s26 =	sadd.s32 s25, s12;
	[sflag:s20] =	ssyncadd.s32 $0xFFFFC000  }
0x5b: {  	[hbm4b:s26+s1] =	stream.linear.scatter [tilespmem:s17], [sflag:$0x2], $0x4000, $0x38;
	[tilespmem:$0xD000] =	vst v63  }
0x5c: {  	_ =	swait.ge [sflag:s15], $0x4000  }
0x5d: {  	[sflag:s15] =	ssyncset.done $0x0  }
0x5e: {  	s26 =	sadd.s32 s25, s13;
	[sflag:s15] =	ssyncadd.s32 $0xFFFFC000  }
0x5f: {  	[hbm4b:s26+s1] =	stream.linear.scatter [tilespmem:s18], [sflag:$0x2], $0x4000, $0x38;
	[tilespmem:$0xD000] =	vst v63  }
0x60: {  	_ =	swait.ge [sflag:s15], $0x4000  }
.Ltmp0:
0x61: {  	[sflag:s15] =	ssyncset.done $0x0;
	(pc) =	sbr.rel @p0 .LBB2_2-.Ltmp0, $4  }
0x62: {  	s25 =	sadd.s32 s25, s14;
	[sflag:s15] =	ssyncadd.s32 $0xFFFFC000  }
0x63: {  	[hbm4b:s25+s1] =	stream.linear.scatter [tilespmem:s19], [sflag:$0x2], $0x4000, $0x38;
	[tilespmem:$0xD000] =	vst v63  }
0x64: {  	_ =	swait.ge [sflag:s15], $0x4000  }
0x65: {  	[sflag:s15] =	ssyncset.done $0x0  }
0x66: {  	s21 =	sadd.s32 $0x1, s21  }
0x67: {  	p0 =	sne.s32 s21, s11  }
.Ltmp1:
0x68: {  	_ = 	snop;
	(pc) =	sbr.rel @p0 .LBB2_1-.Ltmp1, $2  }
0x69: {  	_ =	sdelay $0x2  }
0x6a: {  	[sflag:s15] =	ssyncadd.s32 $0xFFFFC000  }
0x6b: {  	_ =	sfence.sel $0x180000  }
0x6c: {  	[bflag:$0x0] =	sbarrier.arrive $0xFFFF  }
0x6d: {  	p0 =	sne.s32 s5, $0x0;
	_ =	strace $0x90000050  }
0x6e: {  	s0 =	sadd.s32 @!p0 $0x100000, s0;
	[bflag:$0x2] =	sbarrier.arrive $0xFFFF  }
0x6f: {  	[sflag:s0] =	ssyncadd.tile.s32 @!p0 $0x1;
	_ =	shalt  }
.Lfunc_end2:
_tile_overlayer_lowered:
.L_overlay_start_2:
0x70: {  	(tag) =	ssettag $0x2  }
0x71: {  	s0 =	rddreg [dreg:$0x0];
	s2 =	stileid.u32  }
0x72: {  	s1 =	rddreg [dreg:$0x1];
	p0 =	sne.s32 s2, $0x0  }
0x73: {  	s3 =	rddreg [dreg:$0x2];
	[bflag:$0x3] =	sbarrier.arrive $0xFFFF;
	s2 =	simm.s32 @!p0 $0x1C02  }
0x74: {  	[timem:s3], [sflag:s2] =	dma.local @!p0 [hbm:s0], s1  }
0x75: {  	s0 =	simm.s32 @!p0 $0x2  }
0x76: {  	_ =	swait.ge @!p0 [sflag:s0], s1  }
0x77: {  	s1 =	ssub.s32 @!p0 $0x0, s1;
	[sflag:s0] =	ssyncset.done @!p0 $0x0  }
0x78: {  	[sflag:s0] =	ssyncadd.s32 @!p0 s1  }
0x79: {  	[bflag:$0x3] =	sbarrier.arrive $0xFFFF  }
0x7a: {  	_ =	shalt  }

// kernel: kernel.26.cloned.1.call-start
scs
__scs_entry_jumppad:
0x0: {  	(pc) =	sbr.rel $0x88, $3  }
0x1: {  	(tag) =	ssettag $0x0;
	lr =	simm.s32 $0x1  }
0x2: {  	[smem:$0x3F91] =	sst lr;
	_ =	strace $0xD0000000  }
0x3: {  	_ = 	snop  }
0x4: {  	_ = 	snop  }
0x5: {  	_ = 	snop  }
0x6: {  	_ = 	snop  }
0x7: {  	_ = 	snop  }
__scs_overlays_trampoline_lowered:
0x8: {  	[smem:$0x3FA0] =	sst s0  }
0x9: {  	[smem:$0x3FA1] =	sst s1  }
0xa: {  	[smem:$0x3FA2] =	sst s2  }
0xb: {  	[smem:$0x3FA3] =	sst s3  }
0xc: {  	[smem:$0x3FA4] =	sst s4  }
0xd: {  	[smem:$0x3FA5] =	sst s5  }
0xe: {  	[smem:$0x3FA6] =	sst s6  }
0xf: {  	[smem:$0x3FA7] =	sst s7  }
0x10: {  	[smem:$0x3FA8] =	sst s8  }
0x11: {  	[smem:$0x3FA9] =	sst s9;
	s0 =	simm.s32 @!p0 $0x0  }
0x12: {  	s1 =	sld [smem:$0x3F8F];
	s0 =	simm.s32 @p0 $0x1  }
0x13: {  	[smem:$0x3FAA] =	sst s0;
	s0 =	simm.s32 @!p1 $0x0  }
0x14: {  	s2 =	sld [smem:$0x3F8E];
	s0 =	simm.s32 @p1 $0x1  }
0x15: {  	[smem:$0x3FAB] =	sst s0;
	s0 =	simm.s32 @!p2 $0x0  }
0x16: {  	s3 =	sld [smem:$0x3FDB];
	s0 =	simm.s32 @p2 $0x1  }
0x17: {  	s4 =	simm.s32 $0x1BF5;
	[smem:$0x3FAD] =	sst s0  }
0x18: {  	s0 =	sld [smem:$0x3F90];
	_ =	swait.ge [sflag:s4], $0x0  }
0x19: {  	s7 =	sld [smem:$0x3F91]  }
0x1a: {  	s8 =	sadd.s32 $0xFFFFE003, lr  }
0x1b: {  	s9 =	sadd.s32 $0xFFFFFEF7, lr;
	s5 =	simm.s32 $0xFFFFFFFF;
	p2 =	slt.u32 s8, $0xFFFFF086  }
0x1c: {  	p1 =	slt.u32 s9, $0xF7A;
	s5 =	simm.s32 @!p2 $0x0  }
0x1d: {  	s5 =	simm.s32 @p1 $0x1;
	p0 =	seq.s32 s7, s2  }
0x1e: {  	s7 =	smul.u32 @!p0 $0xF7A, s2;
	p2 =	seq.s32 @!p0 s5, $0x0  }
0x1f: {  	s9 =	smul.u32 $0xF7A, s1;
	s8 =	simm.s32 @!p0 $0x1BF5;
	p2 =	por !p2, p0  }
0x20: {  	[sflag:s8] =	ssyncset.s32 @!p0 $0xFFFFF086;
	s6 =	sadd.s32 @!p0 s3, s7;
	s7 =	simm.s32 @!p0 $0x108  }
0x21: {  	s3 =	sadd.s32 s3, s9;
	s6 =	sadd.s32 @!p0 $0x88, s6;
	s7 =	simm.s32 @p2 $0x1082  }
0x22: {  	[simem:s7], [sflag:s8] =	dma.local @!p0 [hbm:s6], $0xF7A  }
0x23: {  	s9 =	sor.u32 $0xD0000000, s2;
	s6 =	simm.s32 $0x108;
	_ =	swait.ge @!p0 [sflag:s8], $0x0  }
0x24: {  	s3 =	sadd.s32 $0x88, s3;
	s6 =	simm.s32 @!p1 $0x1082;
	[sflag:s4] =	ssyncset.s32 $0xFFFFF086  }
0x25: {  	[simem:s6], [sflag:s4] =	dma.local [hbm:s3], $0xF7A  }
0x26: {  	[smem:$0x3F91] =	sst s1;
	(tag) =	ssettag s2;
	_ =	strace s9  }
0x27: {  	s1 =	sld [smem:$0x3FA1]  }
0x28: {  	s2 =	sld [smem:$0x3FA2]  }
0x29: {  	s4 =	sld [smem:$0x3FA4]  }
0x2a: {  	p0 =	seq.s32 s5, $0x0;
	s5 =	sld [smem:$0x3FA5]  }
0x2b: {  	s6 =	sld [smem:$0x3FA6]  }
0x2c: {  	s7 =	sld [smem:$0x3FA7]  }
0x2d: {  	s3 =	simm.s32 $0x108;
	s8 =	sld [smem:$0x3FA8]  }
0x2e: {  	s3 =	simm.s32 @!p0 $0x1082;
	s9 =	sld [smem:$0x3FA9]  }
0x2f: {  	lr =	sadd.s32 s0, s3;
	s0 =	sld [smem:$0x3FA0]  }
0x30: {  	s3 =	sld [smem:$0x3FA3]  }
0x31: {  	[smem:$0x3FAC] =	sst s10  }
0x32: {  	s10 =	sld [smem:$0x3FAA];
	_ =	sdelay $0x3  }
0x33: {  	p0 =	seq.s32 s10, $0x1;
	s10 =	sld [smem:$0x3FAC];
	_ =	sdelay $0x3  }
0x34: {  	[smem:$0x3FAC] =	sst s10  }
0x35: {  	s10 =	sld [smem:$0x3FAB];
	_ =	sdelay $0x3  }
0x36: {  	p1 =	seq.s32 s10, $0x1;
	s10 =	sld [smem:$0x3FAC];
	_ =	sdelay $0x3  }
0x37: {  	[smem:$0x3FAC] =	sst s10  }
0x38: {  	s10 =	sld [smem:$0x3FAD]  }
0x39: {  	_ = 	snop;
	(pc) =	sbr.ind lr, $3  }
0x3a: {  	_ = 	snop  }
0x3b: {  	_ = 	snop  }
0x3c: {  	p2 =	seq.s32 s10, $0x1;
	s10 =	sld [smem:$0x3FAC]  }
0x3d: {  	_ =	shalt  }
0x3e: {  	_ =	shalt  }
0x3f: {  	_ =	shalt  }
0x40: {  	_ =	shalt  }
0x41: {  	_ =	shalt  }
0x42: {  	_ =	shalt  }
0x43: {  	_ =	shalt  }
0x44: {  	_ =	shalt  }
0x45: {  	_ =	shalt  }
0x46: {  	_ =	shalt  }
0x47: {  	_ =	shalt  }
0x48: {  	_ =	shalt  }
0x49: {  	_ =	shalt  }
0x4a: {  	_ =	shalt  }
0x4b: {  	_ =	shalt  }
0x4c: {  	_ =	shalt  }
0x4d: {  	_ =	shalt  }
0x4e: {  	_ =	shalt  }
0x4f: {  	_ =	shalt  }
0x50: {  	_ =	shalt  }
0x51: {  	_ =	shalt  }
0x52: {  	_ =	shalt  }
0x53: {  	_ =	shalt  }
0x54: {  	_ =	shalt  }
0x55: {  	_ =	shalt  }
0x56: {  	_ =	shalt  }
0x57: {  	_ =	shalt  }
0x58: {  	_ =	shalt  }
0x59: {  	_ =	shalt  }
0x5a: {  	_ =	shalt  }
0x5b: {  	_ =	shalt  }
0x5c: {  	_ =	shalt  }
0x5d: {  	_ =	shalt  }
0x5e: {  	_ =	shalt  }
0x5f: {  	_ =	shalt  }
0x60: {  	_ =	shalt  }
0x61: {  	_ =	shalt  }
0x62: {  	_ =	shalt  }
0x63: {  	_ =	shalt  }
0x64: {  	_ =	shalt  }
0x65: {  	_ =	shalt  }
0x66: {  	_ =	shalt  }
0x67: {  	_ =	shalt  }
0x68: {  	_ =	shalt  }
0x69: {  	_ =	shalt  }
0x6a: {  	_ =	shalt  }
0x6b: {  	_ =	shalt  }
0x6c: {  	_ =	shalt  }
0x6d: {  	_ =	shalt  }
0x6e: {  	_ =	shalt  }
0x6f: {  	_ =	shalt  }
0x70: {  	_ =	shalt  }
0x71: {  	_ =	shalt  }
0x72: {  	_ =	shalt  }
0x73: {  	_ =	shalt  }
0x74: {  	_ =	shalt  }
0x75: {  	_ =	shalt  }
0x76: {  	_ =	shalt  }
0x77: {  	_ =	shalt  }
0x78: {  	_ =	shalt  }
0x79: {  	_ =	shalt  }
0x7a: {  	_ =	shalt  }
0x7b: {  	_ =	shalt  }
0x7c: {  	_ =	shalt  }
0x7d: {  	_ =	shalt  }
0x7e: {  	_ =	shalt  }
0x7f: {  	_ =	shalt  }
0x80: {  	_ =	shalt  }
0x81: {  	_ =	shalt  }
0x82: {  	_ =	shalt  }
0x83: {  	_ =	shalt  }
0x84: {  	_ =	shalt  }
0x85: {  	_ =	shalt  }
0x86: {  	_ =	shalt  }
0x87: {  	_ =	shalt  }
.Lfunc_end0:
.L_simem_size_0:
called_computation.4_lowered:
.L_overlay_start_0:
0x88: {  	s2 =	sld [smem:$0x3FD9]  }
0x89: {  	s3 =	sld [smem:$0x3FFE];
	_ =	sdelay $0x1  }
0x8a: {  	s1 =	srdreg.scid  }
0x8b: {  	s0 =	sand.u32 $0x1, s1  }
0x8c: {  	s17 =	sshll.u32 s0, $0xA;
	s2 =	sadd.s32 s3, s2  }
0x8d: {  	s2 =	sadd.s32 s2, s17  }
0x8e: {  	[smem:$0x3FB8] =	sst s2  }
0x8f: {  	_ = 	snop  }
0x90: {  	(tm) =	ssettm $0x1  }
0x91: {  	s18 =	sld [smem:$0x3FFB];
	_ =	sdelay $0x3  }
0x92: {  	_ =	strace s18  }
0x93: {  	s2 =	sld [smem:$0x3FFC];
	_ =	sdelay $0x3  }
0x94: {  	_ =	strace s2  }
0x95: {  	s2 =	sld [smem:$0x3FFD];
	_ =	sdelay $0x3  }
0x96: {  	_ =	strace s2  }
0x97: {  	_ =	strace $0x8FFFFFFF  }
0x98: {  	s19 =	sld [smem:$0x3FDB];
	_ =	sdelay $0x1  }
0x99: {  	s20 =	simm.s32 $_scs_section_size  }
0x9a: {  	s4 =	simm.s32 $_size__tile_overlayer_lowered;
	s5 =	simm.s32 $_tile_overlayer_lowered  }
0x9b: {  	s6 =	simm.s32 $0x1BFF;
	s21 =	sshll.u32 s5, $0x1;
	s3 =	sadd.s32 s20, s19  }
0x9c: {  	s22 =	simm.s32 $0x0;
	s4 =	sshll.u32 s4, $0x1;
	s5 =	sadd.s32 s21, s3  }
0x9d: {  	[timem:s22], [sflag:s6] =	dma.local [hbm:s5], s4  }
0x9e: {  	_ =	swait.ge [sflag:s6], s4  }
0x9f: {  	s4 =	ssub.s32 $0x0, s4;
	[sflag:s6] =	ssyncset.done $0x0  }
0xa0: {  	[sflag:s6] =	ssyncadd.s32 s4;
	_ =	sdelay $0x1  }
0xa1: {  	s23 =	simm.s32 $0x1B8B  }
0xa2: {  	_ =	swait.ge [sflag:s23], $0x1  }
0xa3: {  	[sflag:s23] =	ssyncset.done $0x0  }
0xa4: {  	[sflag:s23] =	ssyncadd.s32 $0xFFFFFFFF  }
0xa5: {  	s4 =	sld [smem:$0x0]  }
0xa6: {  	s5 =	sand.u32 $0xFFFFFFFE, s1  }
0xa7: {  	p0 =	sne.s32 s1, s5  }
0xa8: {  	s5 =	sshll.u32 @p0 s5, $0xE  }
0xa9: {  	s5 =	sadd.s32 @p0 $0x11B8D, s5;
	s6 =	sshll.u32 @p0 s4, $0x11  }
0xaa: {  	s5 =	sor.u32 @p0 s6, s5  }
0xab: {  	[sflag:s5] =	ssyncadd.remote.s32 @p0 $0x1;
	_ =	sdelay $0x1  }
0xac: {  	s5 =	simm.s32 @p0 $0x1B8D  }
0xad: {  	_ =	swait.eq @p0 [sflag:s5], $0x1  }
0xae: {  	[sflag:s5] =	ssyncadd.s32 @p0 $0xFFFFFFFF  }
0xaf: {  	s6 =	sshll.u32 @!p0 s1, $0xE  }
0xb0: {  	s6 =	sor.u32 @!p0 $0x4000, s6;
	s5 =	simm.s32 @!p0 $0x1B8D  }
0xb1: {  	s4 =	sshll.u32 @!p0 s4, $0x11;
	s6 =	sadd.s32 @!p0 $0x11B8D, s6;
	_ =	swait.eq @!p0 [sflag:s5], $0x1  }
0xb2: {  	s4 =	sor.u32 @!p0 s4, s6;
	[sflag:s5] =	ssyncadd.s32 @!p0 $0xFFFFFFFF  }
0xb3: {  	s25 =	simm.s32 $0x1B8E;
	s24 =	sld [smem:$0x3FFE];
	[sflag:s4] =	ssyncadd.remote.s32 @!p0 $0x1  }
0xb4: {  	s26 =	simm.s32 $execute0_lowered;
	[smem:$0x3FD2] =	sst s25  }
0xb5: {  	s5 =	sshll.u32 s26, $0x1;
	_ =	strace $0x80000052;
	[dreg:$0x1] =	wrdreg $0xFFFFFFFF  }
0xb6: {  	s28 =	simm.s32 $_size_execute0_lowered;
	s3 =	sadd.s32 s3, s5;
	[dreg:$0x0] =	wrdreg $0x0  }
0xb7: {  	s5 =	sshll.u32 s28, $0x1;
	[dreg:$0x2] =	wrdreg s3  }
0xb8: {  	[dreg:$0x3] =	wrdreg s5  }
0xb9: {  	[dreg:$0x4] =	wrdreg $0xC0  }
0xba: {  	_ =	task [dreg:s22], $0x5FFFF  }
0xbb: {  	[dreg:$0x1] =	wrdreg $0xFFFFFFFF  }
0xbc: {  	[dreg:$0x0] =	wrdreg $0x60  }
0xbd: {  	[dreg:$0x2] =	wrdreg s24  }
0xbe: {  	[dreg:$0x3] =	wrdreg $0xD  }
0xbf: {  	_ =	task.clear_ibuf [dreg:s22], $0x4FFFF;
	_ =	strace $0x90000052  }
0xc0: {  	s29 =	simm.s32 $0xD;
	_ =	strace $0x80000054  }
0xc1: {  	_ =	swait.ge [sflag:s29], $0x1  }
0xc2: {  	[sflag:s29] =	ssyncadd.s32 $0xFFFFFFFF  }
0xc3: {  	_ =	strace $0x90000054  }
0xc4: {  	_ =	sfence  }
0xc5: {  	s30 =	sld [smem:$0x0];
	_ =	sdelay $0x2  }
0xc6: {  	s31 =	sshll.u32 s1, $0xD;
	s1 =	sshrl.u32 s1, $0x2  }
0xc7: {  	s4 =	sand.u32 $0x4000, s31;
	s1 =	sadd.s32 s1, s30  }
0xc8: {  	s0 =	sor.u32 s4, s0;
	s1 =	sshll.u32 s1, $0x11  }
0xc9: {  	s0 =	sor.u32 s1, s0  }
0xca: {  	s0 =	sadd.s32 $0x8F2B, s0  }
0xcb: {  	[sflag:s0] =	ssyncadd.remote.s32 $0x1  }
0xcc: {  	_ =	sfence.sel $0xFFFF  }
0xcd: {  	[dreg:$0x0] =	wrdreg $0xFFFFFFFF;
	(pc) =	sbr.abs _section_cstart, $3  }
0xce: {  	[dreg:$0x1] =	wrdreg $0xFFFFFFFF  }
0xcf: {  	_ =	task.clear_ibuf [dreg:s22], $0x2FFFF;
	_ =	strace $0x9FFFFFFF  }
0xd0: {  	(tm) =	ssettm $0x7FFFFFFF  }
0xd1: {  	_ =	shalt  }
tec
execute0_lowered:
.L_overlay_start_1:
0x0: {  	(tag) =	ssettag $0x1  }
0x1: {  	s9 =	rddreg [dreg:$0x0]  }
0x2: {  	s0 =	rddreg [dreg:$0x1]  }
0x3: {  	s1 =	simm.s32 $0x0;
	s10 =	srdreg.scid;
	s5 =	stileid.u32  }
0x4: {  	s15 =	simm.s32 $0x2;
	s16 =	simm.s32 $0x80;
	s17 =	simm.s32 $0x1000  }
0x5: {  	s18 =	simm.s32 $0x5000;
	s19 =	simm.s32 $0x9000;
	s20 =	simm.s32 $0x1  }
0x6: {  	[smem:$0x7FF] =	sst s1;
	s2 =	sadd.s32 $0x9400, s9;
	s3 =	sadd.s32 $0x623C00, s9  }
0x7: {  	s21 =	simm.s32 $0x0;
	s4 =	sadd.s32 $0x7AA600, s9;
	s6 =	sadd.s32 $0x18FE00, s9  }
0x8: {  	s7 =	sadd.s32 $0x316800, s9;
	s8 =	sadd.s32 $0x49D200, s9;
	s10 =	sand.u32 $0x1, s10  }
0x9: {  	s11 =	sshll.u32 s5, $0x9;
	s13 =	smul.u32 $0xA000, s5;
	_ =	strace $0x80000053  }
0xa: {  	s12 =	sshll.u32 s10, $0x8;
	s30 =	ssub.s32 $0x2, s10;
	s10 =	smul.u32 $0x5000, s10  }
0xb: {  	s11 =	sor.u32 s12, s11;
	s13 =	sadd.s32 s13, s9;
	s31 =	sshrl.u32 s30, $0x1  }
0xc: {  	s11 =	sadd.s32 s11, s9;
	s12 =	ssub.s32 s30, s31;
	s14 =	sadd.s32 s10, s13  }
0xd: {  	s9 =	sadd.s32 $0xA7F000, s11;
	s10 =	sadd.s32 $0xA7D000, s11;
	s11 =	smax.u32 s12, $0x1  }
0xe: {  	s12 =	sadd.s32 $0x1021000, s14;
	s13 =	sadd.s32 $0x10C1000, s14;
	s14 =	sadd.s32 $0x1161000, s14  }
.LBB2_1:
0xf: {  	[tilespmem:s1], [sflag:$0x2] =	stream.linear.gather [hbm4b:s9+s1], $0x500, $0x38;
	[tilespmem:$0xD000] =	vst v63  }
0x10: {  	_ =	swait.ge [sflag:s15], $0x500  }
0x11: {  	[sflag:s15] =	ssyncset.done $0x0  }
0x12: {  	s22 =	simm.s32 $0x800;
	[sflag:s15] =	ssyncadd.s32 $0xFFFFFB00  }
0x13: {  	[tilespmem:s22], [sflag:$0x2] =	stream.linear.gather [hbm4b:s10+s1], $0x500, $0x38;
	[tilespmem:$0xD000] =	vst v63  }
0x14: {  	_ =	swait.ge [sflag:s15], $0x500  }
0x15: {  	[sflag:s15] =	ssyncset.done $0x0  }
0x16: {  	[sflag:s15] =	ssyncadd.s32 $0xFFFFFB00  }
0x17: {  	[tilespmem:s17], [sflag:$0x1] =	stream.indirect.gather [hbm4b:s2+s16], $0x80, s1, s16, $0xb8;
	[tilespmem:$0xD000] =	vst v63  }
0x18: {  	_ = 	snop  }
0x19: {  	[tilespmem:s18], [sflag:$0x1] =	stream.indirect.gather [hbm4b:s3+s16], $0x80, s1, s16, $0xb8;
	[tilespmem:$0xD000] =	vst v63  }
0x1a: {  	_ = 	snop  }
0x1b: {  	[tilespmem:s19], [sflag:$0x1] =	stream.indirect.gather [hbm4b:s4+s16], $0x80, s1, s16, $0xb8;
	[tilespmem:$0xD000] =	vst v63  }
0x1c: {  	_ =	swait.ge [sflag:s20], $0x4000  }
0x1d: {  	[sflag:s20] =	ssyncset.done $0x0  }
0x1e: {  	[sflag:s20] =	ssyncadd.s32 $0xFFFFC000  }
0x1f: {  	_ =	swait.ge [sflag:s20], $0x4000  }
0x20: {  	[sflag:s20] =	ssyncset.done $0x0  }
0x21: {  	[sflag:s20] =	ssyncadd.s32 $0xFFFFC000  }
0x22: {  	_ =	swait.ge [sflag:s20], $0x4000  }
0x23: {  	[sflag:s20] =	ssyncset.done $0x0  }
0x24: {  	[sflag:s20] =	ssyncadd.s32 $0xFFFFC000  }
0x25: {  	[tilespmem:s17], [sflag:$0x1] =	stream.indirect.gather.add.f32 [hbm:s6], $0x80, s22, s16, $0xb8;
	[tilespmem:$0xD000] =	vst v63  }
0x26: {  	_ = 	snop  }
0x27: {  	[tilespmem:s18], [sflag:$0x1] =	stream.indirect.gather.add.f32 [hbm:s7], $0x80, s22, s16, $0xb8;
	[tilespmem:$0xD000] =	vst v63  }
0x28: {  	_ = 	snop  }
0x29: {  	[tilespmem:s19], [sflag:$0x1] =	stream.indirect.gather.add.f32 [hbm:s8], $0x80, s22, s16, $0xb8;
	[tilespmem:$0xD000] =	vst v63  }
0x2a: {  	_ =	swait.ge [sflag:s20], $0x4000  }
0x2b: {  	[sflag:s20] =	ssyncset.done $0x0  }
0x2c: {  	[sflag:s20] =	ssyncadd.s32 $0xFFFFC000  }
0x2d: {  	_ =	swait.ge [sflag:s20], $0x4000  }
0x2e: {  	[sflag:s20] =	ssyncset.done $0x0  }
0x2f: {  	[sflag:s20] =	ssyncadd.s32 $0xFFFFC000  }
0x30: {  	_ =	swait.ge [sflag:s20], $0x4000  }
0x31: {  	[sflag:s20] =	ssyncset.done $0x0  }
0x32: {  	s23 =	sadd.s32 $0x0, s12;
	[sflag:s20] =	ssyncadd.s32 $0xFFFFC000  }
0x33: {  	[hbm4b:s23+s1] =	stream.linear.scatter [tilespmem:s17], [sflag:$0x2], $0x4000, $0x38;
	[tilespmem:$0xD000] =	vst v63  }
0x34: {  	_ =	swait.ge [sflag:s15], $0x4000  }
0x35: {  	[sflag:s15] =	ssyncset.done $0x0  }
0x36: {  	s30 =	sadd.s32 $0x0, s13;
	[sflag:s15] =	ssyncadd.s32 $0xFFFFC000  }
0x37: {  	[hbm4b:s30+s1] =	stream.linear.scatter [tilespmem:s18], [sflag:$0x2], $0x4000, $0x38;
	[tilespmem:$0xD000] =	vst v63  }
0x38: {  	_ =	swait.ge [sflag:s15], $0x4000  }
0x39: {  	[sflag:s15] =	ssyncset.done $0x0  }
0x3a: {  	s31 =	sadd.s32 $0x0, s14;
	[sflag:s15] =	ssyncadd.s32 $0xFFFFC000  }
0x3b: {  	[hbm4b:s31+s1] =	stream.linear.scatter [tilespmem:s19], [sflag:$0x2], $0x4000, $0x38;
	[tilespmem:$0xD000] =	vst v63  }
0x3c: {  	_ =	swait.ge [sflag:s15], $0x4000  }
0x3d: {  	s24 =	simm.s32 $0x0;
	s23 =	simm.s32 $0x800;
	[sflag:s15] =	ssyncset.done $0x0  }
.LBB2_2:
0x3e: {  	[sflag:s15] =	ssyncadd.s32 $0xFFFFC000;
	s24 =	sadd.s32 $0x80, s24;
	s22 =	sadd.s32 $0x80, s22  }
0x3f: {  	[tilespmem:s17], [sflag:$0x1] =	stream.indirect.gather [hbm4b:s2+s16], $0x80, s24, s16, $0xb8;
	[tilespmem:$0xD000] =	vst v63  }
0x40: {  	p0 =	sne.s32 s23, $0x4800;
	s25 =	smov.u32 s23;
	s23 =	sadd.s32 $0x800, s23  }
0x41: {  	[tilespmem:s18], [sflag:$0x1] =	stream.indirect.gather [hbm4b:s3+s16], $0x80, s24, s16, $0xb8;
	[tilespmem:$0xD000] =	vst v63  }
0x42: {  	_ = 	snop  }
0x43: {  	[tilespmem:s19], [sflag:$0x1] =	stream.indirect.gather [hbm4b:s4+s16], $0x80, s24, s16, $0xb8;
	[tilespmem:$0xD000] =	vst v63  }
0x44: {  	_ =	swait.ge [sflag:s20], $0x4000  }
0x45: {  	[sflag:s20] =	ssyncset.done $0x0  }
0x46: {  	[sflag:s20] =	ssyncadd.s32 $0xFFFFC000  }
0x47: {  	_ =	swait.ge [sflag:s20], $0x4000  }
0x48: {  	[sflag:s20] =	ssyncset.done $0x0  }
0x49: {  	[sflag:s20] =	ssyncadd.s32 $0xFFFFC000  }
0x4a: {  	_ =	swait.ge [sflag:s20], $0x4000  }
0x4b: {  	[sflag:s20] =	ssyncset.done $0x0  }
0x4c: {  	[sflag:s20] =	ssyncadd.s32 $0xFFFFC000  }
0x4d: {  	[tilespmem:s17], [sflag:$0x1] =	stream.indirect.gather.add.f32 [hbm:s6], $0x80, s22, s16, $0xb8;
	[tilespmem:$0xD000] =	vst v63  }
0x4e: {  	_ = 	snop  }
0x4f: {  	[tilespmem:s18], [sflag:$0x1] =	stream.indirect.gather.add.f32 [hbm:s7], $0x80, s22, s16, $0xb8;
	[tilespmem:$0xD000] =	vst v63  }
0x50: {  	_ = 	snop  }
0x51: {  	[tilespmem:s19], [sflag:$0x1] =	stream.indirect.gather.add.f32 [hbm:s8], $0x80, s22, s16, $0xb8;
	[tilespmem:$0xD000] =	vst v63  }
0x52: {  	_ =	swait.ge [sflag:s20], $0x4000  }
0x53: {  	[sflag:s20] =	ssyncset.done $0x0  }
0x54: {  	[sflag:s20] =	ssyncadd.s32 $0xFFFFC000  }
0x55: {  	_ =	swait.ge [sflag:s20], $0x4000  }
0x56: {  	[sflag:s20] =	ssyncset.done $0x0  }
0x57: {  	[sflag:s20] =	ssyncadd.s32 $0xFFFFC000  }
0x58: {  	_ =	swait.ge [sflag:s20], $0x4000  }
0x59: {  	[sflag:s20] =	ssyncset.done $0x0  }
0x5a: {  	s26 =	sadd.s32 s25, s12;
	[sflag:s20] =	ssyncadd.s32 $0xFFFFC000  }
0x5b: {  	[hbm4b:s26+s1] =	stream.linear.scatter [tilespmem:s17], [sflag:$0x2], $0x4000, $0x38;
	[tilespmem:$0xD000] =	vst v63  }
0x5c: {  	_ =	swait.ge [sflag:s15], $0x4000  }
0x5d: {  	[sflag:s15] =	ssyncset.done $0x0  }
0x5e: {  	s26 =	sadd.s32 s25, s13;
	[sflag:s15] =	ssyncadd.s32 $0xFFFFC000  }
0x5f: {  	[hbm4b:s26+s1] =	stream.linear.scatter [tilespmem:s18], [sflag:$0x2], $0x4000, $0x38;
	[tilespmem:$0xD000] =	vst v63  }
0x60: {  	_ =	swait.ge [sflag:s15], $0x4000  }
.Ltmp0:
0x61: {  	[sflag:s15] =	ssyncset.done $0x0;
	(pc) =	sbr.rel @p0 .LBB2_2-.Ltmp0, $4  }
0x62: {  	s25 =	sadd.s32 s25, s14;
	[sflag:s15] =	ssyncadd.s32 $0xFFFFC000  }
0x63: {  	[hbm4b:s25+s1] =	stream.linear.scatter [tilespmem:s19], [sflag:$0x2], $0x4000, $0x38;
	[tilespmem:$0xD000] =	vst v63  }
0x64: {  	_ =	swait.ge [sflag:s15], $0x4000  }
0x65: {  	[sflag:s15] =	ssyncset.done $0x0  }
0x66: {  	s21 =	sadd.s32 $0x1, s21  }
0x67: {  	p0 =	sne.s32 s21, s11  }
.Ltmp1:
0x68: {  	_ = 	snop;
	(pc) =	sbr.rel @p0 .LBB2_1-.Ltmp1, $2  }
0x69: {  	_ =	sdelay $0x2  }
0x6a: {  	[sflag:s15] =	ssyncadd.s32 $0xFFFFC000  }
0x6b: {  	_ =	sfence.sel $0x180000  }
0x6c: {  	[bflag:$0x0] =	sbarrier.arrive $0xFFFF  }
0x6d: {  	p0 =	sne.s32 s5, $0x0;
	_ =	strace $0x90000053  }
0x6e: {  	s0 =	sadd.s32 @!p0 $0x100000, s0;
	[bflag:$0x2] =	sbarrier.arrive $0xFFFF  }
0x6f: {  	[sflag:s0] =	ssyncadd.tile.s32 @!p0 $0x1;
	_ =	shalt  }
.Lfunc_end2:
_tile_overlayer_lowered:
.L_overlay_start_2:
0x70: {  	(tag) =	ssettag $0x2  }
0x71: {  	s0 =	rddreg [dreg:$0x0];
	s2 =	stileid.u32  }
0x72: {  	s1 =	rddreg [dreg:$0x1];
	p0 =	sne.s32 s2, $0x0  }
0x73: {  	s3 =	rddreg [dreg:$0x2];
	[bflag:$0x3] =	sbarrier.arrive $0xFFFF;
	s2 =	simm.s32 @!p0 $0x1C02  }
0x74: {  	[timem:s3], [sflag:s2] =	dma.local @!p0 [hbm:s0], s1  }
0x75: {  	s0 =	simm.s32 @!p0 $0x2  }
0x76: {  	_ =	swait.ge @!p0 [sflag:s0], s1  }
0x77: {  	s1 =	ssub.s32 @!p0 $0x0, s1;
	[sflag:s0] =	ssyncset.done @!p0 $0x0  }
0x78: {  	[sflag:s0] =	ssyncadd.s32 @!p0 s1  }
0x79: {  	[bflag:$0x3] =	sbarrier.arrive $0xFFFF  }
0x7a: {  	_ =	shalt  }

</sc_bundles>
